<compile_context>
chip_gen: v7x
topology: tpu7x:2x2x1
jax: 0.10.2.dev20260603
libtpu: 0.0.44.dev20260713+nightly
codegen_flags: <defaults>
</compile_context>

<pallas_src>
import functools

import jax
import jax.numpy as jnp
from jax import lax
from jax.experimental import pallas as pl
from jax.experimental.pallas import tpu as pltpu
from jax.experimental.pallas import tpu_sc as plsc

N = 10000
E = 320000
D = 128
NC = 2
NS = 16
EPT = E // NS
CHUNK = 128
NCH = EPT // CHUNK + 1
EPAD = NCH * CHUNK
RBLK = 1000
GRID = N // RBLK
HPAD = ((N + 1 + 15) // 16) * 16


_sc_mesh = plsc.VectorSubcoreMesh(core_axis_name="c", subcore_axis_name="s")


SLAB = 19968

@functools.partial(
    pl.kernel,
    out_type=jax.ShapeDtypeStruct((NC, NS, HPAD), jnp.float32),
    mesh=_sc_mesh,
    scratch_types=[
        pltpu.VMEM((SLAB,), jnp.int32),
        pltpu.VMEM((HPAD,), jnp.float32),
    ],
    compiler_params=pltpu.CompilerParams(needs_layout_passes=False),
)
def _sc_degree(e0_hbm, e1_hbm, hist_hbm, col_v, hist_v):
    c = lax.axis_index("c")
    s = lax.axis_index("s")
    base = pl.multiple_of(s * SLAB, 128)

    @pl.when(c == 0)
    def _():
        pltpu.sync_copy(e0_hbm.at[pl.ds(base, SLAB)], col_v)

    @pl.when(c == 1)
    def _():
        pltpu.sync_copy(e1_hbm.at[pl.ds(base, SLAB)], col_v)

    zeros16 = jnp.zeros((16,), jnp.float32)

    def zbody(i, _):
        hist_v[pl.ds(i * 16, 16)] = zeros16
        return ()

    lax.fori_loop(0, HPAD // 16, zbody, (), unroll=8)

    ones16 = jnp.ones((16,), jnp.float32)

    def hbody(i, _):
        idx = col_v[pl.ds(i * 16, 16)]
        plsc.addupdate_scatter(hist_v, [idx], ones16)
        return ()

    lax.fori_loop(0, SLAB // 16, hbody, (), unroll=8)

    @pl.when(s < 4)
    def _():
        xb = pl.multiple_of(NS * SLAB + s * CHUNK, 128)

        @pl.when(c == 0)
        def _():
            pltpu.sync_copy(e0_hbm.at[pl.ds(xb, CHUNK)],
                            col_v.at[pl.ds(0, CHUNK)])

        @pl.when(c == 1)
        def _():
            pltpu.sync_copy(e1_hbm.at[pl.ds(xb, CHUNK)],
                            col_v.at[pl.ds(0, CHUNK)])

        def xbody(i, _):
            idx = col_v[pl.ds(i * 16, 16)]
            plsc.addupdate_scatter(hist_v, [idx], ones16)
            return ()

        lax.fori_loop(0, CHUNK // 16, xbody, ())

    pltpu.sync_copy(hist_v, hist_hbm.at[c, s])


@functools.partial(
    pl.kernel,
    out_type=jax.ShapeDtypeStruct((NC, N, D), jnp.float32),
    mesh=_sc_mesh,
    scratch_types=[
        pltpu.VMEM((2, 2, CHUNK), jnp.int32),
        pltpu.VMEM((2, 2, CHUNK), jnp.int32),
        pltpu.VMEM((CHUNK, D), jnp.float32),
        pltpu.VMEM((CHUNK, D), jnp.float32),
        pltpu.VMEM_SHARED((N + 8, D), jnp.float32),
        pltpu.SemaphoreType.DMA,
        pltpu.SemaphoreType.DMA,
        pltpu.SemaphoreType.DMA,
        pltpu.SemaphoreType.DMA,
    ],
)
def _sc_scatter(g_hbm, idx_hbm, acc_hbm,
                ibufa, ibufb, buf0, buf1, acc_sh, semia, semib, semg0, semg1):
    c = lax.axis_index("c")
    s = lax.axis_index("s")
    gflat = g_hbm.at[c]
    myidx = idx_hbm.at[c, s]

    def idx_pair(j):
        return myidx.at[pl.ds(j, 2)]

    @pl.when(s < NS - 1)
    def _():
        pltpu.sync_copy(gflat.at[pl.ds(s * 640, 640)],
                        acc_sh.at[pl.ds(s * 640, 640)])

    @pl.when(s == NS - 1)
    def _():
        pltpu.sync_copy(gflat.at[pl.ds(9600, 400)],
                        acc_sh.at[pl.ds(9600, 400)])

    plsc.subcore_barrier()

    pltpu.sync_copy(idx_pair(0), ibufa)
    pltpu.async_copy(idx_pair(2), ibufb, semib)
    pltpu.async_copy(gflat.at[ibufa.at[0, 0]], buf0, semg0)

    def body(kk, _):
        j0 = 4 * kk
        pltpu.make_async_copy(gflat.at[ibufa.at[0, 0]], buf0, semg0).wait()
        pltpu.async_copy(gflat.at[ibufa.at[1, 0]], buf1, semg1)
        pltpu.sync_copy(buf0, acc_sh.at[ibufa.at[0, 1]], add=True)
        pltpu.make_async_copy(idx_pair(j0 + 2), ibufb, semib).wait()
        pltpu.make_async_copy(gflat.at[ibufa.at[1, 0]], buf1, semg1).wait()
        pltpu.async_copy(gflat.at[ibufb.at[0, 0]], buf0, semg0)
        pltpu.sync_copy(buf1, acc_sh.at[ibufa.at[1, 1]], add=True)
        pltpu.async_copy(idx_pair(j0 + 4), ibufa, semia)
        pltpu.make_async_copy(gflat.at[ibufb.at[0, 0]], buf0, semg0).wait()
        pltpu.async_copy(gflat.at[ibufb.at[1, 0]], buf1, semg1)
        pltpu.sync_copy(buf0, acc_sh.at[ibufb.at[0, 1]], add=True)
        pltpu.make_async_copy(idx_pair(j0 + 4), ibufa, semia).wait()
        pltpu.make_async_copy(gflat.at[ibufb.at[1, 0]], buf1, semg1).wait()
        pltpu.async_copy(gflat.at[ibufa.at[0, 0]], buf0, semg0)
        pltpu.sync_copy(buf1, acc_sh.at[ibufb.at[1, 1]], add=True)
        pltpu.async_copy(idx_pair(j0 + 6), ibufb, semib)
        return ()

    lax.fori_loop(0, (NCH - 5) // 4, body, ())

    pltpu.make_async_copy(gflat.at[ibufa.at[0, 0]], buf0, semg0).wait()
    pltpu.async_copy(gflat.at[ibufa.at[1, 0]], buf1, semg1)
    pltpu.sync_copy(buf0, acc_sh.at[ibufa.at[0, 1]], add=True)
    pltpu.make_async_copy(idx_pair(NCH - 3), ibufb, semib).wait()
    pltpu.make_async_copy(gflat.at[ibufa.at[1, 0]], buf1, semg1).wait()
    pltpu.async_copy(gflat.at[ibufb.at[0, 0]], buf0, semg0)
    pltpu.sync_copy(buf1, acc_sh.at[ibufa.at[1, 1]], add=True)
    pltpu.sync_copy(myidx.at[NCH - 1], ibufa.at[0])
    pltpu.make_async_copy(gflat.at[ibufb.at[0, 0]], buf0, semg0).wait()
    pltpu.async_copy(gflat.at[ibufb.at[1, 0]], buf1, semg1)
    pltpu.sync_copy(buf0, acc_sh.at[ibufb.at[0, 1]], add=True)
    pltpu.async_copy(gflat.at[ibufa.at[0, 0]], buf0, semg0)
    pltpu.make_async_copy(gflat.at[ibufb.at[1, 0]], buf1, semg1).wait()
    pltpu.sync_copy(buf1, acc_sh.at[ibufb.at[1, 1]], add=True)
    pltpu.make_async_copy(gflat.at[ibufa.at[0, 0]], buf0, semg0).wait()
    pltpu.sync_copy(buf0, acc_sh.at[ibufa.at[0, 1]], add=True)

    plsc.subcore_barrier()

    @pl.when(s < NS - 1)
    def _():
        pltpu.sync_copy(acc_sh.at[pl.ds(s * 640, 640)],
                        acc_hbm.at[c].at[pl.ds(s * 640, 640)])

    @pl.when(s == NS - 1)
    def _():
        pltpu.sync_copy(acc_sh.at[pl.ds(9600, 400)],
                        acc_hbm.at[c].at[pl.ds(9600, 400)])


def _tc_dinv_body(hist_ref, dinv_ref):
    deg = jnp.sum(hist_ref[...], axis=1) + 1.0
    dinv_ref[...] = lax.rsqrt(deg)[:, :N, None]


_tc_dinv = pl.pallas_call(
    _tc_dinv_body,
    out_shape=jax.ShapeDtypeStruct((NC, N, 1), jnp.float32),
)


def _tc_layer1_body(x_ref, w0_ref, w1_ref, dinv_ref, g_ref):
    dinv = dinv_ref[...]
    xb = x_ref[...]
    h0 = jnp.dot(xb, w0_ref[...], preferred_element_type=jnp.float32)
    h1 = jnp.dot(xb, w1_ref[...], preferred_element_type=jnp.float32)
    g_ref[0] = h0 * dinv[0]
    g_ref[1] = h1 * dinv[1]


def _tc_layer2_body(acc_ref, dinv_ref, b1_ref, w0_ref, w1_ref, g_ref):
    dinv = dinv_ref[...]
    h = jax.nn.relu(acc_ref[0] * dinv[0] + b1_ref[0]
                    + acc_ref[1] * dinv[1] + b1_ref[1])
    h0 = jnp.dot(h, w0_ref[...], preferred_element_type=jnp.float32)
    h1 = jnp.dot(h, w1_ref[...], preferred_element_type=jnp.float32)
    g_ref[0] = h0 * dinv[0]
    g_ref[1] = h1 * dinv[1]


def _tc_final_body(acc_ref, dinv_ref, b2_ref, out_ref):
    dinv = dinv_ref[...]
    out_ref[...] = (acc_ref[0] * dinv[0] + b2_ref[0]
                    + acc_ref[1] * dinv[1] + b2_ref[1])


_w_spec = pl.BlockSpec((D, D), lambda i: (0, 0))
_b_spec = pl.BlockSpec((NC, 1, D), lambda i: (0, 0, 0))
_g_spec = pl.BlockSpec((NC, RBLK, D), lambda i: (0, i, 0))
_dinv_spec = pl.BlockSpec((NC, RBLK, 1), lambda i: (0, i, 0))
_x_spec = pl.BlockSpec((RBLK, D), lambda i: (i, 0))

_tc_layer1 = pl.pallas_call(
    _tc_layer1_body,
    grid=(GRID,),
    in_specs=[_x_spec, _w_spec, _w_spec, _dinv_spec],
    out_specs=_g_spec,
    out_shape=jax.ShapeDtypeStruct((NC, N, D), jnp.float32),
)

_tc_layer2 = pl.pallas_call(
    _tc_layer2_body,
    grid=(GRID,),
    in_specs=[_g_spec, _dinv_spec, _b_spec, _w_spec, _w_spec],
    out_specs=_g_spec,
    out_shape=jax.ShapeDtypeStruct((NC, N, D), jnp.float32),
)

_tc_final = pl.pallas_call(
    _tc_final_body,
    grid=(GRID,),
    in_specs=[_g_spec, _dinv_spec, _b_spec],
    out_specs=_x_spec,
    out_shape=jax.ShapeDtypeStruct((N, D), jnp.float32),
)


def _prep_indices(ei):
    r = ei[0].astype(jnp.int32).reshape(NS, EPT)
    c = ei[1].astype(jnp.int32).reshape(NS, EPT)
    pad = ((0, 0), (0, EPAD - EPT))
    r = jnp.pad(r, pad, constant_values=0).reshape(NS, NCH, CHUNK)
    c = jnp.pad(c, pad, constant_values=N).reshape(NS, NCH, CHUNK)
    return jnp.stack([r, c], axis=2)


@jax.jit
def kernel(x, edge_index_0, edge_index_1,
           W1_0, b1_0, W1_1, b1_1, W2_0, b2_0, W2_1, b2_1):
    hist = _sc_degree(edge_index_0[1].astype(jnp.int32),
                      edge_index_1[1].astype(jnp.int32))

    idx = jnp.stack([_prep_indices(edge_index_0),
                     _prep_indices(edge_index_1)])
    b1 = jnp.stack([b1_0, b1_1]).reshape(NC, 1, D)
    b2 = jnp.stack([b2_0, b2_1]).reshape(NC, 1, D)

    dinv = _tc_dinv(hist)
    g1 = _tc_layer1(x, W1_0, W1_1, dinv)
    acc1 = _sc_scatter(g1, idx)
    g2 = _tc_layer2(acc1, dinv, b1, W2_0, W2_1)
    acc2 = _sc_scatter(g2, idx)
    return _tc_final(acc2, dinv, b2)

# --- scband reference (transcript-rebuilt; emitter-appended) ---
"""Pipeline reference for scband-rgcn-47064251629674 (READ-ONLY COPY).

The authoritative reference and input builder live on the scoring server;
editing this copy changes nothing except your own understanding.
"""

import jax, jax.numpy as jnp
import numpy as np

N = 10000
E = 320000
D_IN = 128
D_H = 128
D_OUT = 128


def _gcn_conv(x, edge_index, W, b):
    # Faithful PyG GCNConv: add self-loops, symmetric normalization,
    # message = norm * (x @ W)[src], scatter-add to dst, add bias.
    n = x.shape[0]
    loops = jnp.arange(n, dtype=edge_index.dtype)
    row = jnp.concatenate([edge_index[0], loops])  # src
    col = jnp.concatenate([edge_index[1], loops])  # dst
    deg = jnp.zeros((n,), dtype=x.dtype).at[col].add(1.0)
    deg_inv_sqrt = jnp.where(deg > 0, 1.0 / jnp.sqrt(deg), 0.0)
    norm = deg_inv_sqrt[row] * deg_inv_sqrt[col]
    h = x @ W
    msg = h[row] * norm[:, None]
    out = jnp.zeros((n, W.shape[1]), dtype=x.dtype).at[col].add(msg)
    return out + b


def setup_inputs(seed: int = 0) -> dict:
    key = jax.random.key(seed)
    ks = jax.random.split(key, 12)
    x = jax.random.normal(ks[0], (N, D_IN), dtype=jnp.float32)
    edge_index_0 = jax.random.randint(ks[1], (2, E), 0, N, dtype=jnp.int64)
    edge_index_1 = jax.random.randint(ks[2], (2, E), 0, N, dtype=jnp.int64)
    s1 = 1.0 / np.sqrt(D_IN)
    s2 = 1.0 / np.sqrt(D_H)
    W1_0 = jax.random.normal(ks[3], (D_IN, D_H), dtype=jnp.float32) * s1
    b1_0 = jnp.zeros((D_H,), dtype=jnp.float32)
    W1_1 = jax.random.normal(ks[4], (D_IN, D_H), dtype=jnp.float32) * s1
    b1_1 = jnp.zeros((D_H,), dtype=jnp.float32)
    W2_0 = jax.random.normal(ks[5], (D_H, D_OUT), dtype=jnp.float32) * s2
    b2_0 = jnp.zeros((D_OUT,), dtype=jnp.float32)
    W2_1 = jax.random.normal(ks[6], (D_H, D_OUT), dtype=jnp.float32) * s2
    b2_1 = jnp.zeros((D_OUT,), dtype=jnp.float32)
    return {
        "x": x,
        "edge_index_0": edge_index_0,
        "edge_index_1": edge_index_1,
        "W1_0": W1_0, "b1_0": b1_0,
        "W1_1": W1_1, "b1_1": b1_1,
        "W2_0": W2_0, "b2_0": b2_0,
        "W2_1": W2_1, "b2_1": b2_1,
    }


def reference(x, edge_index_0, edge_index_1, W1_0, b1_0, W1_1, b1_1, W2_0, b2_0, W2_1, b2_1):
    # RGCN_layer 1: sum of L=2 GCNConv outputs over rewiring graphs
    h = _gcn_conv(x, edge_index_0, W1_0, b1_0) + _gcn_conv(x, edge_index_1, W1_1, b1_1)
    h = jax.nn.relu(h)
    # RGCN_layer 2
    out = _gcn_conv(h, edge_index_0, W2_0, b2_0) + _gcn_conv(h, edge_index_1, W2_1, b2_1)
    return out

if __name__ == "__main__":
    import jax
    _d = setup_inputs()
    print(jax.jit(kernel)(*tuple(_d.values())))

</pallas_src>

<mosaic_0001>
#map = affine_map<(d0, d1) -> (0, 0, 0)>
#map1 = affine_map<(d0, d1) -> (0, 0, 0, 0, 0)>
module attributes {stable_mosaic.version = 14 : i64} {
  func.func @_sc_scatter(%arg0: i32, %arg1: i32, %arg2: memref<2x10000x128xf32, #tpu.memory_space<hbm>>, %arg3: memref<2x16x157x2x128xi32, #tpu.memory_space<hbm>>, %arg4: memref<2x10000x128xf32, #tpu.memory_space<hbm>>, %arg5: memref<2x2x128xi32, #tpu.memory_space<vmem>>, %arg6: memref<2x2x128xi32, #tpu.memory_space<vmem>>, %arg7: memref<128x128xf32, #tpu.memory_space<vmem>>, %arg8: memref<128x128xf32, #tpu.memory_space<vmem>>, %arg9: memref<10008x128xf32, #tpu.memory_space<vmem_shared>>, %arg10: memref<!tpu.dma_semaphore, #tpu.memory_space<semaphore_mem>>, %arg11: memref<!tpu.dma_semaphore, #tpu.memory_space<semaphore_mem>>, %arg12: memref<!tpu.dma_semaphore, #tpu.memory_space<semaphore_mem>>, %arg13: memref<!tpu.dma_semaphore, #tpu.memory_space<semaphore_mem>>) attributes {dimension_semantics = [#tpu.dimension_semantics<core_parallel>, #tpu.dimension_semantics<subcore_parallel>], iteration_bounds = array<i64: 2, 16>, scalar_prefetch = 0 : i64, scratch_operands = 9 : i64, tpu.core_type = #tpu.core_type<sc_vector_subcore>, window_params = [{transform_indices = #map}, {transform_indices = #map1}, {transform_indices = #map}]} {
    %lt3A = arith.constant 15 : i32
    %lt3A_0 = arith.cmpi slt, %arg1, %lt3A : i32
    %convert_element_type3A = arith.extui %lt3A_0 : i1 to i32
    %cond3A = arith.constant 0 : i32
    %cond3A_1 = arith.cmpi ne, %convert_element_type3A, %cond3A : i32
    scf.if %cond3A_1 {
      %mul3A = arith.constant 640 : i32
      %mul3A_186 = arith.muli %arg1, %mul3A : i32
      %mul3A_187 = arith.constant 640 : i32
      %mul3A_188 = arith.muli %arg1, %mul3A_187 : i32
      "tpu.region"() ({
        %run_scoped3A_189 = tpu.sem_alloc : memref<!tpu.dma_semaphore, #tpu.memory_space<semaphore_mem>>
        %dma_start3A_190 = arith.constant 0 : i32
        %dma_start3A_191 = tpu.memref_slice %arg9[%mul3A_188, %dma_start3A_190] : memref<10008x128xf32, #tpu.memory_space<vmem_shared>> -> memref<640x128xf32, #tpu.memory_space<vmem_shared>>
        %dma_start3A_192 = arith.constant 0 : i32
        %dma_start3A_193 = arith.constant 0 : i32
        %dma_start3A_194 = tpu.memref_slice %arg2[%arg0, %dma_start3A_192, %dma_start3A_193] : memref<2x10000x128xf32, #tpu.memory_space<hbm>> -> memref<1x10000x128xf32, #tpu.memory_space<hbm>>
        %dma_start3A_195 = tpu.memref_squeeze %dma_start3A_194 : memref<1x10000x128xf32, #tpu.memory_space<hbm>> -> memref<10000x128xf32, #tpu.memory_space<hbm>>
        %dma_start3A_196 = arith.constant 0 : i32
        %dma_start3A_197 = tpu.memref_slice %dma_start3A_195[%mul3A_186, %dma_start3A_196] : memref<10000x128xf32, #tpu.memory_space<hbm>> -> memref<640x128xf32, #tpu.memory_space<hbm>>
        tpu.enqueue_dma source(%dma_start3A_197 : memref<640x128xf32, #tpu.memory_space<hbm>>) target(%dma_start3A_191 : memref<640x128xf32, #tpu.memory_space<vmem_shared>>) target_semaphore(%run_scoped3A_189 : memref<!tpu.dma_semaphore, #tpu.memory_space<semaphore_mem>>)
        %dma_wait3A_198 = arith.constant 0 : i32
        %dma_wait3A_199 = tpu.memref_slice %arg9[%mul3A_188, %dma_wait3A_198] : memref<10008x128xf32, #tpu.memory_space<vmem_shared>> -> memref<640x128xf32, #tpu.memory_space<vmem_shared>>
        %dma_wait3A_200 = arith.constant 0 : i32
        %dma_wait3A_201 = arith.constant 0 : i32
        %dma_wait3A_202 = tpu.memref_slice %arg2[%arg0, %dma_wait3A_200, %dma_wait3A_201] : memref<2x10000x128xf32, #tpu.memory_space<hbm>> -> memref<1x10000x128xf32, #tpu.memory_space<hbm>>
        %dma_wait3A_203 = tpu.memref_squeeze %dma_wait3A_202 : memref<1x10000x128xf32, #tpu.memory_space<hbm>> -> memref<10000x128xf32, #tpu.memory_space<hbm>>
        %dma_wait3A_204 = arith.constant 0 : i32
        %dma_wait3A_205 = tpu.memref_slice %dma_wait3A_203[%mul3A_186, %dma_wait3A_204] : memref<10000x128xf32, #tpu.memory_space<hbm>> -> memref<640x128xf32, #tpu.memory_space<hbm>>
        tpu.wait_dma2 semaphore(%run_scoped3A_189 : memref<!tpu.dma_semaphore, #tpu.memory_space<semaphore_mem>>) src(%dma_wait3A_205 : memref<640x128xf32, #tpu.memory_space<hbm>>) dst(%dma_wait3A_199 : memref<640x128xf32, #tpu.memory_space<vmem_shared>>)
        tpu.yield
      }) : () -> ()
    } else {
    }
    %eq3A = arith.constant 15 : i32
    %eq3A_2 = arith.cmpi eq, %arg1, %eq3A : i32
    %convert_element_type3A_3 = arith.extui %eq3A_2 : i1 to i32
    %cond3A_4 = arith.constant 0 : i32
    %cond3A_5 = arith.cmpi ne, %convert_element_type3A_3, %cond3A_4 : i32
    scf.if %cond3A_5 {
      "tpu.region"() ({
        %run_scoped3A_186 = tpu.sem_alloc : memref<!tpu.dma_semaphore, #tpu.memory_space<semaphore_mem>>
        %dma_start3A_187 = arith.constant 9600 : i32
        %dma_start3A_188 = arith.constant 0 : i32
        %dma_start3A_189 = tpu.memref_slice %arg9[%dma_start3A_187, %dma_start3A_188] : memref<10008x128xf32, #tpu.memory_space<vmem_shared>> -> memref<400x128xf32, #tpu.memory_space<vmem_shared>>
        %dma_start3A_190 = arith.constant 0 : i32
        %dma_start3A_191 = arith.constant 0 : i32
        %dma_start3A_192 = tpu.memref_slice %arg2[%arg0, %dma_start3A_190, %dma_start3A_191] : memref<2x10000x128xf32, #tpu.memory_space<hbm>> -> memref<1x10000x128xf32, #tpu.memory_space<hbm>>
        %dma_start3A_193 = tpu.memref_squeeze %dma_start3A_192 : memref<1x10000x128xf32, #tpu.memory_space<hbm>> -> memref<10000x128xf32, #tpu.memory_space<hbm>>
        %dma_start3A_194 = arith.constant 9600 : i32
        %dma_start3A_195 = arith.constant 0 : i32
        %dma_start3A_196 = tpu.memref_slice %dma_start3A_193[%dma_start3A_194, %dma_start3A_195] : memref<10000x128xf32, #tpu.memory_space<hbm>> -> memref<400x128xf32, #tpu.memory_space<hbm>>
        tpu.enqueue_dma source(%dma_start3A_196 : memref<400x128xf32, #tpu.memory_space<hbm>>) target(%dma_start3A_189 : memref<400x128xf32, #tpu.memory_space<vmem_shared>>) target_semaphore(%run_scoped3A_186 : memref<!tpu.dma_semaphore, #tpu.memory_space<semaphore_mem>>)
        %dma_wait3A_197 = arith.constant 9600 : i32
        %dma_wait3A_198 = arith.constant 0 : i32
        %dma_wait3A_199 = tpu.memref_slice %arg9[%dma_wait3A_197, %dma_wait3A_198] : memref<10008x128xf32, #tpu.memory_space<vmem_shared>> -> memref<400x128xf32, #tpu.memory_space<vmem_shared>>
        %dma_wait3A_200 = arith.constant 0 : i32
        %dma_wait3A_201 = arith.constant 0 : i32
        %dma_wait3A_202 = tpu.memref_slice %arg2[%arg0, %dma_wait3A_200, %dma_wait3A_201] : memref<2x10000x128xf32, #tpu.memory_space<hbm>> -> memref<1x10000x128xf32, #tpu.memory_space<hbm>>
        %dma_wait3A_203 = tpu.memref_squeeze %dma_wait3A_202 : memref<1x10000x128xf32, #tpu.memory_space<hbm>> -> memref<10000x128xf32, #tpu.memory_space<hbm>>
        %dma_wait3A_204 = arith.constant 9600 : i32
        %dma_wait3A_205 = arith.constant 0 : i32
        %dma_wait3A_206 = tpu.memref_slice %dma_wait3A_203[%dma_wait3A_204, %dma_wait3A_205] : memref<10000x128xf32, #tpu.memory_space<hbm>> -> memref<400x128xf32, #tpu.memory_space<hbm>>
        tpu.wait_dma2 semaphore(%run_scoped3A_186 : memref<!tpu.dma_semaphore, #tpu.memory_space<semaphore_mem>>) src(%dma_wait3A_206 : memref<400x128xf32, #tpu.memory_space<hbm>>) dst(%dma_wait3A_199 : memref<400x128xf32, #tpu.memory_space<vmem_shared>>)
        tpu.yield
      }) : () -> ()
    } else {
    }
    %barrier3A = arith.constant 0 : index
    tpu.barrier barrier_id(%barrier3A)
    "tpu.region"() ({
      %run_scoped3A_186 = tpu.sem_alloc : memref<!tpu.dma_semaphore, #tpu.memory_space<semaphore_mem>>
      %dma_start3A_187 = arith.constant 0 : i32
      %dma_start3A_188 = arith.constant 0 : i32
      %dma_start3A_189 = arith.constant 0 : i32
      %dma_start3A_190 = tpu.memref_slice %arg3[%arg0, %arg1, %dma_start3A_187, %dma_start3A_188, %dma_start3A_189] : memref<2x16x157x2x128xi32, #tpu.memory_space<hbm>> -> memref<1x1x157x2x128xi32, #tpu.memory_space<hbm>>
      %dma_start3A_191 = tpu.memref_squeeze %dma_start3A_190 : memref<1x1x157x2x128xi32, #tpu.memory_space<hbm>> -> memref<157x2x128xi32, #tpu.memory_space<hbm>>
      %dma_start3A_192 = arith.constant 0 : i32
      %dma_start3A_193 = arith.constant 0 : i32
      %dma_start3A_194 = arith.constant 0 : i32
      %dma_start3A_195 = tpu.memref_slice %dma_start3A_191[%dma_start3A_192, %dma_start3A_193, %dma_start3A_194] : memref<157x2x128xi32, #tpu.memory_space<hbm>> -> memref<2x2x128xi32, #tpu.memory_space<hbm>>
      %dma_start3A_196 = arith.constant 0 : i32
      %dma_start3A_197 = arith.constant 0 : i32
      %dma_start3A_198 = arith.constant 0 : i32
      %dma_start3A_199 = tpu.memref_slice %arg3[%arg0, %arg1, %dma_start3A_196, %dma_start3A_197, %dma_start3A_198] : memref<2x16x157x2x128xi32, #tpu.memory_space<hbm>> -> memref<1x1x157x2x128xi32, #tpu.memory_space<hbm>>
      %dma_start3A_200 = tpu.memref_squeeze %dma_start3A_199 : memref<1x1x157x2x128xi32, #tpu.memory_space<hbm>> -> memref<157x2x128xi32, #tpu.memory_space<hbm>>
      %dma_start3A_201 = arith.constant 0 : i32
      %dma_start3A_202 = arith.constant 0 : i32
      %dma_start3A_203 = arith.constant 0 : i32
      %dma_start3A_204 = tpu.memref_slice %dma_start3A_200[%dma_start3A_201, %dma_start3A_202, %dma_start3A_203] : memref<157x2x128xi32, #tpu.memory_space<hbm>> -> memref<2x2x128xi32, #tpu.memory_space<hbm>>
      tpu.enqueue_dma source(%dma_start3A_204 : memref<2x2x128xi32, #tpu.memory_space<hbm>>) target(%arg5 : memref<2x2x128xi32, #tpu.memory_space<vmem>>) target_semaphore(%run_scoped3A_186 : memref<!tpu.dma_semaphore, #tpu.memory_space<semaphore_mem>>)
      %dma_wait3A_205 = arith.constant 0 : i32
      %dma_wait3A_206 = arith.constant 0 : i32
      %dma_wait3A_207 = arith.constant 0 : i32
      %dma_wait3A_208 = tpu.memref_slice %arg3[%arg0, %arg1, %dma_wait3A_205, %dma_wait3A_206, %dma_wait3A_207] : memref<2x16x157x2x128xi32, #tpu.memory_space<hbm>> -> memref<1x1x157x2x128xi32, #tpu.memory_space<hbm>>
      %dma_wait3A_209 = tpu.memref_squeeze %dma_wait3A_208 : memref<1x1x157x2x128xi32, #tpu.memory_space<hbm>> -> memref<157x2x128xi32, #tpu.memory_space<hbm>>
      %dma_wait3A_210 = arith.constant 0 : i32
      %dma_wait3A_211 = arith.constant 0 : i32
      %dma_wait3A_212 = arith.constant 0 : i32
      %dma_wait3A_213 = tpu.memref_slice %dma_wait3A_209[%dma_wait3A_210, %dma_wait3A_211, %dma_wait3A_212] : memref<157x2x128xi32, #tpu.memory_space<hbm>> -> memref<2x2x128xi32, #tpu.memory_space<hbm>>
      %dma_wait3A_214 = arith.constant 0 : i32
      %dma_wait3A_215 = arith.constant 0 : i32
      %dma_wait3A_216 = arith.constant 0 : i32
      %dma_wait3A_217 = tpu.memref_slice %arg3[%arg0, %arg1, %dma_wait3A_214, %dma_wait3A_215, %dma_wait3A_216] : memref<2x16x157x2x128xi32, #tpu.memory_space<hbm>> -> memref<1x1x157x2x128xi32, #tpu.memory_space<hbm>>
      %dma_wait3A_218 = tpu.memref_squeeze %dma_wait3A_217 : memref<1x1x157x2x128xi32, #tpu.memory_space<hbm>> -> memref<157x2x128xi32, #tpu.memory_space<hbm>>
      %dma_wait3A_219 = arith.constant 0 : i32
      %dma_wait3A_220 = arith.constant 0 : i32
      %dma_wait3A_221 = arith.constant 0 : i32
      %dma_wait3A_222 = tpu.memref_slice %dma_wait3A_218[%dma_wait3A_219, %dma_wait3A_220, %dma_wait3A_221] : memref<157x2x128xi32, #tpu.memory_space<hbm>> -> memref<2x2x128xi32, #tpu.memory_space<hbm>>
      tpu.wait_dma2 semaphore(%run_scoped3A_186 : memref<!tpu.dma_semaphore, #tpu.memory_space<semaphore_mem>>) src(%dma_wait3A_222 : memref<2x2x128xi32, #tpu.memory_space<hbm>>) dst(%arg5 : memref<2x2x128xi32, #tpu.memory_space<vmem>>)
      tpu.yield
    }) : () -> ()
    %dma_start3A = arith.constant 0 : i32
    %dma_start3A_6 = arith.constant 0 : i32
    %dma_start3A_7 = arith.constant 0 : i32
    %dma_start3A_8 = tpu.memref_slice %arg3[%arg0, %arg1, %dma_start3A, %dma_start3A_6, %dma_start3A_7] : memref<2x16x157x2x128xi32, #tpu.memory_space<hbm>> -> memref<1x1x157x2x128xi32, #tpu.memory_space<hbm>>
    %dma_start3A_9 = tpu.memref_squeeze %dma_start3A_8 : memref<1x1x157x2x128xi32, #tpu.memory_space<hbm>> -> memref<157x2x128xi32, #tpu.memory_space<hbm>>
    %dma_start3A_10 = arith.constant 2 : i32
    %dma_start3A_11 = arith.constant 0 : i32
    %dma_start3A_12 = arith.constant 0 : i32
    %dma_start3A_13 = tpu.memref_slice %dma_start3A_9[%dma_start3A_10, %dma_start3A_11, %dma_start3A_12] : memref<157x2x128xi32, #tpu.memory_space<hbm>> -> memref<2x2x128xi32, #tpu.memory_space<hbm>>
    %dma_start3A_14 = arith.constant 0 : i32
    %dma_start3A_15 = arith.constant 0 : i32
    %dma_start3A_16 = arith.constant 0 : i32
    %dma_start3A_17 = tpu.memref_slice %arg3[%arg0, %arg1, %dma_start3A_14, %dma_start3A_15, %dma_start3A_16] : memref<2x16x157x2x128xi32, #tpu.memory_space<hbm>> -> memref<1x1x157x2x128xi32, #tpu.memory_space<hbm>>
    %dma_start3A_18 = tpu.memref_squeeze %dma_start3A_17 : memref<1x1x157x2x128xi32, #tpu.memory_space<hbm>> -> memref<157x2x128xi32, #tpu.memory_space<hbm>>
    %dma_start3A_19 = arith.constant 2 : i32
    %dma_start3A_20 = arith.constant 0 : i32
    %dma_start3A_21 = arith.constant 0 : i32
    %dma_start3A_22 = tpu.memref_slice %dma_start3A_18[%dma_start3A_19, %dma_start3A_20, %dma_start3A_21] : memref<157x2x128xi32, #tpu.memory_space<hbm>> -> memref<2x2x128xi32, #tpu.memory_space<hbm>>
    tpu.enqueue_dma source(%dma_start3A_22 : memref<2x2x128xi32, #tpu.memory_space<hbm>>) target(%arg6 : memref<2x2x128xi32, #tpu.memory_space<vmem>>) target_semaphore(%arg11 : memref<!tpu.dma_semaphore, #tpu.memory_space<semaphore_mem>>)
    %dma_start3A_23 = arith.constant 0 : i32
    %dma_start3A_24 = arith.constant 0 : i32
    %dma_start3A_25 = arith.constant 0 : i32
    %dma_start3A_26 = tpu.memref_slice %arg5[%dma_start3A_23, %dma_start3A_24, %dma_start3A_25] : memref<2x2x128xi32, #tpu.memory_space<vmem>> -> memref<1x1x128xi32, #tpu.memory_space<vmem>>
    %dma_start3A_27 = tpu.memref_squeeze %dma_start3A_26 : memref<1x1x128xi32, #tpu.memory_space<vmem>> -> memref<128xi32, #tpu.memory_space<vmem>>
    %dma_start3A_28 = arith.constant 0 : i32
    %dma_start3A_29 = arith.constant 0 : i32
    %dma_start3A_30 = tpu.memref_slice %arg2[%arg0, %dma_start3A_28, %dma_start3A_29] : memref<2x10000x128xf32, #tpu.memory_space<hbm>> -> memref<1x10000x128xf32, #tpu.memory_space<hbm>>
    %dma_start3A_31 = tpu.memref_squeeze %dma_start3A_30 : memref<1x10000x128xf32, #tpu.memory_space<hbm>> -> memref<10000x128xf32, #tpu.memory_space<hbm>>
    %dma_start3A_32 = arith.constant 0 : i32
    %dma_start3A_33 = arith.constant 0 : i32
    %dma_start3A_34 = tpu.memref_slice %dma_start3A_31[%dma_start3A_32, %dma_start3A_33] : memref<10000x128xf32, #tpu.memory_space<hbm>> -> memref<10000x128xf32, #tpu.memory_space<hbm>>
    tpu.enqueue_indirect_dma source(%dma_start3A_34 : memref<10000x128xf32, #tpu.memory_space<hbm>>) target(%arg7 : memref<128x128xf32, #tpu.memory_space<vmem>>) offsets(%dma_start3A_27 : memref<128xi32, #tpu.memory_space<vmem>>) semaphore(%arg12 : memref<!tpu.dma_semaphore, #tpu.memory_space<semaphore_mem>>)
    %scan3A = arith.constant 0 : i32
    %scan3A_35 = arith.constant 38 : i32
    %scan3A_36 = arith.addi %scan3A, %scan3A_35 : i32
    %scan3A_37 = arith.constant 1 : i32
    scf.for %scan3A_186 = %scan3A to %scan3A_36 step %scan3A_37  : i32 {
      %mul3A = arith.constant 4 : i32
      %mul3A_187 = arith.muli %mul3A, %scan3A_186 : i32
      %dma_wait3A_188 = arith.constant 0 : i32
      %dma_wait3A_189 = arith.constant 0 : i32
      %dma_wait3A_190 = arith.constant 0 : i32
      %dma_wait3A_191 = tpu.memref_slice %arg5[%dma_wait3A_188, %dma_wait3A_189, %dma_wait3A_190] : memref<2x2x128xi32, #tpu.memory_space<vmem>> -> memref<1x1x128xi32, #tpu.memory_space<vmem>>
      %dma_wait3A_192 = tpu.memref_squeeze %dma_wait3A_191 : memref<1x1x128xi32, #tpu.memory_space<vmem>> -> memref<128xi32, #tpu.memory_space<vmem>>
      %dma_wait3A_193 = arith.constant 0 : i32
      %dma_wait3A_194 = arith.constant 0 : i32
      %dma_wait3A_195 = tpu.memref_slice %arg2[%arg0, %dma_wait3A_193, %dma_wait3A_194] : memref<2x10000x128xf32, #tpu.memory_space<hbm>> -> memref<1x10000x128xf32, #tpu.memory_space<hbm>>
      %dma_wait3A_196 = tpu.memref_squeeze %dma_wait3A_195 : memref<1x10000x128xf32, #tpu.memory_space<hbm>> -> memref<10000x128xf32, #tpu.memory_space<hbm>>
      %dma_wait3A_197 = arith.constant 0 : i32
      %dma_wait3A_198 = arith.constant 0 : i32
      %dma_wait3A_199 = tpu.memref_slice %dma_wait3A_196[%dma_wait3A_197, %dma_wait3A_198] : memref<10000x128xf32, #tpu.memory_space<hbm>> -> memref<10000x128xf32, #tpu.memory_space<hbm>>
      tpu.wait_indirect_dma semaphore(%arg12 : memref<!tpu.dma_semaphore, #tpu.memory_space<semaphore_mem>>) src(%dma_wait3A_199 : memref<10000x128xf32, #tpu.memory_space<hbm>>) dst(%arg7 : memref<128x128xf32, #tpu.memory_space<vmem>>)
      %dma_start3A_200 = arith.constant 1 : i32
      %dma_start3A_201 = arith.constant 0 : i32
      %dma_start3A_202 = arith.constant 0 : i32
      %dma_start3A_203 = tpu.memref_slice %arg5[%dma_start3A_200, %dma_start3A_201, %dma_start3A_202] : memref<2x2x128xi32, #tpu.memory_space<vmem>> -> memref<1x1x128xi32, #tpu.memory_space<vmem>>
      %dma_start3A_204 = tpu.memref_squeeze %dma_start3A_203 : memref<1x1x128xi32, #tpu.memory_space<vmem>> -> memref<128xi32, #tpu.memory_space<vmem>>
      %dma_start3A_205 = arith.constant 0 : i32
      %dma_start3A_206 = arith.constant 0 : i32
      %dma_start3A_207 = tpu.memref_slice %arg2[%arg0, %dma_start3A_205, %dma_start3A_206] : memref<2x10000x128xf32, #tpu.memory_space<hbm>> -> memref<1x10000x128xf32, #tpu.memory_space<hbm>>
      %dma_start3A_208 = tpu.memref_squeeze %dma_start3A_207 : memref<1x10000x128xf32, #tpu.memory_space<hbm>> -> memref<10000x128xf32, #tpu.memory_space<hbm>>
      %dma_start3A_209 = arith.constant 0 : i32
      %dma_start3A_210 = arith.constant 0 : i32
      %dma_start3A_211 = tpu.memref_slice %dma_start3A_208[%dma_start3A_209, %dma_start3A_210] : memref<10000x128xf32, #tpu.memory_space<hbm>> -> memref<10000x128xf32, #tpu.memory_space<hbm>>
      tpu.enqueue_indirect_dma source(%dma_start3A_211 : memref<10000x128xf32, #tpu.memory_space<hbm>>) target(%arg8 : memref<128x128xf32, #tpu.memory_space<vmem>>) offsets(%dma_start3A_204 : memref<128xi32, #tpu.memory_space<vmem>>) semaphore(%arg13 : memref<!tpu.dma_semaphore, #tpu.memory_space<semaphore_mem>>)
      %run_scoped3A_212 = arith.constant 0 : i32
      %run_scoped3A_213 = arith.constant 1 : i32
      "tpu.region"() ({
        %run_scoped3A_363 = tpu.sem_alloc : memref<!tpu.dma_semaphore, #tpu.memory_space<semaphore_mem>>
        %dma_start3A_364 = arith.constant 0 : i32
        %dma_start3A_365 = tpu.memref_slice %arg5[%run_scoped3A_212, %run_scoped3A_213, %dma_start3A_364] : memref<2x2x128xi32, #tpu.memory_space<vmem>> -> memref<1x1x128xi32, #tpu.memory_space<vmem>>
        %dma_start3A_366 = tpu.memref_squeeze %dma_start3A_365 : memref<1x1x128xi32, #tpu.memory_space<vmem>> -> memref<128xi32, #tpu.memory_space<vmem>>
        %dma_start3A_367 = arith.constant 0 : i32
        %dma_start3A_368 = arith.constant 0 : i32
        %dma_start3A_369 = tpu.memref_slice %arg9[%dma_start3A_367, %dma_start3A_368] : memref<10008x128xf32, #tpu.memory_space<vmem_shared>> -> memref<10008x128xf32, #tpu.memory_space<vmem_shared>>
        tpu.enqueue_indirect_dma source(%arg7 : memref<128x128xf32, #tpu.memory_space<vmem>>) target(%dma_start3A_369 : memref<10008x128xf32, #tpu.memory_space<vmem_shared>>) offsets(%dma_start3A_366 : memref<128xi32, #tpu.memory_space<vmem>>) semaphore(%run_scoped3A_363 : memref<!tpu.dma_semaphore, #tpu.memory_space<semaphore_mem>>) {add = true}
        %dma_wait3A_370 = arith.constant 0 : i32
        %dma_wait3A_371 = tpu.memref_slice %arg5[%run_scoped3A_212, %run_scoped3A_213, %dma_wait3A_370] : memref<2x2x128xi32, #tpu.memory_space<vmem>> -> memref<1x1x128xi32, #tpu.memory_space<vmem>>
        %dma_wait3A_372 = tpu.memref_squeeze %dma_wait3A_371 : memref<1x1x128xi32, #tpu.memory_space<vmem>> -> memref<128xi32, #tpu.memory_space<vmem>>
        %dma_wait3A_373 = arith.constant 0 : i32
        %dma_wait3A_374 = arith.constant 0 : i32
        %dma_wait3A_375 = tpu.memref_slice %arg9[%dma_wait3A_373, %dma_wait3A_374] : memref<10008x128xf32, #tpu.memory_space<vmem_shared>> -> memref<10008x128xf32, #tpu.memory_space<vmem_shared>>
        tpu.wait_indirect_dma semaphore(%run_scoped3A_363 : memref<!tpu.dma_semaphore, #tpu.memory_space<semaphore_mem>>) src(%arg7 : memref<128x128xf32, #tpu.memory_space<vmem>>) dst(%dma_wait3A_375 : memref<10008x128xf32, #tpu.memory_space<vmem_shared>>)
        tpu.yield
      }) : () -> ()
      %add3A = arith.constant 2 : i32
      %add3A_214 = arith.addi %mul3A_187, %add3A : i32
      %dma_wait3A_215 = arith.constant 0 : i32
      %dma_wait3A_216 = arith.constant 0 : i32
      %dma_wait3A_217 = arith.constant 0 : i32
      %dma_wait3A_218 = tpu.memref_slice %arg3[%arg0, %arg1, %dma_wait3A_215, %dma_wait3A_216, %dma_wait3A_217] : memref<2x16x157x2x128xi32, #tpu.memory_space<hbm>> -> memref<1x1x157x2x128xi32, #tpu.memory_space<hbm>>
      %dma_wait3A_219 = tpu.memref_squeeze %dma_wait3A_218 : memref<1x1x157x2x128xi32, #tpu.memory_space<hbm>> -> memref<157x2x128xi32, #tpu.memory_space<hbm>>
      %dma_wait3A_220 = arith.constant 0 : i32
      %dma_wait3A_221 = arith.constant 0 : i32
      %dma_wait3A_222 = tpu.memref_slice %dma_wait3A_219[%add3A_214, %dma_wait3A_220, %dma_wait3A_221] : memref<157x2x128xi32, #tpu.memory_space<hbm>> -> memref<2x2x128xi32, #tpu.memory_space<hbm>>
      %dma_wait3A_223 = arith.constant 0 : i32
      %dma_wait3A_224 = arith.constant 0 : i32
      %dma_wait3A_225 = arith.constant 0 : i32
      %dma_wait3A_226 = tpu.memref_slice %arg3[%arg0, %arg1, %dma_wait3A_223, %dma_wait3A_224, %dma_wait3A_225] : memref<2x16x157x2x128xi32, #tpu.memory_space<hbm>> -> memref<1x1x157x2x128xi32, #tpu.memory_space<hbm>>
      %dma_wait3A_227 = tpu.memref_squeeze %dma_wait3A_226 : memref<1x1x157x2x128xi32, #tpu.memory_space<hbm>> -> memref<157x2x128xi32, #tpu.memory_space<hbm>>
      %dma_wait3A_228 = arith.constant 0 : i32
      %dma_wait3A_229 = arith.constant 0 : i32
      %dma_wait3A_230 = tpu.memref_slice %dma_wait3A_227[%add3A_214, %dma_wait3A_228, %dma_wait3A_229] : memref<157x2x128xi32, #tpu.memory_space<hbm>> -> memref<2x2x128xi32, #tpu.memory_space<hbm>>
      tpu.wait_dma2 semaphore(%arg11 : memref<!tpu.dma_semaphore, #tpu.memory_space<semaphore_mem>>) src(%dma_wait3A_230 : memref<2x2x128xi32, #tpu.memory_space<hbm>>) dst(%arg6 : memref<2x2x128xi32, #tpu.memory_space<vmem>>)
      %dma_wait3A_231 = arith.constant 1 : i32
      %dma_wait3A_232 = arith.constant 0 : i32
      %dma_wait3A_233 = arith.constant 0 : i32
      %dma_wait3A_234 = tpu.memref_slice %arg5[%dma_wait3A_231, %dma_wait3A_232, %dma_wait3A_233] : memref<2x2x128xi32, #tpu.memory_space<vmem>> -> memref<1x1x128xi32, #tpu.memory_space<vmem>>
      %dma_wait3A_235 = tpu.memref_squeeze %dma_wait3A_234 : memref<1x1x128xi32, #tpu.memory_space<vmem>> -> memref<128xi32, #tpu.memory_space<vmem>>
      %dma_wait3A_236 = arith.constant 0 : i32
      %dma_wait3A_237 = arith.constant 0 : i32
      %dma_wait3A_238 = tpu.memref_slice %arg2[%arg0, %dma_wait3A_236, %dma_wait3A_237] : memref<2x10000x128xf32, #tpu.memory_space<hbm>> -> memref<1x10000x128xf32, #tpu.memory_space<hbm>>
      %dma_wait3A_239 = tpu.memref_squeeze %dma_wait3A_238 : memref<1x10000x128xf32, #tpu.memory_space<hbm>> -> memref<10000x128xf32, #tpu.memory_space<hbm>>
      %dma_wait3A_240 = arith.constant 0 : i32
      %dma_wait3A_241 = arith.constant 0 : i32
      %dma_wait3A_242 = tpu.memref_slice %dma_wait3A_239[%dma_wait3A_240, %dma_wait3A_241] : memref<10000x128xf32, #tpu.memory_space<hbm>> -> memref<10000x128xf32, #tpu.memory_space<hbm>>
      tpu.wait_indirect_dma semaphore(%arg13 : memref<!tpu.dma_semaphore, #tpu.memory_space<semaphore_mem>>) src(%dma_wait3A_242 : memref<10000x128xf32, #tpu.memory_space<hbm>>) dst(%arg8 : memref<128x128xf32, #tpu.memory_space<vmem>>)
      %dma_start3A_243 = arith.constant 0 : i32
      %dma_start3A_244 = arith.constant 0 : i32
      %dma_start3A_245 = arith.constant 0 : i32
      %dma_start3A_246 = tpu.memref_slice %arg6[%dma_start3A_243, %dma_start3A_244, %dma_start3A_245] : memref<2x2x128xi32, #tpu.memory_space<vmem>> -> memref<1x1x128xi32, #tpu.memory_space<vmem>>
      %dma_start3A_247 = tpu.memref_squeeze %dma_start3A_246 : memref<1x1x128xi32, #tpu.memory_space<vmem>> -> memref<128xi32, #tpu.memory_space<vmem>>
      %dma_start3A_248 = arith.constant 0 : i32
      %dma_start3A_249 = arith.constant 0 : i32
      %dma_start3A_250 = tpu.memref_slice %arg2[%arg0, %dma_start3A_248, %dma_start3A_249] : memref<2x10000x128xf32, #tpu.memory_space<hbm>> -> memref<1x10000x128xf32, #tpu.memory_space<hbm>>
      %dma_start3A_251 = tpu.memref_squeeze %dma_start3A_250 : memref<1x10000x128xf32, #tpu.memory_space<hbm>> -> memref<10000x128xf32, #tpu.memory_space<hbm>>
      %dma_start3A_252 = arith.constant 0 : i32
      %dma_start3A_253 = arith.constant 0 : i32
      %dma_start3A_254 = tpu.memref_slice %dma_start3A_251[%dma_start3A_252, %dma_start3A_253] : memref<10000x128xf32, #tpu.memory_space<hbm>> -> memref<10000x128xf32, #tpu.memory_space<hbm>>
      tpu.enqueue_indirect_dma source(%dma_start3A_254 : memref<10000x128xf32, #tpu.memory_space<hbm>>) target(%arg7 : memref<128x128xf32, #tpu.memory_space<vmem>>) offsets(%dma_start3A_247 : memref<128xi32, #tpu.memory_space<vmem>>) semaphore(%arg12 : memref<!tpu.dma_semaphore, #tpu.memory_space<semaphore_mem>>)
      %run_scoped3A_255 = arith.constant 1 : i32
      %run_scoped3A_256 = arith.constant 1 : i32
      "tpu.region"() ({
        %run_scoped3A_363 = tpu.sem_alloc : memref<!tpu.dma_semaphore, #tpu.memory_space<semaphore_mem>>
        %dma_start3A_364 = arith.constant 0 : i32
        %dma_start3A_365 = tpu.memref_slice %arg5[%run_scoped3A_255, %run_scoped3A_256, %dma_start3A_364] : memref<2x2x128xi32, #tpu.memory_space<vmem>> -> memref<1x1x128xi32, #tpu.memory_space<vmem>>
        %dma_start3A_366 = tpu.memref_squeeze %dma_start3A_365 : memref<1x1x128xi32, #tpu.memory_space<vmem>> -> memref<128xi32, #tpu.memory_space<vmem>>
        %dma_start3A_367 = arith.constant 0 : i32
        %dma_start3A_368 = arith.constant 0 : i32
        %dma_start3A_369 = tpu.memref_slice %arg9[%dma_start3A_367, %dma_start3A_368] : memref<10008x128xf32, #tpu.memory_space<vmem_shared>> -> memref<10008x128xf32, #tpu.memory_space<vmem_shared>>
        tpu.enqueue_indirect_dma source(%arg8 : memref<128x128xf32, #tpu.memory_space<vmem>>) target(%dma_start3A_369 : memref<10008x128xf32, #tpu.memory_space<vmem_shared>>) offsets(%dma_start3A_366 : memref<128xi32, #tpu.memory_space<vmem>>) semaphore(%run_scoped3A_363 : memref<!tpu.dma_semaphore, #tpu.memory_space<semaphore_mem>>) {add = true}
        %dma_wait3A_370 = arith.constant 0 : i32
        %dma_wait3A_371 = tpu.memref_slice %arg5[%run_scoped3A_255, %run_scoped3A_256, %dma_wait3A_370] : memref<2x2x128xi32, #tpu.memory_space<vmem>> -> memref<1x1x128xi32, #tpu.memory_space<vmem>>
        %dma_wait3A_372 = tpu.memref_squeeze %dma_wait3A_371 : memref<1x1x128xi32, #tpu.memory_space<vmem>> -> memref<128xi32, #tpu.memory_space<vmem>>
        %dma_wait3A_373 = arith.constant 0 : i32
        %dma_wait3A_374 = arith.constant 0 : i32
        %dma_wait3A_375 = tpu.memref_slice %arg9[%dma_wait3A_373, %dma_wait3A_374] : memref<10008x128xf32, #tpu.memory_space<vmem_shared>> -> memref<10008x128xf32, #tpu.memory_space<vmem_shared>>
        tpu.wait_indirect_dma semaphore(%run_scoped3A_363 : memref<!tpu.dma_semaphore, #tpu.memory_space<semaphore_mem>>) src(%arg8 : memref<128x128xf32, #tpu.memory_space<vmem>>) dst(%dma_wait3A_375 : memref<10008x128xf32, #tpu.memory_space<vmem_shared>>)
        tpu.yield
      }) : () -> ()
      %add3A_257 = arith.constant 4 : i32
      %add3A_258 = arith.addi %mul3A_187, %add3A_257 : i32
      %dma_start3A_259 = arith.constant 0 : i32
      %dma_start3A_260 = arith.constant 0 : i32
      %dma_start3A_261 = arith.constant 0 : i32
      %dma_start3A_262 = tpu.memref_slice %arg3[%arg0, %arg1, %dma_start3A_259, %dma_start3A_260, %dma_start3A_261] : memref<2x16x157x2x128xi32, #tpu.memory_space<hbm>> -> memref<1x1x157x2x128xi32, #tpu.memory_space<hbm>>
      %dma_start3A_263 = tpu.memref_squeeze %dma_start3A_262 : memref<1x1x157x2x128xi32, #tpu.memory_space<hbm>> -> memref<157x2x128xi32, #tpu.memory_space<hbm>>
      %dma_start3A_264 = arith.constant 0 : i32
      %dma_start3A_265 = arith.constant 0 : i32
      %dma_start3A_266 = tpu.memref_slice %dma_start3A_263[%add3A_258, %dma_start3A_264, %dma_start3A_265] : memref<157x2x128xi32, #tpu.memory_space<hbm>> -> memref<2x2x128xi32, #tpu.memory_space<hbm>>
      %dma_start3A_267 = arith.constant 0 : i32
      %dma_start3A_268 = arith.constant 0 : i32
      %dma_start3A_269 = arith.constant 0 : i32
      %dma_start3A_270 = tpu.memref_slice %arg3[%arg0, %arg1, %dma_start3A_267, %dma_start3A_268, %dma_start3A_269] : memref<2x16x157x2x128xi32, #tpu.memory_space<hbm>> -> memref<1x1x157x2x128xi32, #tpu.memory_space<hbm>>
      %dma_start3A_271 = tpu.memref_squeeze %dma_start3A_270 : memref<1x1x157x2x128xi32, #tpu.memory_space<hbm>> -> memref<157x2x128xi32, #tpu.memory_space<hbm>>
      %dma_start3A_272 = arith.constant 0 : i32
      %dma_start3A_273 = arith.constant 0 : i32
      %dma_start3A_274 = tpu.memref_slice %dma_start3A_271[%add3A_258, %dma_start3A_272, %dma_start3A_273] : memref<157x2x128xi32, #tpu.memory_space<hbm>> -> memref<2x2x128xi32, #tpu.memory_space<hbm>>
      tpu.enqueue_dma source(%dma_start3A_274 : memref<2x2x128xi32, #tpu.memory_space<hbm>>) target(%arg5 : memref<2x2x128xi32, #tpu.memory_space<vmem>>) target_semaphore(%arg10 : memref<!tpu.dma_semaphore, #tpu.memory_space<semaphore_mem>>)
      %dma_wait3A_275 = arith.constant 0 : i32
      %dma_wait3A_276 = arith.constant 0 : i32
      %dma_wait3A_277 = arith.constant 0 : i32
      %dma_wait3A_278 = tpu.memref_slice %arg6[%dma_wait3A_275, %dma_wait3A_276, %dma_wait3A_277] : memref<2x2x128xi32, #tpu.memory_space<vmem>> -> memref<1x1x128xi32, #tpu.memory_space<vmem>>
      %dma_wait3A_279 = tpu.memref_squeeze %dma_wait3A_278 : memref<1x1x128xi32, #tpu.memory_space<vmem>> -> memref<128xi32, #tpu.memory_space<vmem>>
      %dma_wait3A_280 = arith.constant 0 : i32
      %dma_wait3A_281 = arith.constant 0 : i32
      %dma_wait3A_282 = tpu.memref_slice %arg2[%arg0, %dma_wait3A_280, %dma_wait3A_281] : memref<2x10000x128xf32, #tpu.memory_space<hbm>> -> memref<1x10000x128xf32, #tpu.memory_space<hbm>>
      %dma_wait3A_283 = tpu.memref_squeeze %dma_wait3A_282 : memref<1x10000x128xf32, #tpu.memory_space<hbm>> -> memref<10000x128xf32, #tpu.memory_space<hbm>>
      %dma_wait3A_284 = arith.constant 0 : i32
      %dma_wait3A_285 = arith.constant 0 : i32
      %dma_wait3A_286 = tpu.memref_slice %dma_wait3A_283[%dma_wait3A_284, %dma_wait3A_285] : memref<10000x128xf32, #tpu.memory_space<hbm>> -> memref<10000x128xf32, #tpu.memory_space<hbm>>
      tpu.wait_indirect_dma semaphore(%arg12 : memref<!tpu.dma_semaphore, #tpu.memory_space<semaphore_mem>>) src(%dma_wait3A_286 : memref<10000x128xf32, #tpu.memory_space<hbm>>) dst(%arg7 : memref<128x128xf32, #tpu.memory_space<vmem>>)
      %dma_start3A_287 = arith.constant 1 : i32
      %dma_start3A_288 = arith.constant 0 : i32
      %dma_start3A_289 = arith.constant 0 : i32
      %dma_start3A_290 = tpu.memref_slice %arg6[%dma_start3A_287, %dma_start3A_288, %dma_start3A_289] : memref<2x2x128xi32, #tpu.memory_space<vmem>> -> memref<1x1x128xi32, #tpu.memory_space<vmem>>
      %dma_start3A_291 = tpu.memref_squeeze %dma_start3A_290 : memref<1x1x128xi32, #tpu.memory_space<vmem>> -> memref<128xi32, #tpu.memory_space<vmem>>
      %dma_start3A_292 = arith.constant 0 : i32
      %dma_start3A_293 = arith.constant 0 : i32
      %dma_start3A_294 = tpu.memref_slice %arg2[%arg0, %dma_start3A_292, %dma_start3A_293] : memref<2x10000x128xf32, #tpu.memory_space<hbm>> -> memref<1x10000x128xf32, #tpu.memory_space<hbm>>
      %dma_start3A_295 = tpu.memref_squeeze %dma_start3A_294 : memref<1x10000x128xf32, #tpu.memory_space<hbm>> -> memref<10000x128xf32, #tpu.memory_space<hbm>>
      %dma_start3A_296 = arith.constant 0 : i32
      %dma_start3A_297 = arith.constant 0 : i32
      %dma_start3A_298 = tpu.memref_slice %dma_start3A_295[%dma_start3A_296, %dma_start3A_297] : memref<10000x128xf32, #tpu.memory_space<hbm>> -> memref<10000x128xf32, #tpu.memory_space<hbm>>
      tpu.enqueue_indirect_dma source(%dma_start3A_298 : memref<10000x128xf32, #tpu.memory_space<hbm>>) target(%arg8 : memref<128x128xf32, #tpu.memory_space<vmem>>) offsets(%dma_start3A_291 : memref<128xi32, #tpu.memory_space<vmem>>) semaphore(%arg13 : memref<!tpu.dma_semaphore, #tpu.memory_space<semaphore_mem>>)
      %run_scoped3A_299 = arith.constant 0 : i32
      %run_scoped3A_300 = arith.constant 1 : i32
      "tpu.region"() ({
        %run_scoped3A_363 = tpu.sem_alloc : memref<!tpu.dma_semaphore, #tpu.memory_space<semaphore_mem>>
        %dma_start3A_364 = arith.constant 0 : i32
        %dma_start3A_365 = tpu.memref_slice %arg6[%run_scoped3A_299, %run_scoped3A_300, %dma_start3A_364] : memref<2x2x128xi32, #tpu.memory_space<vmem>> -> memref<1x1x128xi32, #tpu.memory_space<vmem>>
        %dma_start3A_366 = tpu.memref_squeeze %dma_start3A_365 : memref<1x1x128xi32, #tpu.memory_space<vmem>> -> memref<128xi32, #tpu.memory_space<vmem>>
        %dma_start3A_367 = arith.constant 0 : i32
        %dma_start3A_368 = arith.constant 0 : i32
        %dma_start3A_369 = tpu.memref_slice %arg9[%dma_start3A_367, %dma_start3A_368] : memref<10008x128xf32, #tpu.memory_space<vmem_shared>> -> memref<10008x128xf32, #tpu.memory_space<vmem_shared>>
        tpu.enqueue_indirect_dma source(%arg7 : memref<128x128xf32, #tpu.memory_space<vmem>>) target(%dma_start3A_369 : memref<10008x128xf32, #tpu.memory_space<vmem_shared>>) offsets(%dma_start3A_366 : memref<128xi32, #tpu.memory_space<vmem>>) semaphore(%run_scoped3A_363 : memref<!tpu.dma_semaphore, #tpu.memory_space<semaphore_mem>>) {add = true}
        %dma_wait3A_370 = arith.constant 0 : i32
        %dma_wait3A_371 = tpu.memref_slice %arg6[%run_scoped3A_299, %run_scoped3A_300, %dma_wait3A_370] : memref<2x2x128xi32, #tpu.memory_space<vmem>> -> memref<1x1x128xi32, #tpu.memory_space<vmem>>
        %dma_wait3A_372 = tpu.memref_squeeze %dma_wait3A_371 : memref<1x1x128xi32, #tpu.memory_space<vmem>> -> memref<128xi32, #tpu.memory_space<vmem>>
        %dma_wait3A_373 = arith.constant 0 : i32
        %dma_wait3A_374 = arith.constant 0 : i32
        %dma_wait3A_375 = tpu.memref_slice %arg9[%dma_wait3A_373, %dma_wait3A_374] : memref<10008x128xf32, #tpu.memory_space<vmem_shared>> -> memref<10008x128xf32, #tpu.memory_space<vmem_shared>>
        tpu.wait_indirect_dma semaphore(%run_scoped3A_363 : memref<!tpu.dma_semaphore, #tpu.memory_space<semaphore_mem>>) src(%arg7 : memref<128x128xf32, #tpu.memory_space<vmem>>) dst(%dma_wait3A_375 : memref<10008x128xf32, #tpu.memory_space<vmem_shared>>)
        tpu.yield
      }) : () -> ()
      %add3A_301 = arith.constant 4 : i32
      %add3A_302 = arith.addi %mul3A_187, %add3A_301 : i32
      %dma_wait3A_303 = arith.constant 0 : i32
      %dma_wait3A_304 = arith.constant 0 : i32
      %dma_wait3A_305 = arith.constant 0 : i32
      %dma_wait3A_306 = tpu.memref_slice %arg3[%arg0, %arg1, %dma_wait3A_303, %dma_wait3A_304, %dma_wait3A_305] : memref<2x16x157x2x128xi32, #tpu.memory_space<hbm>> -> memref<1x1x157x2x128xi32, #tpu.memory_space<hbm>>
      %dma_wait3A_307 = tpu.memref_squeeze %dma_wait3A_306 : memref<1x1x157x2x128xi32, #tpu.memory_space<hbm>> -> memref<157x2x128xi32, #tpu.memory_space<hbm>>
      %dma_wait3A_308 = arith.constant 0 : i32
      %dma_wait3A_309 = arith.constant 0 : i32
      %dma_wait3A_310 = tpu.memref_slice %dma_wait3A_307[%add3A_302, %dma_wait3A_308, %dma_wait3A_309] : memref<157x2x128xi32, #tpu.memory_space<hbm>> -> memref<2x2x128xi32, #tpu.memory_space<hbm>>
      %dma_wait3A_311 = arith.constant 0 : i32
      %dma_wait3A_312 = arith.constant 0 : i32
      %dma_wait3A_313 = arith.constant 0 : i32
      %dma_wait3A_314 = tpu.memref_slice %arg3[%arg0, %arg1, %dma_wait3A_311, %dma_wait3A_312, %dma_wait3A_313] : memref<2x16x157x2x128xi32, #tpu.memory_space<hbm>> -> memref<1x1x157x2x128xi32, #tpu.memory_space<hbm>>
      %dma_wait3A_315 = tpu.memref_squeeze %dma_wait3A_314 : memref<1x1x157x2x128xi32, #tpu.memory_space<hbm>> -> memref<157x2x128xi32, #tpu.memory_space<hbm>>
      %dma_wait3A_316 = arith.constant 0 : i32
      %dma_wait3A_317 = arith.constant 0 : i32
      %dma_wait3A_318 = tpu.memref_slice %dma_wait3A_315[%add3A_302, %dma_wait3A_316, %dma_wait3A_317] : memref<157x2x128xi32, #tpu.memory_space<hbm>> -> memref<2x2x128xi32, #tpu.memory_space<hbm>>
      tpu.wait_dma2 semaphore(%arg10 : memref<!tpu.dma_semaphore, #tpu.memory_space<semaphore_mem>>) src(%dma_wait3A_318 : memref<2x2x128xi32, #tpu.memory_space<hbm>>) dst(%arg5 : memref<2x2x128xi32, #tpu.memory_space<vmem>>)
      %dma_wait3A_319 = arith.constant 1 : i32
      %dma_wait3A_320 = arith.constant 0 : i32
      %dma_wait3A_321 = arith.constant 0 : i32
      %dma_wait3A_322 = tpu.memref_slice %arg6[%dma_wait3A_319, %dma_wait3A_320, %dma_wait3A_321] : memref<2x2x128xi32, #tpu.memory_space<vmem>> -> memref<1x1x128xi32, #tpu.memory_space<vmem>>
      %dma_wait3A_323 = tpu.memref_squeeze %dma_wait3A_322 : memref<1x1x128xi32, #tpu.memory_space<vmem>> -> memref<128xi32, #tpu.memory_space<vmem>>
      %dma_wait3A_324 = arith.constant 0 : i32
      %dma_wait3A_325 = arith.constant 0 : i32
      %dma_wait3A_326 = tpu.memref_slice %arg2[%arg0, %dma_wait3A_324, %dma_wait3A_325] : memref<2x10000x128xf32, #tpu.memory_space<hbm>> -> memref<1x10000x128xf32, #tpu.memory_space<hbm>>
      %dma_wait3A_327 = tpu.memref_squeeze %dma_wait3A_326 : memref<1x10000x128xf32, #tpu.memory_space<hbm>> -> memref<10000x128xf32, #tpu.memory_space<hbm>>
      %dma_wait3A_328 = arith.constant 0 : i32
      %dma_wait3A_329 = arith.constant 0 : i32
      %dma_wait3A_330 = tpu.memref_slice %dma_wait3A_327[%dma_wait3A_328, %dma_wait3A_329] : memref<10000x128xf32, #tpu.memory_space<hbm>> -> memref<10000x128xf32, #tpu.memory_space<hbm>>
      tpu.wait_indirect_dma semaphore(%arg13 : memref<!tpu.dma_semaphore, #tpu.memory_space<semaphore_mem>>) src(%dma_wait3A_330 : memref<10000x128xf32, #tpu.memory_space<hbm>>) dst(%arg8 : memref<128x128xf32, #tpu.memory_space<vmem>>)
      %dma_start3A_331 = arith.constant 0 : i32
      %dma_start3A_332 = arith.constant 0 : i32
      %dma_start3A_333 = arith.constant 0 : i32
      %dma_start3A_334 = tpu.memref_slice %arg5[%dma_start3A_331, %dma_start3A_332, %dma_start3A_333] : memref<2x2x128xi32, #tpu.memory_space<vmem>> -> memref<1x1x128xi32, #tpu.memory_space<vmem>>
      %dma_start3A_335 = tpu.memref_squeeze %dma_start3A_334 : memref<1x1x128xi32, #tpu.memory_space<vmem>> -> memref<128xi32, #tpu.memory_space<vmem>>
      %dma_start3A_336 = arith.constant 0 : i32
      %dma_start3A_337 = arith.constant 0 : i32
      %dma_start3A_338 = tpu.memref_slice %arg2[%arg0, %dma_start3A_336, %dma_start3A_337] : memref<2x10000x128xf32, #tpu.memory_space<hbm>> -> memref<1x10000x128xf32, #tpu.memory_space<hbm>>
      %dma_start3A_339 = tpu.memref_squeeze %dma_start3A_338 : memref<1x10000x128xf32, #tpu.memory_space<hbm>> -> memref<10000x128xf32, #tpu.memory_space<hbm>>
      %dma_start3A_340 = arith.constant 0 : i32
      %dma_start3A_341 = arith.constant 0 : i32
      %dma_start3A_342 = tpu.memref_slice %dma_start3A_339[%dma_start3A_340, %dma_start3A_341] : memref<10000x128xf32, #tpu.memory_space<hbm>> -> memref<10000x128xf32, #tpu.memory_space<hbm>>
      tpu.enqueue_indirect_dma source(%dma_start3A_342 : memref<10000x128xf32, #tpu.memory_space<hbm>>) target(%arg7 : memref<128x128xf32, #tpu.memory_space<vmem>>) offsets(%dma_start3A_335 : memref<128xi32, #tpu.memory_space<vmem>>) semaphore(%arg12 : memref<!tpu.dma_semaphore, #tpu.memory_space<semaphore_mem>>)
      %run_scoped3A_343 = arith.constant 1 : i32
      %run_scoped3A_344 = arith.constant 1 : i32
      "tpu.region"() ({
        %run_scoped3A_363 = tpu.sem_alloc : memref<!tpu.dma_semaphore, #tpu.memory_space<semaphore_mem>>
        %dma_start3A_364 = arith.constant 0 : i32
        %dma_start3A_365 = tpu.memref_slice %arg6[%run_scoped3A_343, %run_scoped3A_344, %dma_start3A_364] : memref<2x2x128xi32, #tpu.memory_space<vmem>> -> memref<1x1x128xi32, #tpu.memory_space<vmem>>
        %dma_start3A_366 = tpu.memref_squeeze %dma_start3A_365 : memref<1x1x128xi32, #tpu.memory_space<vmem>> -> memref<128xi32, #tpu.memory_space<vmem>>
        %dma_start3A_367 = arith.constant 0 : i32
        %dma_start3A_368 = arith.constant 0 : i32
        %dma_start3A_369 = tpu.memref_slice %arg9[%dma_start3A_367, %dma_start3A_368] : memref<10008x128xf32, #tpu.memory_space<vmem_shared>> -> memref<10008x128xf32, #tpu.memory_space<vmem_shared>>
        tpu.enqueue_indirect_dma source(%arg8 : memref<128x128xf32, #tpu.memory_space<vmem>>) target(%dma_start3A_369 : memref<10008x128xf32, #tpu.memory_space<vmem_shared>>) offsets(%dma_start3A_366 : memref<128xi32, #tpu.memory_space<vmem>>) semaphore(%run_scoped3A_363 : memref<!tpu.dma_semaphore, #tpu.memory_space<semaphore_mem>>) {add = true}
        %dma_wait3A_370 = arith.constant 0 : i32
        %dma_wait3A_371 = tpu.memref_slice %arg6[%run_scoped3A_343, %run_scoped3A_344, %dma_wait3A_370] : memref<2x2x128xi32, #tpu.memory_space<vmem>> -> memref<1x1x128xi32, #tpu.memory_space<vmem>>
        %dma_wait3A_372 = tpu.memref_squeeze %dma_wait3A_371 : memref<1x1x128xi32, #tpu.memory_space<vmem>> -> memref<128xi32, #tpu.memory_space<vmem>>
        %dma_wait3A_373 = arith.constant 0 : i32
        %dma_wait3A_374 = arith.constant 0 : i32
        %dma_wait3A_375 = tpu.memref_slice %arg9[%dma_wait3A_373, %dma_wait3A_374] : memref<10008x128xf32, #tpu.memory_space<vmem_shared>> -> memref<10008x128xf32, #tpu.memory_space<vmem_shared>>
        tpu.wait_indirect_dma semaphore(%run_scoped3A_363 : memref<!tpu.dma_semaphore, #tpu.memory_space<semaphore_mem>>) src(%arg8 : memref<128x128xf32, #tpu.memory_space<vmem>>) dst(%dma_wait3A_375 : memref<10008x128xf32, #tpu.memory_space<vmem_shared>>)
        tpu.yield
      }) : () -> ()
      %add3A_345 = arith.constant 6 : i32
      %add3A_346 = arith.addi %mul3A_187, %add3A_345 : i32
      %dma_start3A_347 = arith.constant 0 : i32
      %dma_start3A_348 = arith.constant 0 : i32
      %dma_start3A_349 = arith.constant 0 : i32
      %dma_start3A_350 = tpu.memref_slice %arg3[%arg0, %arg1, %dma_start3A_347, %dma_start3A_348, %dma_start3A_349] : memref<2x16x157x2x128xi32, #tpu.memory_space<hbm>> -> memref<1x1x157x2x128xi32, #tpu.memory_space<hbm>>
      %dma_start3A_351 = tpu.memref_squeeze %dma_start3A_350 : memref<1x1x157x2x128xi32, #tpu.memory_space<hbm>> -> memref<157x2x128xi32, #tpu.memory_space<hbm>>
      %dma_start3A_352 = arith.constant 0 : i32
      %dma_start3A_353 = arith.constant 0 : i32
      %dma_start3A_354 = tpu.memref_slice %dma_start3A_351[%add3A_346, %dma_start3A_352, %dma_start3A_353] : memref<157x2x128xi32, #tpu.memory_space<hbm>> -> memref<2x2x128xi32, #tpu.memory_space<hbm>>
      %dma_start3A_355 = arith.constant 0 : i32
      %dma_start3A_356 = arith.constant 0 : i32
      %dma_start3A_357 = arith.constant 0 : i32
      %dma_start3A_358 = tpu.memref_slice %arg3[%arg0, %arg1, %dma_start3A_355, %dma_start3A_356, %dma_start3A_357] : memref<2x16x157x2x128xi32, #tpu.memory_space<hbm>> -> memref<1x1x157x2x128xi32, #tpu.memory_space<hbm>>
      %dma_start3A_359 = tpu.memref_squeeze %dma_start3A_358 : memref<1x1x157x2x128xi32, #tpu.memory_space<hbm>> -> memref<157x2x128xi32, #tpu.memory_space<hbm>>
      %dma_start3A_360 = arith.constant 0 : i32
      %dma_start3A_361 = arith.constant 0 : i32
      %dma_start3A_362 = tpu.memref_slice %dma_start3A_359[%add3A_346, %dma_start3A_360, %dma_start3A_361] : memref<157x2x128xi32, #tpu.memory_space<hbm>> -> memref<2x2x128xi32, #tpu.memory_space<hbm>>
      tpu.enqueue_dma source(%dma_start3A_362 : memref<2x2x128xi32, #tpu.memory_space<hbm>>) target(%arg6 : memref<2x2x128xi32, #tpu.memory_space<vmem>>) target_semaphore(%arg11 : memref<!tpu.dma_semaphore, #tpu.memory_space<semaphore_mem>>)
    }
    %scan3A_38 = arith.constant 38 : i32
    %dma_wait3A = arith.constant 0 : i32
    %dma_wait3A_39 = arith.constant 0 : i32
    %dma_wait3A_40 = arith.constant 0 : i32
    %dma_wait3A_41 = tpu.memref_slice %arg5[%dma_wait3A, %dma_wait3A_39, %dma_wait3A_40] : memref<2x2x128xi32, #tpu.memory_space<vmem>> -> memref<1x1x128xi32, #tpu.memory_space<vmem>>
    %dma_wait3A_42 = tpu.memref_squeeze %dma_wait3A_41 : memref<1x1x128xi32, #tpu.memory_space<vmem>> -> memref<128xi32, #tpu.memory_space<vmem>>
    %dma_wait3A_43 = arith.constant 0 : i32
    %dma_wait3A_44 = arith.constant 0 : i32
    %dma_wait3A_45 = tpu.memref_slice %arg2[%arg0, %dma_wait3A_43, %dma_wait3A_44] : memref<2x10000x128xf32, #tpu.memory_space<hbm>> -> memref<1x10000x128xf32, #tpu.memory_space<hbm>>
    %dma_wait3A_46 = tpu.memref_squeeze %dma_wait3A_45 : memref<1x10000x128xf32, #tpu.memory_space<hbm>> -> memref<10000x128xf32, #tpu.memory_space<hbm>>
    %dma_wait3A_47 = arith.constant 0 : i32
    %dma_wait3A_48 = arith.constant 0 : i32
    %dma_wait3A_49 = tpu.memref_slice %dma_wait3A_46[%dma_wait3A_47, %dma_wait3A_48] : memref<10000x128xf32, #tpu.memory_space<hbm>> -> memref<10000x128xf32, #tpu.memory_space<hbm>>
    tpu.wait_indirect_dma semaphore(%arg12 : memref<!tpu.dma_semaphore, #tpu.memory_space<semaphore_mem>>) src(%dma_wait3A_49 : memref<10000x128xf32, #tpu.memory_space<hbm>>) dst(%arg7 : memref<128x128xf32, #tpu.memory_space<vmem>>)
    %dma_start3A_50 = arith.constant 1 : i32
    %dma_start3A_51 = arith.constant 0 : i32
    %dma_start3A_52 = arith.constant 0 : i32
    %dma_start3A_53 = tpu.memref_slice %arg5[%dma_start3A_50, %dma_start3A_51, %dma_start3A_52] : memref<2x2x128xi32, #tpu.memory_space<vmem>> -> memref<1x1x128xi32, #tpu.memory_space<vmem>>
    %dma_start3A_54 = tpu.memref_squeeze %dma_start3A_53 : memref<1x1x128xi32, #tpu.memory_space<vmem>> -> memref<128xi32, #tpu.memory_space<vmem>>
    %dma_start3A_55 = arith.constant 0 : i32
    %dma_start3A_56 = arith.constant 0 : i32
    %dma_start3A_57 = tpu.memref_slice %arg2[%arg0, %dma_start3A_55, %dma_start3A_56] : memref<2x10000x128xf32, #tpu.memory_space<hbm>> -> memref<1x10000x128xf32, #tpu.memory_space<hbm>>
    %dma_start3A_58 = tpu.memref_squeeze %dma_start3A_57 : memref<1x10000x128xf32, #tpu.memory_space<hbm>> -> memref<10000x128xf32, #tpu.memory_space<hbm>>
    %dma_start3A_59 = arith.constant 0 : i32
    %dma_start3A_60 = arith.constant 0 : i32
    %dma_start3A_61 = tpu.memref_slice %dma_start3A_58[%dma_start3A_59, %dma_start3A_60] : memref<10000x128xf32, #tpu.memory_space<hbm>> -> memref<10000x128xf32, #tpu.memory_space<hbm>>
    tpu.enqueue_indirect_dma source(%dma_start3A_61 : memref<10000x128xf32, #tpu.memory_space<hbm>>) target(%arg8 : memref<128x128xf32, #tpu.memory_space<vmem>>) offsets(%dma_start3A_54 : memref<128xi32, #tpu.memory_space<vmem>>) semaphore(%arg13 : memref<!tpu.dma_semaphore, #tpu.memory_space<semaphore_mem>>)
    %run_scoped3A = arith.constant 0 : i32
    %run_scoped3A_62 = arith.constant 1 : i32
    "tpu.region"() ({
      %run_scoped3A_186 = tpu.sem_alloc : memref<!tpu.dma_semaphore, #tpu.memory_space<semaphore_mem>>
      %dma_start3A_187 = arith.constant 0 : i32
      %dma_start3A_188 = tpu.memref_slice %arg5[%run_scoped3A, %run_scoped3A_62, %dma_start3A_187] : memref<2x2x128xi32, #tpu.memory_space<vmem>> -> memref<1x1x128xi32, #tpu.memory_space<vmem>>
      %dma_start3A_189 = tpu.memref_squeeze %dma_start3A_188 : memref<1x1x128xi32, #tpu.memory_space<vmem>> -> memref<128xi32, #tpu.memory_space<vmem>>
      %dma_start3A_190 = arith.constant 0 : i32
      %dma_start3A_191 = arith.constant 0 : i32
      %dma_start3A_192 = tpu.memref_slice %arg9[%dma_start3A_190, %dma_start3A_191] : memref<10008x128xf32, #tpu.memory_space<vmem_shared>> -> memref<10008x128xf32, #tpu.memory_space<vmem_shared>>
      tpu.enqueue_indirect_dma source(%arg7 : memref<128x128xf32, #tpu.memory_space<vmem>>) target(%dma_start3A_192 : memref<10008x128xf32, #tpu.memory_space<vmem_shared>>) offsets(%dma_start3A_189 : memref<128xi32, #tpu.memory_space<vmem>>) semaphore(%run_scoped3A_186 : memref<!tpu.dma_semaphore, #tpu.memory_space<semaphore_mem>>) {add = true}
      %dma_wait3A_193 = arith.constant 0 : i32
      %dma_wait3A_194 = tpu.memref_slice %arg5[%run_scoped3A, %run_scoped3A_62, %dma_wait3A_193] : memref<2x2x128xi32, #tpu.memory_space<vmem>> -> memref<1x1x128xi32, #tpu.memory_space<vmem>>
      %dma_wait3A_195 = tpu.memref_squeeze %dma_wait3A_194 : memref<1x1x128xi32, #tpu.memory_space<vmem>> -> memref<128xi32, #tpu.memory_space<vmem>>
      %dma_wait3A_196 = arith.constant 0 : i32
      %dma_wait3A_197 = arith.constant 0 : i32
      %dma_wait3A_198 = tpu.memref_slice %arg9[%dma_wait3A_196, %dma_wait3A_197] : memref<10008x128xf32, #tpu.memory_space<vmem_shared>> -> memref<10008x128xf32, #tpu.memory_space<vmem_shared>>
      tpu.wait_indirect_dma semaphore(%run_scoped3A_186 : memref<!tpu.dma_semaphore, #tpu.memory_space<semaphore_mem>>) src(%arg7 : memref<128x128xf32, #tpu.memory_space<vmem>>) dst(%dma_wait3A_198 : memref<10008x128xf32, #tpu.memory_space<vmem_shared>>)
      tpu.yield
    }) : () -> ()
    %dma_wait3A_63 = arith.constant 0 : i32
    %dma_wait3A_64 = arith.constant 0 : i32
    %dma_wait3A_65 = arith.constant 0 : i32
    %dma_wait3A_66 = tpu.memref_slice %arg3[%arg0, %arg1, %dma_wait3A_63, %dma_wait3A_64, %dma_wait3A_65] : memref<2x16x157x2x128xi32, #tpu.memory_space<hbm>> -> memref<1x1x157x2x128xi32, #tpu.memory_space<hbm>>
    %dma_wait3A_67 = tpu.memref_squeeze %dma_wait3A_66 : memref<1x1x157x2x128xi32, #tpu.memory_space<hbm>> -> memref<157x2x128xi32, #tpu.memory_space<hbm>>
    %dma_wait3A_68 = arith.constant 154 : i32
    %dma_wait3A_69 = arith.constant 0 : i32
    %dma_wait3A_70 = arith.constant 0 : i32
    %dma_wait3A_71 = tpu.memref_slice %dma_wait3A_67[%dma_wait3A_68, %dma_wait3A_69, %dma_wait3A_70] : memref<157x2x128xi32, #tpu.memory_space<hbm>> -> memref<2x2x128xi32, #tpu.memory_space<hbm>>
    %dma_wait3A_72 = arith.constant 0 : i32
    %dma_wait3A_73 = arith.constant 0 : i32
    %dma_wait3A_74 = arith.constant 0 : i32
    %dma_wait3A_75 = tpu.memref_slice %arg3[%arg0, %arg1, %dma_wait3A_72, %dma_wait3A_73, %dma_wait3A_74] : memref<2x16x157x2x128xi32, #tpu.memory_space<hbm>> -> memref<1x1x157x2x128xi32, #tpu.memory_space<hbm>>
    %dma_wait3A_76 = tpu.memref_squeeze %dma_wait3A_75 : memref<1x1x157x2x128xi32, #tpu.memory_space<hbm>> -> memref<157x2x128xi32, #tpu.memory_space<hbm>>
    %dma_wait3A_77 = arith.constant 154 : i32
    %dma_wait3A_78 = arith.constant 0 : i32
    %dma_wait3A_79 = arith.constant 0 : i32
    %dma_wait3A_80 = tpu.memref_slice %dma_wait3A_76[%dma_wait3A_77, %dma_wait3A_78, %dma_wait3A_79] : memref<157x2x128xi32, #tpu.memory_space<hbm>> -> memref<2x2x128xi32, #tpu.memory_space<hbm>>
    tpu.wait_dma2 semaphore(%arg11 : memref<!tpu.dma_semaphore, #tpu.memory_space<semaphore_mem>>) src(%dma_wait3A_80 : memref<2x2x128xi32, #tpu.memory_space<hbm>>) dst(%arg6 : memref<2x2x128xi32, #tpu.memory_space<vmem>>)
    %dma_wait3A_81 = arith.constant 1 : i32
    %dma_wait3A_82 = arith.constant 0 : i32
    %dma_wait3A_83 = arith.constant 0 : i32
    %dma_wait3A_84 = tpu.memref_slice %arg5[%dma_wait3A_81, %dma_wait3A_82, %dma_wait3A_83] : memref<2x2x128xi32, #tpu.memory_space<vmem>> -> memref<1x1x128xi32, #tpu.memory_space<vmem>>
    %dma_wait3A_85 = tpu.memref_squeeze %dma_wait3A_84 : memref<1x1x128xi32, #tpu.memory_space<vmem>> -> memref<128xi32, #tpu.memory_space<vmem>>
    %dma_wait3A_86 = arith.constant 0 : i32
    %dma_wait3A_87 = arith.constant 0 : i32
    %dma_wait3A_88 = tpu.memref_slice %arg2[%arg0, %dma_wait3A_86, %dma_wait3A_87] : memref<2x10000x128xf32, #tpu.memory_space<hbm>> -> memref<1x10000x128xf32, #tpu.memory_space<hbm>>
    %dma_wait3A_89 = tpu.memref_squeeze %dma_wait3A_88 : memref<1x10000x128xf32, #tpu.memory_space<hbm>> -> memref<10000x128xf32, #tpu.memory_space<hbm>>
    %dma_wait3A_90 = arith.constant 0 : i32
    %dma_wait3A_91 = arith.constant 0 : i32
    %dma_wait3A_92 = tpu.memref_slice %dma_wait3A_89[%dma_wait3A_90, %dma_wait3A_91] : memref<10000x128xf32, #tpu.memory_space<hbm>> -> memref<10000x128xf32, #tpu.memory_space<hbm>>
    tpu.wait_indirect_dma semaphore(%arg13 : memref<!tpu.dma_semaphore, #tpu.memory_space<semaphore_mem>>) src(%dma_wait3A_92 : memref<10000x128xf32, #tpu.memory_space<hbm>>) dst(%arg8 : memref<128x128xf32, #tpu.memory_space<vmem>>)
    %dma_start3A_93 = arith.constant 0 : i32
    %dma_start3A_94 = arith.constant 0 : i32
    %dma_start3A_95 = arith.constant 0 : i32
    %dma_start3A_96 = tpu.memref_slice %arg6[%dma_start3A_93, %dma_start3A_94, %dma_start3A_95] : memref<2x2x128xi32, #tpu.memory_space<vmem>> -> memref<1x1x128xi32, #tpu.memory_space<vmem>>
    %dma_start3A_97 = tpu.memref_squeeze %dma_start3A_96 : memref<1x1x128xi32, #tpu.memory_space<vmem>> -> memref<128xi32, #tpu.memory_space<vmem>>
    %dma_start3A_98 = arith.constant 0 : i32
    %dma_start3A_99 = arith.constant 0 : i32
    %dma_start3A_100 = tpu.memref_slice %arg2[%arg0, %dma_start3A_98, %dma_start3A_99] : memref<2x10000x128xf32, #tpu.memory_space<hbm>> -> memref<1x10000x128xf32, #tpu.memory_space<hbm>>
    %dma_start3A_101 = tpu.memref_squeeze %dma_start3A_100 : memref<1x10000x128xf32, #tpu.memory_space<hbm>> -> memref<10000x128xf32, #tpu.memory_space<hbm>>
    %dma_start3A_102 = arith.constant 0 : i32
    %dma_start3A_103 = arith.constant 0 : i32
    %dma_start3A_104 = tpu.memref_slice %dma_start3A_101[%dma_start3A_102, %dma_start3A_103] : memref<10000x128xf32, #tpu.memory_space<hbm>> -> memref<10000x128xf32, #tpu.memory_space<hbm>>
    tpu.enqueue_indirect_dma source(%dma_start3A_104 : memref<10000x128xf32, #tpu.memory_space<hbm>>) target(%arg7 : memref<128x128xf32, #tpu.memory_space<vmem>>) offsets(%dma_start3A_97 : memref<128xi32, #tpu.memory_space<vmem>>) semaphore(%arg12 : memref<!tpu.dma_semaphore, #tpu.memory_space<semaphore_mem>>)
    %run_scoped3A_105 = arith.constant 1 : i32
    %run_scoped3A_106 = arith.constant 1 : i32
    "tpu.region"() ({
      %run_scoped3A_186 = tpu.sem_alloc : memref<!tpu.dma_semaphore, #tpu.memory_space<semaphore_mem>>
      %dma_start3A_187 = arith.constant 0 : i32
      %dma_start3A_188 = tpu.memref_slice %arg5[%run_scoped3A_105, %run_scoped3A_106, %dma_start3A_187] : memref<2x2x128xi32, #tpu.memory_space<vmem>> -> memref<1x1x128xi32, #tpu.memory_space<vmem>>
      %dma_start3A_189 = tpu.memref_squeeze %dma_start3A_188 : memref<1x1x128xi32, #tpu.memory_space<vmem>> -> memref<128xi32, #tpu.memory_space<vmem>>
      %dma_start3A_190 = arith.constant 0 : i32
      %dma_start3A_191 = arith.constant 0 : i32
      %dma_start3A_192 = tpu.memref_slice %arg9[%dma_start3A_190, %dma_start3A_191] : memref<10008x128xf32, #tpu.memory_space<vmem_shared>> -> memref<10008x128xf32, #tpu.memory_space<vmem_shared>>
      tpu.enqueue_indirect_dma source(%arg8 : memref<128x128xf32, #tpu.memory_space<vmem>>) target(%dma_start3A_192 : memref<10008x128xf32, #tpu.memory_space<vmem_shared>>) offsets(%dma_start3A_189 : memref<128xi32, #tpu.memory_space<vmem>>) semaphore(%run_scoped3A_186 : memref<!tpu.dma_semaphore, #tpu.memory_space<semaphore_mem>>) {add = true}
      %dma_wait3A_193 = arith.constant 0 : i32
      %dma_wait3A_194 = tpu.memref_slice %arg5[%run_scoped3A_105, %run_scoped3A_106, %dma_wait3A_193] : memref<2x2x128xi32, #tpu.memory_space<vmem>> -> memref<1x1x128xi32, #tpu.memory_space<vmem>>
      %dma_wait3A_195 = tpu.memref_squeeze %dma_wait3A_194 : memref<1x1x128xi32, #tpu.memory_space<vmem>> -> memref<128xi32, #tpu.memory_space<vmem>>
      %dma_wait3A_196 = arith.constant 0 : i32
      %dma_wait3A_197 = arith.constant 0 : i32
      %dma_wait3A_198 = tpu.memref_slice %arg9[%dma_wait3A_196, %dma_wait3A_197] : memref<10008x128xf32, #tpu.memory_space<vmem_shared>> -> memref<10008x128xf32, #tpu.memory_space<vmem_shared>>
      tpu.wait_indirect_dma semaphore(%run_scoped3A_186 : memref<!tpu.dma_semaphore, #tpu.memory_space<semaphore_mem>>) src(%arg8 : memref<128x128xf32, #tpu.memory_space<vmem>>) dst(%dma_wait3A_198 : memref<10008x128xf32, #tpu.memory_space<vmem_shared>>)
      tpu.yield
    }) : () -> ()
    %run_scoped3A_107 = arith.constant 156 : i32
    %run_scoped3A_108 = arith.constant 0 : i32
    "tpu.region"() ({
      %run_scoped3A_186 = tpu.sem_alloc : memref<!tpu.dma_semaphore, #tpu.memory_space<semaphore_mem>>
      %dma_start3A_187 = arith.constant 0 : i32
      %dma_start3A_188 = arith.constant 0 : i32
      %dma_start3A_189 = tpu.memref_slice %arg5[%run_scoped3A_108, %dma_start3A_187, %dma_start3A_188] : memref<2x2x128xi32, #tpu.memory_space<vmem>> -> memref<1x2x128xi32, #tpu.memory_space<vmem>>
      %dma_start3A_190 = tpu.memref_squeeze %dma_start3A_189 : memref<1x2x128xi32, #tpu.memory_space<vmem>> -> memref<2x128xi32, #tpu.memory_space<vmem>>
      %dma_start3A_191 = arith.constant 0 : i32
      %dma_start3A_192 = arith.constant 0 : i32
      %dma_start3A_193 = arith.constant 0 : i32
      %dma_start3A_194 = tpu.memref_slice %arg3[%arg0, %arg1, %dma_start3A_191, %dma_start3A_192, %dma_start3A_193] : memref<2x16x157x2x128xi32, #tpu.memory_space<hbm>> -> memref<1x1x157x2x128xi32, #tpu.memory_space<hbm>>
      %dma_start3A_195 = tpu.memref_squeeze %dma_start3A_194 : memref<1x1x157x2x128xi32, #tpu.memory_space<hbm>> -> memref<157x2x128xi32, #tpu.memory_space<hbm>>
      %dma_start3A_196 = arith.constant 0 : i32
      %dma_start3A_197 = arith.constant 0 : i32
      %dma_start3A_198 = tpu.memref_slice %dma_start3A_195[%run_scoped3A_107, %dma_start3A_196, %dma_start3A_197] : memref<157x2x128xi32, #tpu.memory_space<hbm>> -> memref<1x2x128xi32, #tpu.memory_space<hbm>>
      %dma_start3A_199 = tpu.memref_squeeze %dma_start3A_198 : memref<1x2x128xi32, #tpu.memory_space<hbm>> -> memref<2x128xi32, #tpu.memory_space<hbm>>
      %dma_start3A_200 = arith.constant 0 : i32
      %dma_start3A_201 = arith.constant 0 : i32
      %dma_start3A_202 = tpu.memref_slice %arg5[%run_scoped3A_108, %dma_start3A_200, %dma_start3A_201] : memref<2x2x128xi32, #tpu.memory_space<vmem>> -> memref<1x2x128xi32, #tpu.memory_space<vmem>>
      %dma_start3A_203 = tpu.memref_squeeze %dma_start3A_202 : memref<1x2x128xi32, #tpu.memory_space<vmem>> -> memref<2x128xi32, #tpu.memory_space<vmem>>
      %dma_start3A_204 = arith.constant 0 : i32
      %dma_start3A_205 = arith.constant 0 : i32
      %dma_start3A_206 = arith.constant 0 : i32
      %dma_start3A_207 = tpu.memref_slice %arg3[%arg0, %arg1, %dma_start3A_204, %dma_start3A_205, %dma_start3A_206] : memref<2x16x157x2x128xi32, #tpu.memory_space<hbm>> -> memref<1x1x157x2x128xi32, #tpu.memory_space<hbm>>
      %dma_start3A_208 = tpu.memref_squeeze %dma_start3A_207 : memref<1x1x157x2x128xi32, #tpu.memory_space<hbm>> -> memref<157x2x128xi32, #tpu.memory_space<hbm>>
      %dma_start3A_209 = arith.constant 0 : i32
      %dma_start3A_210 = arith.constant 0 : i32
      %dma_start3A_211 = tpu.memref_slice %dma_start3A_208[%run_scoped3A_107, %dma_start3A_209, %dma_start3A_210] : memref<157x2x128xi32, #tpu.memory_space<hbm>> -> memref<1x2x128xi32, #tpu.memory_space<hbm>>
      %dma_start3A_212 = tpu.memref_squeeze %dma_start3A_211 : memref<1x2x128xi32, #tpu.memory_space<hbm>> -> memref<2x128xi32, #tpu.memory_space<hbm>>
      tpu.enqueue_dma source(%dma_start3A_212 : memref<2x128xi32, #tpu.memory_space<hbm>>) target(%dma_start3A_203 : memref<2x128xi32, #tpu.memory_space<vmem>>) target_semaphore(%run_scoped3A_186 : memref<!tpu.dma_semaphore, #tpu.memory_space<semaphore_mem>>)
      %dma_wait3A_213 = arith.constant 0 : i32
      %dma_wait3A_214 = arith.constant 0 : i32
      %dma_wait3A_215 = tpu.memref_slice %arg5[%run_scoped3A_108, %dma_wait3A_213, %dma_wait3A_214] : memref<2x2x128xi32, #tpu.memory_space<vmem>> -> memref<1x2x128xi32, #tpu.memory_space<vmem>>
      %dma_wait3A_216 = tpu.memref_squeeze %dma_wait3A_215 : memref<1x2x128xi32, #tpu.memory_space<vmem>> -> memref<2x128xi32, #tpu.memory_space<vmem>>
      %dma_wait3A_217 = arith.constant 0 : i32
      %dma_wait3A_218 = arith.constant 0 : i32
      %dma_wait3A_219 = arith.constant 0 : i32
      %dma_wait3A_220 = tpu.memref_slice %arg3[%arg0, %arg1, %dma_wait3A_217, %dma_wait3A_218, %dma_wait3A_219] : memref<2x16x157x2x128xi32, #tpu.memory_space<hbm>> -> memref<1x1x157x2x128xi32, #tpu.memory_space<hbm>>
      %dma_wait3A_221 = tpu.memref_squeeze %dma_wait3A_220 : memref<1x1x157x2x128xi32, #tpu.memory_space<hbm>> -> memref<157x2x128xi32, #tpu.memory_space<hbm>>
      %dma_wait3A_222 = arith.constant 0 : i32
      %dma_wait3A_223 = arith.constant 0 : i32
      %dma_wait3A_224 = tpu.memref_slice %dma_wait3A_221[%run_scoped3A_107, %dma_wait3A_222, %dma_wait3A_223] : memref<157x2x128xi32, #tpu.memory_space<hbm>> -> memref<1x2x128xi32, #tpu.memory_space<hbm>>
      %dma_wait3A_225 = tpu.memref_squeeze %dma_wait3A_224 : memref<1x2x128xi32, #tpu.memory_space<hbm>> -> memref<2x128xi32, #tpu.memory_space<hbm>>
      %dma_wait3A_226 = arith.constant 0 : i32
      %dma_wait3A_227 = arith.constant 0 : i32
      %dma_wait3A_228 = tpu.memref_slice %arg5[%run_scoped3A_108, %dma_wait3A_226, %dma_wait3A_227] : memref<2x2x128xi32, #tpu.memory_space<vmem>> -> memref<1x2x128xi32, #tpu.memory_space<vmem>>
      %dma_wait3A_229 = tpu.memref_squeeze %dma_wait3A_228 : memref<1x2x128xi32, #tpu.memory_space<vmem>> -> memref<2x128xi32, #tpu.memory_space<vmem>>
      %dma_wait3A_230 = arith.constant 0 : i32
      %dma_wait3A_231 = arith.constant 0 : i32
      %dma_wait3A_232 = arith.constant 0 : i32
      %dma_wait3A_233 = tpu.memref_slice %arg3[%arg0, %arg1, %dma_wait3A_230, %dma_wait3A_231, %dma_wait3A_232] : memref<2x16x157x2x128xi32, #tpu.memory_space<hbm>> -> memref<1x1x157x2x128xi32, #tpu.memory_space<hbm>>
      %dma_wait3A_234 = tpu.memref_squeeze %dma_wait3A_233 : memref<1x1x157x2x128xi32, #tpu.memory_space<hbm>> -> memref<157x2x128xi32, #tpu.memory_space<hbm>>
      %dma_wait3A_235 = arith.constant 0 : i32
      %dma_wait3A_236 = arith.constant 0 : i32
      %dma_wait3A_237 = tpu.memref_slice %dma_wait3A_234[%run_scoped3A_107, %dma_wait3A_235, %dma_wait3A_236] : memref<157x2x128xi32, #tpu.memory_space<hbm>> -> memref<1x2x128xi32, #tpu.memory_space<hbm>>
      %dma_wait3A_238 = tpu.memref_squeeze %dma_wait3A_237 : memref<1x2x128xi32, #tpu.memory_space<hbm>> -> memref<2x128xi32, #tpu.memory_space<hbm>>
      tpu.wait_dma2 semaphore(%run_scoped3A_186 : memref<!tpu.dma_semaphore, #tpu.memory_space<semaphore_mem>>) src(%dma_wait3A_238 : memref<2x128xi32, #tpu.memory_space<hbm>>) dst(%dma_wait3A_229 : memref<2x128xi32, #tpu.memory_space<vmem>>)
      tpu.yield
    }) : () -> ()
    %dma_wait3A_109 = arith.constant 0 : i32
    %dma_wait3A_110 = arith.constant 0 : i32
    %dma_wait3A_111 = arith.constant 0 : i32
    %dma_wait3A_112 = tpu.memref_slice %arg6[%dma_wait3A_109, %dma_wait3A_110, %dma_wait3A_111] : memref<2x2x128xi32, #tpu.memory_space<vmem>> -> memref<1x1x128xi32, #tpu.memory_space<vmem>>
    %dma_wait3A_113 = tpu.memref_squeeze %dma_wait3A_112 : memref<1x1x128xi32, #tpu.memory_space<vmem>> -> memref<128xi32, #tpu.memory_space<vmem>>
    %dma_wait3A_114 = arith.constant 0 : i32
    %dma_wait3A_115 = arith.constant 0 : i32
    %dma_wait3A_116 = tpu.memref_slice %arg2[%arg0, %dma_wait3A_114, %dma_wait3A_115] : memref<2x10000x128xf32, #tpu.memory_space<hbm>> -> memref<1x10000x128xf32, #tpu.memory_space<hbm>>
    %dma_wait3A_117 = tpu.memref_squeeze %dma_wait3A_116 : memref<1x10000x128xf32, #tpu.memory_space<hbm>> -> memref<10000x128xf32, #tpu.memory_space<hbm>>
    %dma_wait3A_118 = arith.constant 0 : i32
    %dma_wait3A_119 = arith.constant 0 : i32
    %dma_wait3A_120 = tpu.memref_slice %dma_wait3A_117[%dma_wait3A_118, %dma_wait3A_119] : memref<10000x128xf32, #tpu.memory_space<hbm>> -> memref<10000x128xf32, #tpu.memory_space<hbm>>
    tpu.wait_indirect_dma semaphore(%arg12 : memref<!tpu.dma_semaphore, #tpu.memory_space<semaphore_mem>>) src(%dma_wait3A_120 : memref<10000x128xf32, #tpu.memory_space<hbm>>) dst(%arg7 : memref<128x128xf32, #tpu.memory_space<vmem>>)
    %dma_start3A_121 = arith.constant 1 : i32
    %dma_start3A_122 = arith.constant 0 : i32
    %dma_start3A_123 = arith.constant 0 : i32
    %dma_start3A_124 = tpu.memref_slice %arg6[%dma_start3A_121, %dma_start3A_122, %dma_start3A_123] : memref<2x2x128xi32, #tpu.memory_space<vmem>> -> memref<1x1x128xi32, #tpu.memory_space<vmem>>
    %dma_start3A_125 = tpu.memref_squeeze %dma_start3A_124 : memref<1x1x128xi32, #tpu.memory_space<vmem>> -> memref<128xi32, #tpu.memory_space<vmem>>
    %dma_start3A_126 = arith.constant 0 : i32
    %dma_start3A_127 = arith.constant 0 : i32
    %dma_start3A_128 = tpu.memref_slice %arg2[%arg0, %dma_start3A_126, %dma_start3A_127] : memref<2x10000x128xf32, #tpu.memory_space<hbm>> -> memref<1x10000x128xf32, #tpu.memory_space<hbm>>
    %dma_start3A_129 = tpu.memref_squeeze %dma_start3A_128 : memref<1x10000x128xf32, #tpu.memory_space<hbm>> -> memref<10000x128xf32, #tpu.memory_space<hbm>>
    %dma_start3A_130 = arith.constant 0 : i32
    %dma_start3A_131 = arith.constant 0 : i32
    %dma_start3A_132 = tpu.memref_slice %dma_start3A_129[%dma_start3A_130, %dma_start3A_131] : memref<10000x128xf32, #tpu.memory_space<hbm>> -> memref<10000x128xf32, #tpu.memory_space<hbm>>
    tpu.enqueue_indirect_dma source(%dma_start3A_132 : memref<10000x128xf32, #tpu.memory_space<hbm>>) target(%arg8 : memref<128x128xf32, #tpu.memory_space<vmem>>) offsets(%dma_start3A_125 : memref<128xi32, #tpu.memory_space<vmem>>) semaphore(%arg13 : memref<!tpu.dma_semaphore, #tpu.memory_space<semaphore_mem>>)
    %run_scoped3A_133 = arith.constant 0 : i32
    %run_scoped3A_134 = arith.constant 1 : i32
    "tpu.region"() ({
      %run_scoped3A_186 = tpu.sem_alloc : memref<!tpu.dma_semaphore, #tpu.memory_space<semaphore_mem>>
      %dma_start3A_187 = arith.constant 0 : i32
      %dma_start3A_188 = tpu.memref_slice %arg6[%run_scoped3A_133, %run_scoped3A_134, %dma_start3A_187] : memref<2x2x128xi32, #tpu.memory_space<vmem>> -> memref<1x1x128xi32, #tpu.memory_space<vmem>>
      %dma_start3A_189 = tpu.memref_squeeze %dma_start3A_188 : memref<1x1x128xi32, #tpu.memory_space<vmem>> -> memref<128xi32, #tpu.memory_space<vmem>>
      %dma_start3A_190 = arith.constant 0 : i32
      %dma_start3A_191 = arith.constant 0 : i32
      %dma_start3A_192 = tpu.memref_slice %arg9[%dma_start3A_190, %dma_start3A_191] : memref<10008x128xf32, #tpu.memory_space<vmem_shared>> -> memref<10008x128xf32, #tpu.memory_space<vmem_shared>>
      tpu.enqueue_indirect_dma source(%arg7 : memref<128x128xf32, #tpu.memory_space<vmem>>) target(%dma_start3A_192 : memref<10008x128xf32, #tpu.memory_space<vmem_shared>>) offsets(%dma_start3A_189 : memref<128xi32, #tpu.memory_space<vmem>>) semaphore(%run_scoped3A_186 : memref<!tpu.dma_semaphore, #tpu.memory_space<semaphore_mem>>) {add = true}
      %dma_wait3A_193 = arith.constant 0 : i32
      %dma_wait3A_194 = tpu.memref_slice %arg6[%run_scoped3A_133, %run_scoped3A_134, %dma_wait3A_193] : memref<2x2x128xi32, #tpu.memory_space<vmem>> -> memref<1x1x128xi32, #tpu.memory_space<vmem>>
      %dma_wait3A_195 = tpu.memref_squeeze %dma_wait3A_194 : memref<1x1x128xi32, #tpu.memory_space<vmem>> -> memref<128xi32, #tpu.memory_space<vmem>>
      %dma_wait3A_196 = arith.constant 0 : i32
      %dma_wait3A_197 = arith.constant 0 : i32
      %dma_wait3A_198 = tpu.memref_slice %arg9[%dma_wait3A_196, %dma_wait3A_197] : memref<10008x128xf32, #tpu.memory_space<vmem_shared>> -> memref<10008x128xf32, #tpu.memory_space<vmem_shared>>
      tpu.wait_indirect_dma semaphore(%run_scoped3A_186 : memref<!tpu.dma_semaphore, #tpu.memory_space<semaphore_mem>>) src(%arg7 : memref<128x128xf32, #tpu.memory_space<vmem>>) dst(%dma_wait3A_198 : memref<10008x128xf32, #tpu.memory_space<vmem_shared>>)
      tpu.yield
    }) : () -> ()
    %dma_start3A_135 = arith.constant 0 : i32
    %dma_start3A_136 = arith.constant 0 : i32
    %dma_start3A_137 = arith.constant 0 : i32
    %dma_start3A_138 = tpu.memref_slice %arg5[%dma_start3A_135, %dma_start3A_136, %dma_start3A_137] : memref<2x2x128xi32, #tpu.memory_space<vmem>> -> memref<1x1x128xi32, #tpu.memory_space<vmem>>
    %dma_start3A_139 = tpu.memref_squeeze %dma_start3A_138 : memref<1x1x128xi32, #tpu.memory_space<vmem>> -> memref<128xi32, #tpu.memory_space<vmem>>
    %dma_start3A_140 = arith.constant 0 : i32
    %dma_start3A_141 = arith.constant 0 : i32
    %dma_start3A_142 = tpu.memref_slice %arg2[%arg0, %dma_start3A_140, %dma_start3A_141] : memref<2x10000x128xf32, #tpu.memory_space<hbm>> -> memref<1x10000x128xf32, #tpu.memory_space<hbm>>
    %dma_start3A_143 = tpu.memref_squeeze %dma_start3A_142 : memref<1x10000x128xf32, #tpu.memory_space<hbm>> -> memref<10000x128xf32, #tpu.memory_space<hbm>>
    %dma_start3A_144 = arith.constant 0 : i32
    %dma_start3A_145 = arith.constant 0 : i32
    %dma_start3A_146 = tpu.memref_slice %dma_start3A_143[%dma_start3A_144, %dma_start3A_145] : memref<10000x128xf32, #tpu.memory_space<hbm>> -> memref<10000x128xf32, #tpu.memory_space<hbm>>
    tpu.enqueue_indirect_dma source(%dma_start3A_146 : memref<10000x128xf32, #tpu.memory_space<hbm>>) target(%arg7 : memref<128x128xf32, #tpu.memory_space<vmem>>) offsets(%dma_start3A_139 : memref<128xi32, #tpu.memory_space<vmem>>) semaphore(%arg12 : memref<!tpu.dma_semaphore, #tpu.memory_space<semaphore_mem>>)
    %dma_wait3A_147 = arith.constant 1 : i32
    %dma_wait3A_148 = arith.constant 0 : i32
    %dma_wait3A_149 = arith.constant 0 : i32
    %dma_wait3A_150 = tpu.memref_slice %arg6[%dma_wait3A_147, %dma_wait3A_148, %dma_wait3A_149] : memref<2x2x128xi32, #tpu.memory_space<vmem>> -> memref<1x1x128xi32, #tpu.memory_space<vmem>>
    %dma_wait3A_151 = tpu.memref_squeeze %dma_wait3A_150 : memref<1x1x128xi32, #tpu.memory_space<vmem>> -> memref<128xi32, #tpu.memory_space<vmem>>
    %dma_wait3A_152 = arith.constant 0 : i32
    %dma_wait3A_153 = arith.constant 0 : i32
    %dma_wait3A_154 = tpu.memref_slice %arg2[%arg0, %dma_wait3A_152, %dma_wait3A_153] : memref<2x10000x128xf32, #tpu.memory_space<hbm>> -> memref<1x10000x128xf32, #tpu.memory_space<hbm>>
    %dma_wait3A_155 = tpu.memref_squeeze %dma_wait3A_154 : memref<1x10000x128xf32, #tpu.memory_space<hbm>> -> memref<10000x128xf32, #tpu.memory_space<hbm>>
    %dma_wait3A_156 = arith.constant 0 : i32
    %dma_wait3A_157 = arith.constant 0 : i32
    %dma_wait3A_158 = tpu.memref_slice %dma_wait3A_155[%dma_wait3A_156, %dma_wait3A_157] : memref<10000x128xf32, #tpu.memory_space<hbm>> -> memref<10000x128xf32, #tpu.memory_space<hbm>>
    tpu.wait_indirect_dma semaphore(%arg13 : memref<!tpu.dma_semaphore, #tpu.memory_space<semaphore_mem>>) src(%dma_wait3A_158 : memref<10000x128xf32, #tpu.memory_space<hbm>>) dst(%arg8 : memref<128x128xf32, #tpu.memory_space<vmem>>)
    %run_scoped3A_159 = arith.constant 1 : i32
    %run_scoped3A_160 = arith.constant 1 : i32
    "tpu.region"() ({
      %run_scoped3A_186 = tpu.sem_alloc : memref<!tpu.dma_semaphore, #tpu.memory_space<semaphore_mem>>
      %dma_start3A_187 = arith.constant 0 : i32
      %dma_start3A_188 = tpu.memref_slice %arg6[%run_scoped3A_159, %run_scoped3A_160, %dma_start3A_187] : memref<2x2x128xi32, #tpu.memory_space<vmem>> -> memref<1x1x128xi32, #tpu.memory_space<vmem>>
      %dma_start3A_189 = tpu.memref_squeeze %dma_start3A_188 : memref<1x1x128xi32, #tpu.memory_space<vmem>> -> memref<128xi32, #tpu.memory_space<vmem>>
      %dma_start3A_190 = arith.constant 0 : i32
      %dma_start3A_191 = arith.constant 0 : i32
      %dma_start3A_192 = tpu.memref_slice %arg9[%dma_start3A_190, %dma_start3A_191] : memref<10008x128xf32, #tpu.memory_space<vmem_shared>> -> memref<10008x128xf32, #tpu.memory_space<vmem_shared>>
      tpu.enqueue_indirect_dma source(%arg8 : memref<128x128xf32, #tpu.memory_space<vmem>>) target(%dma_start3A_192 : memref<10008x128xf32, #tpu.memory_space<vmem_shared>>) offsets(%dma_start3A_189 : memref<128xi32, #tpu.memory_space<vmem>>) semaphore(%run_scoped3A_186 : memref<!tpu.dma_semaphore, #tpu.memory_space<semaphore_mem>>) {add = true}
      %dma_wait3A_193 = arith.constant 0 : i32
      %dma_wait3A_194 = tpu.memref_slice %arg6[%run_scoped3A_159, %run_scoped3A_160, %dma_wait3A_193] : memref<2x2x128xi32, #tpu.memory_space<vmem>> -> memref<1x1x128xi32, #tpu.memory_space<vmem>>
      %dma_wait3A_195 = tpu.memref_squeeze %dma_wait3A_194 : memref<1x1x128xi32, #tpu.memory_space<vmem>> -> memref<128xi32, #tpu.memory_space<vmem>>
      %dma_wait3A_196 = arith.constant 0 : i32
      %dma_wait3A_197 = arith.constant 0 : i32
      %dma_wait3A_198 = tpu.memref_slice %arg9[%dma_wait3A_196, %dma_wait3A_197] : memref<10008x128xf32, #tpu.memory_space<vmem_shared>> -> memref<10008x128xf32, #tpu.memory_space<vmem_shared>>
      tpu.wait_indirect_dma semaphore(%run_scoped3A_186 : memref<!tpu.dma_semaphore, #tpu.memory_space<semaphore_mem>>) src(%arg8 : memref<128x128xf32, #tpu.memory_space<vmem>>) dst(%dma_wait3A_198 : memref<10008x128xf32, #tpu.memory_space<vmem_shared>>)
      tpu.yield
    }) : () -> ()
    %dma_wait3A_161 = arith.constant 0 : i32
    %dma_wait3A_162 = arith.constant 0 : i32
    %dma_wait3A_163 = arith.constant 0 : i32
    %dma_wait3A_164 = tpu.memref_slice %arg5[%dma_wait3A_161, %dma_wait3A_162, %dma_wait3A_163] : memref<2x2x128xi32, #tpu.memory_space<vmem>> -> memref<1x1x128xi32, #tpu.memory_space<vmem>>
    %dma_wait3A_165 = tpu.memref_squeeze %dma_wait3A_164 : memref<1x1x128xi32, #tpu.memory_space<vmem>> -> memref<128xi32, #tpu.memory_space<vmem>>
    %dma_wait3A_166 = arith.constant 0 : i32
    %dma_wait3A_167 = arith.constant 0 : i32
    %dma_wait3A_168 = tpu.memref_slice %arg2[%arg0, %dma_wait3A_166, %dma_wait3A_167] : memref<2x10000x128xf32, #tpu.memory_space<hbm>> -> memref<1x10000x128xf32, #tpu.memory_space<hbm>>
    %dma_wait3A_169 = tpu.memref_squeeze %dma_wait3A_168 : memref<1x10000x128xf32, #tpu.memory_space<hbm>> -> memref<10000x128xf32, #tpu.memory_space<hbm>>
    %dma_wait3A_170 = arith.constant 0 : i32
    %dma_wait3A_171 = arith.constant 0 : i32
    %dma_wait3A_172 = tpu.memref_slice %dma_wait3A_169[%dma_wait3A_170, %dma_wait3A_171] : memref<10000x128xf32, #tpu.memory_space<hbm>> -> memref<10000x128xf32, #tpu.memory_space<hbm>>
    tpu.wait_indirect_dma semaphore(%arg12 : memref<!tpu.dma_semaphore, #tpu.memory_space<semaphore_mem>>) src(%dma_wait3A_172 : memref<10000x128xf32, #tpu.memory_space<hbm>>) dst(%arg7 : memref<128x128xf32, #tpu.memory_space<vmem>>)
    %run_scoped3A_173 = arith.constant 0 : i32
    %run_scoped3A_174 = arith.constant 1 : i32
    "tpu.region"() ({
      %run_scoped3A_186 = tpu.sem_alloc : memref<!tpu.dma_semaphore, #tpu.memory_space<semaphore_mem>>
      %dma_start3A_187 = arith.constant 0 : i32
      %dma_start3A_188 = tpu.memref_slice %arg5[%run_scoped3A_173, %run_scoped3A_174, %dma_start3A_187] : memref<2x2x128xi32, #tpu.memory_space<vmem>> -> memref<1x1x128xi32, #tpu.memory_space<vmem>>
      %dma_start3A_189 = tpu.memref_squeeze %dma_start3A_188 : memref<1x1x128xi32, #tpu.memory_space<vmem>> -> memref<128xi32, #tpu.memory_space<vmem>>
      %dma_start3A_190 = arith.constant 0 : i32
      %dma_start3A_191 = arith.constant 0 : i32
      %dma_start3A_192 = tpu.memref_slice %arg9[%dma_start3A_190, %dma_start3A_191] : memref<10008x128xf32, #tpu.memory_space<vmem_shared>> -> memref<10008x128xf32, #tpu.memory_space<vmem_shared>>
      tpu.enqueue_indirect_dma source(%arg7 : memref<128x128xf32, #tpu.memory_space<vmem>>) target(%dma_start3A_192 : memref<10008x128xf32, #tpu.memory_space<vmem_shared>>) offsets(%dma_start3A_189 : memref<128xi32, #tpu.memory_space<vmem>>) semaphore(%run_scoped3A_186 : memref<!tpu.dma_semaphore, #tpu.memory_space<semaphore_mem>>) {add = true}
      %dma_wait3A_193 = arith.constant 0 : i32
      %dma_wait3A_194 = tpu.memref_slice %arg5[%run_scoped3A_173, %run_scoped3A_174, %dma_wait3A_193] : memref<2x2x128xi32, #tpu.memory_space<vmem>> -> memref<1x1x128xi32, #tpu.memory_space<vmem>>
      %dma_wait3A_195 = tpu.memref_squeeze %dma_wait3A_194 : memref<1x1x128xi32, #tpu.memory_space<vmem>> -> memref<128xi32, #tpu.memory_space<vmem>>
      %dma_wait3A_196 = arith.constant 0 : i32
      %dma_wait3A_197 = arith.constant 0 : i32
      %dma_wait3A_198 = tpu.memref_slice %arg9[%dma_wait3A_196, %dma_wait3A_197] : memref<10008x128xf32, #tpu.memory_space<vmem_shared>> -> memref<10008x128xf32, #tpu.memory_space<vmem_shared>>
      tpu.wait_indirect_dma semaphore(%run_scoped3A_186 : memref<!tpu.dma_semaphore, #tpu.memory_space<semaphore_mem>>) src(%arg7 : memref<128x128xf32, #tpu.memory_space<vmem>>) dst(%dma_wait3A_198 : memref<10008x128xf32, #tpu.memory_space<vmem_shared>>)
      tpu.yield
    }) : () -> ()
    %barrier3A_175 = arith.constant 0 : index
    tpu.barrier barrier_id(%barrier3A_175)
    %lt3A_176 = arith.constant 15 : i32
    %lt3A_177 = arith.cmpi slt, %arg1, %lt3A_176 : i32
    %convert_element_type3A_178 = arith.extui %lt3A_177 : i1 to i32
    %cond3A_179 = arith.constant 0 : i32
    %cond3A_180 = arith.cmpi ne, %convert_element_type3A_178, %cond3A_179 : i32
    scf.if %cond3A_180 {
      %mul3A = arith.constant 640 : i32
      %mul3A_186 = arith.muli %arg1, %mul3A : i32
      %mul3A_187 = arith.constant 640 : i32
      %mul3A_188 = arith.muli %arg1, %mul3A_187 : i32
      "tpu.region"() ({
        %run_scoped3A_189 = tpu.sem_alloc : memref<!tpu.dma_semaphore, #tpu.memory_space<semaphore_mem>>
        %dma_start3A_190 = arith.constant 0 : i32
        %dma_start3A_191 = arith.constant 0 : i32
        %dma_start3A_192 = tpu.memref_slice %arg4[%arg0, %dma_start3A_190, %dma_start3A_191] : memref<2x10000x128xf32, #tpu.memory_space<hbm>> -> memref<1x10000x128xf32, #tpu.memory_space<hbm>>
        %dma_start3A_193 = tpu.memref_squeeze %dma_start3A_192 : memref<1x10000x128xf32, #tpu.memory_space<hbm>> -> memref<10000x128xf32, #tpu.memory_space<hbm>>
        %dma_start3A_194 = arith.constant 0 : i32
        %dma_start3A_195 = tpu.memref_slice %dma_start3A_193[%mul3A_188, %dma_start3A_194] : memref<10000x128xf32, #tpu.memory_space<hbm>> -> memref<640x128xf32, #tpu.memory_space<hbm>>
        %dma_start3A_196 = arith.constant 0 : i32
        %dma_start3A_197 = tpu.memref_slice %arg9[%mul3A_186, %dma_start3A_196] : memref<10008x128xf32, #tpu.memory_space<vmem_shared>> -> memref<640x128xf32, #tpu.memory_space<vmem_shared>>
        tpu.enqueue_dma source(%dma_start3A_197 : memref<640x128xf32, #tpu.memory_space<vmem_shared>>) target(%dma_start3A_195 : memref<640x128xf32, #tpu.memory_space<hbm>>) target_semaphore(%run_scoped3A_189 : memref<!tpu.dma_semaphore, #tpu.memory_space<semaphore_mem>>)
        %dma_wait3A_198 = arith.constant 0 : i32
        %dma_wait3A_199 = arith.constant 0 : i32
        %dma_wait3A_200 = tpu.memref_slice %arg4[%arg0, %dma_wait3A_198, %dma_wait3A_199] : memref<2x10000x128xf32, #tpu.memory_space<hbm>> -> memref<1x10000x128xf32, #tpu.memory_space<hbm>>
        %dma_wait3A_201 = tpu.memref_squeeze %dma_wait3A_200 : memref<1x10000x128xf32, #tpu.memory_space<hbm>> -> memref<10000x128xf32, #tpu.memory_space<hbm>>
        %dma_wait3A_202 = arith.constant 0 : i32
        %dma_wait3A_203 = tpu.memref_slice %dma_wait3A_201[%mul3A_188, %dma_wait3A_202] : memref<10000x128xf32, #tpu.memory_space<hbm>> -> memref<640x128xf32, #tpu.memory_space<hbm>>
        %dma_wait3A_204 = arith.constant 0 : i32
        %dma_wait3A_205 = tpu.memref_slice %arg9[%mul3A_186, %dma_wait3A_204] : memref<10008x128xf32, #tpu.memory_space<vmem_shared>> -> memref<640x128xf32, #tpu.memory_space<vmem_shared>>
        tpu.wait_dma2 semaphore(%run_scoped3A_189 : memref<!tpu.dma_semaphore, #tpu.memory_space<semaphore_mem>>) src(%dma_wait3A_205 : memref<640x128xf32, #tpu.memory_space<vmem_shared>>) dst(%dma_wait3A_203 : memref<640x128xf32, #tpu.memory_space<hbm>>)
        tpu.yield
      }) : () -> ()
    } else {
    }
    %eq3A_181 = arith.constant 15 : i32
    %eq3A_182 = arith.cmpi eq, %arg1, %eq3A_181 : i32
    %convert_element_type3A_183 = arith.extui %eq3A_182 : i1 to i32
    %cond3A_184 = arith.constant 0 : i32
    %cond3A_185 = arith.cmpi ne, %convert_element_type3A_183, %cond3A_184 : i32
    scf.if %cond3A_185 {
      "tpu.region"() ({
        %run_scoped3A_186 = tpu.sem_alloc : memref<!tpu.dma_semaphore, #tpu.memory_space<semaphore_mem>>
        %dma_start3A_187 = arith.constant 0 : i32
        %dma_start3A_188 = arith.constant 0 : i32
        %dma_start3A_189 = tpu.memref_slice %arg4[%arg0, %dma_start3A_187, %dma_start3A_188] : memref<2x10000x128xf32, #tpu.memory_space<hbm>> -> memref<1x10000x128xf32, #tpu.memory_space<hbm>>
        %dma_start3A_190 = tpu.memref_squeeze %dma_start3A_189 : memref<1x10000x128xf32, #tpu.memory_space<hbm>> -> memref<10000x128xf32, #tpu.memory_space<hbm>>
        %dma_start3A_191 = arith.constant 9600 : i32
        %dma_start3A_192 = arith.constant 0 : i32
        %dma_start3A_193 = tpu.memref_slice %dma_start3A_190[%dma_start3A_191, %dma_start3A_192] : memref<10000x128xf32, #tpu.memory_space<hbm>> -> memref<400x128xf32, #tpu.memory_space<hbm>>
        %dma_start3A_194 = arith.constant 9600 : i32
        %dma_start3A_195 = arith.constant 0 : i32
        %dma_start3A_196 = tpu.memref_slice %arg9[%dma_start3A_194, %dma_start3A_195] : memref<10008x128xf32, #tpu.memory_space<vmem_shared>> -> memref<400x128xf32, #tpu.memory_space<vmem_shared>>
        tpu.enqueue_dma source(%dma_start3A_196 : memref<400x128xf32, #tpu.memory_space<vmem_shared>>) target(%dma_start3A_193 : memref<400x128xf32, #tpu.memory_space<hbm>>) target_semaphore(%run_scoped3A_186 : memref<!tpu.dma_semaphore, #tpu.memory_space<semaphore_mem>>)
        %dma_wait3A_197 = arith.constant 0 : i32
        %dma_wait3A_198 = arith.constant 0 : i32
        %dma_wait3A_199 = tpu.memref_slice %arg4[%arg0, %dma_wait3A_197, %dma_wait3A_198] : memref<2x10000x128xf32, #tpu.memory_space<hbm>> -> memref<1x10000x128xf32, #tpu.memory_space<hbm>>
        %dma_wait3A_200 = tpu.memref_squeeze %dma_wait3A_199 : memref<1x10000x128xf32, #tpu.memory_space<hbm>> -> memref<10000x128xf32, #tpu.memory_space<hbm>>
        %dma_wait3A_201 = arith.constant 9600 : i32
        %dma_wait3A_202 = arith.constant 0 : i32
        %dma_wait3A_203 = tpu.memref_slice %dma_wait3A_200[%dma_wait3A_201, %dma_wait3A_202] : memref<10000x128xf32, #tpu.memory_space<hbm>> -> memref<400x128xf32, #tpu.memory_space<hbm>>
        %dma_wait3A_204 = arith.constant 9600 : i32
        %dma_wait3A_205 = arith.constant 0 : i32
        %dma_wait3A_206 = tpu.memref_slice %arg9[%dma_wait3A_204, %dma_wait3A_205] : memref<10008x128xf32, #tpu.memory_space<vmem_shared>> -> memref<400x128xf32, #tpu.memory_space<vmem_shared>>
        tpu.wait_dma2 semaphore(%run_scoped3A_186 : memref<!tpu.dma_semaphore, #tpu.memory_space<semaphore_mem>>) src(%dma_wait3A_206 : memref<400x128xf32, #tpu.memory_space<vmem_shared>>) dst(%dma_wait3A_203 : memref<400x128xf32, #tpu.memory_space<hbm>>)
        tpu.yield
      }) : () -> ()
    } else {
    }
    return
  }
}

#map = affine_map<(d0, d1) -> (0)>
#map1 = affine_map<(d0, d1) -> (0, 0, 0)>
module attributes {stable_mosaic.version = 14 : i64} {
  func.func @_sc_degree(%arg0: i32, %arg1: i32, %arg2: memref<320000xi32, #tpu.memory_space<hbm>>, %arg3: memref<320000xi32, #tpu.memory_space<hbm>>, %arg4: memref<2x16x10016xf32, #tpu.memory_space<hbm>>, %arg5: memref<19968xi32, #tpu.memory_space<vmem>>, %arg6: memref<10016xf32, #tpu.memory_space<vmem>>) attributes {dimension_semantics = [#tpu.dimension_semantics<core_parallel>, #tpu.dimension_semantics<subcore_parallel>], iteration_bounds = array<i64: 2, 16>, scalar_prefetch = 0 : i64, scratch_operands = 2 : i64, tpu.core_type = #tpu.core_type<sc_vector_subcore>, window_params = [{transform_indices = #map}, {transform_indices = #map}, {transform_indices = #map1}]} {
    %mul3A = arith.constant 19968 : i32
    %mul3A_0 = arith.muli %arg1, %mul3A : i32
    %multiple_of3A = tpu.assume_multiple %mul3A_0, 128 : i32
    %eq3A = arith.constant 0 : i32
    %eq3A_1 = arith.cmpi eq, %arg0, %eq3A : i32
    %convert_element_type3A = arith.extui %eq3A_1 : i1 to i32
    %cond3A = arith.constant 0 : i32
    %cond3A_2 = arith.cmpi ne, %convert_element_type3A, %cond3A : i32
    scf.if %cond3A_2 {
      "tpu.region"() ({
        %run_scoped3A = tpu.sem_alloc : memref<!tpu.dma_semaphore, #tpu.memory_space<semaphore_mem>>
        %dma_start3A = tpu.memref_slice %arg2[%multiple_of3A] : memref<320000xi32, #tpu.memory_space<hbm>> -> memref<19968xi32, #tpu.memory_space<hbm>>
        %dma_start3A_35 = tpu.memref_slice %arg2[%multiple_of3A] : memref<320000xi32, #tpu.memory_space<hbm>> -> memref<19968xi32, #tpu.memory_space<hbm>>
        tpu.enqueue_dma source(%dma_start3A_35 : memref<19968xi32, #tpu.memory_space<hbm>>) target(%arg5 : memref<19968xi32, #tpu.memory_space<vmem>>) target_semaphore(%run_scoped3A : memref<!tpu.dma_semaphore, #tpu.memory_space<semaphore_mem>>)
        %dma_wait3A = tpu.memref_slice %arg2[%multiple_of3A] : memref<320000xi32, #tpu.memory_space<hbm>> -> memref<19968xi32, #tpu.memory_space<hbm>>
        %dma_wait3A_36 = tpu.memref_slice %arg2[%multiple_of3A] : memref<320000xi32, #tpu.memory_space<hbm>> -> memref<19968xi32, #tpu.memory_space<hbm>>
        tpu.wait_dma2 semaphore(%run_scoped3A : memref<!tpu.dma_semaphore, #tpu.memory_space<semaphore_mem>>) src(%dma_wait3A_36 : memref<19968xi32, #tpu.memory_space<hbm>>) dst(%arg5 : memref<19968xi32, #tpu.memory_space<vmem>>)
        tpu.yield
      }) : () -> ()
    } else {
    }
    %eq3A_3 = arith.constant 1 : i32
    %eq3A_4 = arith.cmpi eq, %arg0, %eq3A_3 : i32
    %convert_element_type3A_5 = arith.extui %eq3A_4 : i1 to i32
    %cond3A_6 = arith.constant 0 : i32
    %cond3A_7 = arith.cmpi ne, %convert_element_type3A_5, %cond3A_6 : i32
    scf.if %cond3A_7 {
      "tpu.region"() ({
        %run_scoped3A = tpu.sem_alloc : memref<!tpu.dma_semaphore, #tpu.memory_space<semaphore_mem>>
        %dma_start3A = tpu.memref_slice %arg3[%multiple_of3A] : memref<320000xi32, #tpu.memory_space<hbm>> -> memref<19968xi32, #tpu.memory_space<hbm>>
        %dma_start3A_35 = tpu.memref_slice %arg3[%multiple_of3A] : memref<320000xi32, #tpu.memory_space<hbm>> -> memref<19968xi32, #tpu.memory_space<hbm>>
        tpu.enqueue_dma source(%dma_start3A_35 : memref<19968xi32, #tpu.memory_space<hbm>>) target(%arg5 : memref<19968xi32, #tpu.memory_space<vmem>>) target_semaphore(%run_scoped3A : memref<!tpu.dma_semaphore, #tpu.memory_space<semaphore_mem>>)
        %dma_wait3A = tpu.memref_slice %arg3[%multiple_of3A] : memref<320000xi32, #tpu.memory_space<hbm>> -> memref<19968xi32, #tpu.memory_space<hbm>>
        %dma_wait3A_36 = tpu.memref_slice %arg3[%multiple_of3A] : memref<320000xi32, #tpu.memory_space<hbm>> -> memref<19968xi32, #tpu.memory_space<hbm>>
        tpu.wait_dma2 semaphore(%run_scoped3A : memref<!tpu.dma_semaphore, #tpu.memory_space<semaphore_mem>>) src(%dma_wait3A_36 : memref<19968xi32, #tpu.memory_space<hbm>>) dst(%arg5 : memref<19968xi32, #tpu.memory_space<vmem>>)
        tpu.yield
      }) : () -> ()
    } else {
    }
    %broadcast_in_dim3A = arith.constant 0.000000e+00 : f32
    %broadcast_in_dim3A_8 = vector.broadcast %broadcast_in_dim3A : f32 to vector<16xf32>
    %scan3A = arith.constant 0 : i32
    %scan3A_9 = arith.constant 624 : i32
    %scan3A_10 = arith.addi %scan3A, %scan3A_9 : i32
    %scan3A_11 = arith.constant 8 : i32
    scf.for %scan3A_35 = %scan3A to %scan3A_10 step %scan3A_11  : i32 {
      %mul3A_36 = arith.constant 16 : i32
      %mul3A_37 = arith.muli %scan3A_35, %mul3A_36 : i32
      %swap3A_38 = arith.index_cast %mul3A_37 : i32 to index
      %swap3A_39 = tpu.vector_load %arg6[%swap3A_38] {strides = array<i32>} : memref<10016xf32, #tpu.memory_space<vmem>>, vector<16xf32>,
      tpu.vector_store %arg6[%swap3A_38], %broadcast_in_dim3A_8 {strides = array<i32>} : memref<10016xf32, #tpu.memory_space<vmem>>, vector<16xf32>,
      %scan3A_40 = arith.constant 1 : i32
      %scan3A_41 = arith.addi %scan3A_35, %scan3A_40 : i32
      %mul3A_42 = arith.constant 16 : i32
      %mul3A_43 = arith.muli %scan3A_41, %mul3A_42 : i32
      %swap3A_44 = arith.index_cast %mul3A_43 : i32 to index
      %swap3A_45 = tpu.vector_load %arg6[%swap3A_44] {strides = array<i32>} : memref<10016xf32, #tpu.memory_space<vmem>>, vector<16xf32>,
      tpu.vector_store %arg6[%swap3A_44], %broadcast_in_dim3A_8 {strides = array<i32>} : memref<10016xf32, #tpu.memory_space<vmem>>, vector<16xf32>,
      %scan3A_46 = arith.constant 2 : i32
      %scan3A_47 = arith.addi %scan3A_35, %scan3A_46 : i32
      %mul3A_48 = arith.constant 16 : i32
      %mul3A_49 = arith.muli %scan3A_47, %mul3A_48 : i32
      %swap3A_50 = arith.index_cast %mul3A_49 : i32 to index
      %swap3A_51 = tpu.vector_load %arg6[%swap3A_50] {strides = array<i32>} : memref<10016xf32, #tpu.memory_space<vmem>>, vector<16xf32>,
      tpu.vector_store %arg6[%swap3A_50], %broadcast_in_dim3A_8 {strides = array<i32>} : memref<10016xf32, #tpu.memory_space<vmem>>, vector<16xf32>,
      %scan3A_52 = arith.constant 3 : i32
      %scan3A_53 = arith.addi %scan3A_35, %scan3A_52 : i32
      %mul3A_54 = arith.constant 16 : i32
      %mul3A_55 = arith.muli %scan3A_53, %mul3A_54 : i32
      %swap3A_56 = arith.index_cast %mul3A_55 : i32 to index
      %swap3A_57 = tpu.vector_load %arg6[%swap3A_56] {strides = array<i32>} : memref<10016xf32, #tpu.memory_space<vmem>>, vector<16xf32>,
      tpu.vector_store %arg6[%swap3A_56], %broadcast_in_dim3A_8 {strides = array<i32>} : memref<10016xf32, #tpu.memory_space<vmem>>, vector<16xf32>,
      %scan3A_58 = arith.constant 4 : i32
      %scan3A_59 = arith.addi %scan3A_35, %scan3A_58 : i32
      %mul3A_60 = arith.constant 16 : i32
      %mul3A_61 = arith.muli %scan3A_59, %mul3A_60 : i32
      %swap3A_62 = arith.index_cast %mul3A_61 : i32 to index
      %swap3A_63 = tpu.vector_load %arg6[%swap3A_62] {strides = array<i32>} : memref<10016xf32, #tpu.memory_space<vmem>>, vector<16xf32>,
      tpu.vector_store %arg6[%swap3A_62], %broadcast_in_dim3A_8 {strides = array<i32>} : memref<10016xf32, #tpu.memory_space<vmem>>, vector<16xf32>,
      %scan3A_64 = arith.constant 5 : i32
      %scan3A_65 = arith.addi %scan3A_35, %scan3A_64 : i32
      %mul3A_66 = arith.constant 16 : i32
      %mul3A_67 = arith.muli %scan3A_65, %mul3A_66 : i32
      %swap3A_68 = arith.index_cast %mul3A_67 : i32 to index
      %swap3A_69 = tpu.vector_load %arg6[%swap3A_68] {strides = array<i32>} : memref<10016xf32, #tpu.memory_space<vmem>>, vector<16xf32>,
      tpu.vector_store %arg6[%swap3A_68], %broadcast_in_dim3A_8 {strides = array<i32>} : memref<10016xf32, #tpu.memory_space<vmem>>, vector<16xf32>,
      %scan3A_70 = arith.constant 6 : i32
      %scan3A_71 = arith.addi %scan3A_35, %scan3A_70 : i32
      %mul3A_72 = arith.constant 16 : i32
      %mul3A_73 = arith.muli %scan3A_71, %mul3A_72 : i32
      %swap3A_74 = arith.index_cast %mul3A_73 : i32 to index
      %swap3A_75 = tpu.vector_load %arg6[%swap3A_74] {strides = array<i32>} : memref<10016xf32, #tpu.memory_space<vmem>>, vector<16xf32>,
      tpu.vector_store %arg6[%swap3A_74], %broadcast_in_dim3A_8 {strides = array<i32>} : memref<10016xf32, #tpu.memory_space<vmem>>, vector<16xf32>,
      %scan3A_76 = arith.constant 7 : i32
      %scan3A_77 = arith.addi %scan3A_35, %scan3A_76 : i32
      %mul3A_78 = arith.constant 16 : i32
      %mul3A_79 = arith.muli %scan3A_77, %mul3A_78 : i32
      %swap3A_80 = arith.index_cast %mul3A_79 : i32 to index
      %swap3A_81 = tpu.vector_load %arg6[%swap3A_80] {strides = array<i32>} : memref<10016xf32, #tpu.memory_space<vmem>>, vector<16xf32>,
      tpu.vector_store %arg6[%swap3A_80], %broadcast_in_dim3A_8 {strides = array<i32>} : memref<10016xf32, #tpu.memory_space<vmem>>, vector<16xf32>,
    }
    %scan3A_12 = arith.constant 624 : i32
    %scan3A_13 = arith.addi %scan3A, %scan3A_12 : i32
    %mul3A_14 = arith.constant 16 : i32
    %mul3A_15 = arith.muli %scan3A_13, %mul3A_14 : i32
    %swap3A = arith.index_cast %mul3A_15 : i32 to index
    %swap3A_16 = tpu.vector_load %arg6[%swap3A] {strides = array<i32>} : memref<10016xf32, #tpu.memory_space<vmem>>, vector<16xf32>,
    tpu.vector_store %arg6[%swap3A], %broadcast_in_dim3A_8 {strides = array<i32>} : memref<10016xf32, #tpu.memory_space<vmem>>, vector<16xf32>,
    %scan3A_17 = arith.constant 625 : i32
    %scan3A_18 = arith.addi %scan3A, %scan3A_17 : i32
    %mul3A_19 = arith.constant 16 : i32
    %mul3A_20 = arith.muli %scan3A_18, %mul3A_19 : i32
    %swap3A_21 = arith.index_cast %mul3A_20 : i32 to index
    %swap3A_22 = tpu.vector_load %arg6[%swap3A_21] {strides = array<i32>} : memref<10016xf32, #tpu.memory_space<vmem>>, vector<16xf32>,
    tpu.vector_store %arg6[%swap3A_21], %broadcast_in_dim3A_8 {strides = array<i32>} : memref<10016xf32, #tpu.memory_space<vmem>>, vector<16xf32>,
    %scan3A_23 = arith.constant 626 : i32
    %broadcast_in_dim3A_24 = arith.constant 1.000000e+00 : f32
    %broadcast_in_dim3A_25 = vector.broadcast %broadcast_in_dim3A_24 : f32 to vector<16xf32>
    %scan3A_26 = arith.constant 0 : i32
    %scan3A_27 = arith.constant 1248 : i32
    %scan3A_28 = arith.addi %scan3A_26, %scan3A_27 : i32
    %scan3A_29 = arith.constant 8 : i32
    scf.for %scan3A_35 = %scan3A_26 to %scan3A_28 step %scan3A_29  : i32 {
      %mul3A_36 = arith.constant 16 : i32
      %mul3A_37 = arith.muli %scan3A_35, %mul3A_36 : i32
      %get3A = arith.index_cast %mul3A_37 : i32 to index
      %get3A_38 = tpu.vector_load %arg5[%get3A] {strides = array<i32>} : memref<19968xi32, #tpu.memory_space<vmem>>, vector<16xi32>,
      tpu.vector_store_idx %arg6[%get3A_38], %broadcast_in_dim3A_25 {add = true} : memref<10016xf32, #tpu.memory_space<vmem>>[vector<16xi32>], vector<16xf32>,
      %scan3A_39 = arith.constant 1 : i32
      %scan3A_40 = arith.addi %scan3A_35, %scan3A_39 : i32
      %mul3A_41 = arith.constant 16 : i32
      %mul3A_42 = arith.muli %scan3A_40, %mul3A_41 : i32
      %get3A_43 = arith.index_cast %mul3A_42 : i32 to index
      %get3A_44 = tpu.vector_load %arg5[%get3A_43] {strides = array<i32>} : memref<19968xi32, #tpu.memory_space<vmem>>, vector<16xi32>,
      tpu.vector_store_idx %arg6[%get3A_44], %broadcast_in_dim3A_25 {add = true} : memref<10016xf32, #tpu.memory_space<vmem>>[vector<16xi32>], vector<16xf32>,
      %scan3A_45 = arith.constant 2 : i32
      %scan3A_46 = arith.addi %scan3A_35, %scan3A_45 : i32
      %mul3A_47 = arith.constant 16 : i32
      %mul3A_48 = arith.muli %scan3A_46, %mul3A_47 : i32
      %get3A_49 = arith.index_cast %mul3A_48 : i32 to index
      %get3A_50 = tpu.vector_load %arg5[%get3A_49] {strides = array<i32>} : memref<19968xi32, #tpu.memory_space<vmem>>, vector<16xi32>,
      tpu.vector_store_idx %arg6[%get3A_50], %broadcast_in_dim3A_25 {add = true} : memref<10016xf32, #tpu.memory_space<vmem>>[vector<16xi32>], vector<16xf32>,
      %scan3A_51 = arith.constant 3 : i32
      %scan3A_52 = arith.addi %scan3A_35, %scan3A_51 : i32
      %mul3A_53 = arith.constant 16 : i32
      %mul3A_54 = arith.muli %scan3A_52, %mul3A_53 : i32
      %get3A_55 = arith.index_cast %mul3A_54 : i32 to index
      %get3A_56 = tpu.vector_load %arg5[%get3A_55] {strides = array<i32>} : memref<19968xi32, #tpu.memory_space<vmem>>, vector<16xi32>,
      tpu.vector_store_idx %arg6[%get3A_56], %broadcast_in_dim3A_25 {add = true} : memref<10016xf32, #tpu.memory_space<vmem>>[vector<16xi32>], vector<16xf32>,
      %scan3A_57 = arith.constant 4 : i32
      %scan3A_58 = arith.addi %scan3A_35, %scan3A_57 : i32
      %mul3A_59 = arith.constant 16 : i32
      %mul3A_60 = arith.muli %scan3A_58, %mul3A_59 : i32
      %get3A_61 = arith.index_cast %mul3A_60 : i32 to index
      %get3A_62 = tpu.vector_load %arg5[%get3A_61] {strides = array<i32>} : memref<19968xi32, #tpu.memory_space<vmem>>, vector<16xi32>,
      tpu.vector_store_idx %arg6[%get3A_62], %broadcast_in_dim3A_25 {add = true} : memref<10016xf32, #tpu.memory_space<vmem>>[vector<16xi32>], vector<16xf32>,
      %scan3A_63 = arith.constant 5 : i32
      %scan3A_64 = arith.addi %scan3A_35, %scan3A_63 : i32
      %mul3A_65 = arith.constant 16 : i32
      %mul3A_66 = arith.muli %scan3A_64, %mul3A_65 : i32
      %get3A_67 = arith.index_cast %mul3A_66 : i32 to index
      %get3A_68 = tpu.vector_load %arg5[%get3A_67] {strides = array<i32>} : memref<19968xi32, #tpu.memory_space<vmem>>, vector<16xi32>,
      tpu.vector_store_idx %arg6[%get3A_68], %broadcast_in_dim3A_25 {add = true} : memref<10016xf32, #tpu.memory_space<vmem>>[vector<16xi32>], vector<16xf32>,
      %scan3A_69 = arith.constant 6 : i32
      %scan3A_70 = arith.addi %scan3A_35, %scan3A_69 : i32
      %mul3A_71 = arith.constant 16 : i32
      %mul3A_72 = arith.muli %scan3A_70, %mul3A_71 : i32
      %get3A_73 = arith.index_cast %mul3A_72 : i32 to index
      %get3A_74 = tpu.vector_load %arg5[%get3A_73] {strides = array<i32>} : memref<19968xi32, #tpu.memory_space<vmem>>, vector<16xi32>,
      tpu.vector_store_idx %arg6[%get3A_74], %broadcast_in_dim3A_25 {add = true} : memref<10016xf32, #tpu.memory_space<vmem>>[vector<16xi32>], vector<16xf32>,
      %scan3A_75 = arith.constant 7 : i32
      %scan3A_76 = arith.addi %scan3A_35, %scan3A_75 : i32
      %mul3A_77 = arith.constant 16 : i32
      %mul3A_78 = arith.muli %scan3A_76, %mul3A_77 : i32
      %get3A_79 = arith.index_cast %mul3A_78 : i32 to index
      %get3A_80 = tpu.vector_load %arg5[%get3A_79] {strides = array<i32>} : memref<19968xi32, #tpu.memory_space<vmem>>, vector<16xi32>,
      tpu.vector_store_idx %arg6[%get3A_80], %broadcast_in_dim3A_25 {add = true} : memref<10016xf32, #tpu.memory_space<vmem>>[vector<16xi32>], vector<16xf32>,
    }
    %scan3A_30 = arith.constant 1248 : i32
    %lt3A = arith.constant 4 : i32
    %lt3A_31 = arith.cmpi slt, %arg1, %lt3A : i32
    %convert_element_type3A_32 = arith.extui %lt3A_31 : i1 to i32
    %cond3A_33 = arith.constant 0 : i32
    %cond3A_34 = arith.cmpi ne, %convert_element_type3A_32, %cond3A_33 : i32
    scf.if %cond3A_34 {
      %mul3A_35 = arith.constant 128 : i32
      %mul3A_36 = arith.muli %arg1, %mul3A_35 : i32
      %add3A = arith.constant 319488 : i32
      %add3A_37 = arith.addi %add3A, %mul3A_36 : i32
      %multiple_of3A_38 = tpu.assume_multiple %add3A_37, 128 : i32
      %eq3A_39 = arith.constant 0 : i32
      %eq3A_40 = arith.cmpi eq, %arg0, %eq3A_39 : i32
      %convert_element_type3A_41 = arith.extui %eq3A_40 : i1 to i32
      %cond3A_42 = arith.constant 0 : i32
      %cond3A_43 = arith.cmpi ne, %convert_element_type3A_41, %cond3A_42 : i32
      scf.if %cond3A_43 {
        "tpu.region"() ({
          %run_scoped3A = tpu.sem_alloc : memref<!tpu.dma_semaphore, #tpu.memory_space<semaphore_mem>>
          %dma_start3A = arith.constant 0 : i32
          %dma_start3A_54 = tpu.memref_slice %arg5[%dma_start3A] : memref<19968xi32, #tpu.memory_space<vmem>> -> memref<128xi32, #tpu.memory_space<vmem>>
          %dma_start3A_55 = tpu.memref_slice %arg2[%multiple_of3A_38] : memref<320000xi32, #tpu.memory_space<hbm>> -> memref<128xi32, #tpu.memory_space<hbm>>
          %dma_start3A_56 = arith.constant 0 : i32
          %dma_start3A_57 = tpu.memref_slice %arg5[%dma_start3A_56] : memref<19968xi32, #tpu.memory_space<vmem>> -> memref<128xi32, #tpu.memory_space<vmem>>
          %dma_start3A_58 = tpu.memref_slice %arg2[%multiple_of3A_38] : memref<320000xi32, #tpu.memory_space<hbm>> -> memref<128xi32, #tpu.memory_space<hbm>>
          tpu.enqueue_dma source(%dma_start3A_58 : memref<128xi32, #tpu.memory_space<hbm>>) target(%dma_start3A_57 : memref<128xi32, #tpu.memory_space<vmem>>) target_semaphore(%run_scoped3A : memref<!tpu.dma_semaphore, #tpu.memory_space<semaphore_mem>>)
          %dma_wait3A = arith.constant 0 : i32
          %dma_wait3A_59 = tpu.memref_slice %arg5[%dma_wait3A] : memref<19968xi32, #tpu.memory_space<vmem>> -> memref<128xi32, #tpu.memory_space<vmem>>
          %dma_wait3A_60 = tpu.memref_slice %arg2[%multiple_of3A_38] : memref<320000xi32, #tpu.memory_space<hbm>> -> memref<128xi32, #tpu.memory_space<hbm>>
          %dma_wait3A_61 = arith.constant 0 : i32
          %dma_wait3A_62 = tpu.memref_slice %arg5[%dma_wait3A_61] : memref<19968xi32, #tpu.memory_space<vmem>> -> memref<128xi32, #tpu.memory_space<vmem>>
          %dma_wait3A_63 = tpu.memref_slice %arg2[%multiple_of3A_38] : memref<320000xi32, #tpu.memory_space<hbm>> -> memref<128xi32, #tpu.memory_space<hbm>>
          tpu.wait_dma2 semaphore(%run_scoped3A : memref<!tpu.dma_semaphore, #tpu.memory_space<semaphore_mem>>) src(%dma_wait3A_63 : memref<128xi32, #tpu.memory_space<hbm>>) dst(%dma_wait3A_62 : memref<128xi32, #tpu.memory_space<vmem>>)
          tpu.yield
        }) : () -> ()
      } else {
      }
      %eq3A_44 = arith.constant 1 : i32
      %eq3A_45 = arith.cmpi eq, %arg0, %eq3A_44 : i32
      %convert_element_type3A_46 = arith.extui %eq3A_45 : i1 to i32
      %cond3A_47 = arith.constant 0 : i32
      %cond3A_48 = arith.cmpi ne, %convert_element_type3A_46, %cond3A_47 : i32
      scf.if %cond3A_48 {
        "tpu.region"() ({
          %run_scoped3A = tpu.sem_alloc : memref<!tpu.dma_semaphore, #tpu.memory_space<semaphore_mem>>
          %dma_start3A = arith.constant 0 : i32
          %dma_start3A_54 = tpu.memref_slice %arg5[%dma_start3A] : memref<19968xi32, #tpu.memory_space<vmem>> -> memref<128xi32, #tpu.memory_space<vmem>>
          %dma_start3A_55 = tpu.memref_slice %arg3[%multiple_of3A_38] : memref<320000xi32, #tpu.memory_space<hbm>> -> memref<128xi32, #tpu.memory_space<hbm>>
          %dma_start3A_56 = arith.constant 0 : i32
          %dma_start3A_57 = tpu.memref_slice %arg5[%dma_start3A_56] : memref<19968xi32, #tpu.memory_space<vmem>> -> memref<128xi32, #tpu.memory_space<vmem>>
          %dma_start3A_58 = tpu.memref_slice %arg3[%multiple_of3A_38] : memref<320000xi32, #tpu.memory_space<hbm>> -> memref<128xi32, #tpu.memory_space<hbm>>
          tpu.enqueue_dma source(%dma_start3A_58 : memref<128xi32, #tpu.memory_space<hbm>>) target(%dma_start3A_57 : memref<128xi32, #tpu.memory_space<vmem>>) target_semaphore(%run_scoped3A : memref<!tpu.dma_semaphore, #tpu.memory_space<semaphore_mem>>)
          %dma_wait3A = arith.constant 0 : i32
          %dma_wait3A_59 = tpu.memref_slice %arg5[%dma_wait3A] : memref<19968xi32, #tpu.memory_space<vmem>> -> memref<128xi32, #tpu.memory_space<vmem>>
          %dma_wait3A_60 = tpu.memref_slice %arg3[%multiple_of3A_38] : memref<320000xi32, #tpu.memory_space<hbm>> -> memref<128xi32, #tpu.memory_space<hbm>>
          %dma_wait3A_61 = arith.constant 0 : i32
          %dma_wait3A_62 = tpu.memref_slice %arg5[%dma_wait3A_61] : memref<19968xi32, #tpu.memory_space<vmem>> -> memref<128xi32, #tpu.memory_space<vmem>>
          %dma_wait3A_63 = tpu.memref_slice %arg3[%multiple_of3A_38] : memref<320000xi32, #tpu.memory_space<hbm>> -> memref<128xi32, #tpu.memory_space<hbm>>
          tpu.wait_dma2 semaphore(%run_scoped3A : memref<!tpu.dma_semaphore, #tpu.memory_space<semaphore_mem>>) src(%dma_wait3A_63 : memref<128xi32, #tpu.memory_space<hbm>>) dst(%dma_wait3A_62 : memref<128xi32, #tpu.memory_space<vmem>>)
          tpu.yield
        }) : () -> ()
      } else {
      }
      %scan3A_49 = arith.constant 0 : i32
      %scan3A_50 = arith.constant 8 : i32
      %scan3A_51 = arith.addi %scan3A_49, %scan3A_50 : i32
      %scan3A_52 = arith.constant 1 : i32
      scf.for %scan3A_54 = %scan3A_49 to %scan3A_51 step %scan3A_52  : i32 {
        %mul3A_55 = arith.constant 16 : i32
        %mul3A_56 = arith.muli %scan3A_54, %mul3A_55 : i32
        %get3A = arith.index_cast %mul3A_56 : i32 to index
        %get3A_57 = tpu.vector_load %arg5[%get3A] {strides = array<i32>} : memref<19968xi32, #tpu.memory_space<vmem>>, vector<16xi32>,
        tpu.vector_store_idx %arg6[%get3A_57], %broadcast_in_dim3A_25 {add = true} : memref<10016xf32, #tpu.memory_space<vmem>>[vector<16xi32>], vector<16xf32>,
      }
      %scan3A_53 = arith.constant 8 : i32
    } else {
    }
    "tpu.region"() ({
      %run_scoped3A = tpu.sem_alloc : memref<!tpu.dma_semaphore, #tpu.memory_space<semaphore_mem>>
      %dma_start3A = arith.constant 0 : i32
      %dma_start3A_35 = tpu.memref_slice %arg4[%arg0, %arg1, %dma_start3A] : memref<2x16x10016xf32, #tpu.memory_space<hbm>> -> memref<1x1x10016xf32, #tpu.memory_space<hbm>>
      %dma_start3A_36 = tpu.memref_squeeze %dma_start3A_35 : memref<1x1x10016xf32, #tpu.memory_space<hbm>> -> memref<10016xf32, #tpu.memory_space<hbm>>
      %dma_start3A_37 = arith.constant 0 : i32
      %dma_start3A_38 = tpu.memref_slice %arg4[%arg0, %arg1, %dma_start3A_37] : memref<2x16x10016xf32, #tpu.memory_space<hbm>> -> memref<1x1x10016xf32, #tpu.memory_space<hbm>>
      %dma_start3A_39 = tpu.memref_squeeze %dma_start3A_38 : memref<1x1x10016xf32, #tpu.memory_space<hbm>> -> memref<10016xf32, #tpu.memory_space<hbm>>
      tpu.enqueue_dma source(%arg6 : memref<10016xf32, #tpu.memory_space<vmem>>) target(%dma_start3A_39 : memref<10016xf32, #tpu.memory_space<hbm>>) target_semaphore(%run_scoped3A : memref<!tpu.dma_semaphore, #tpu.memory_space<semaphore_mem>>)
      %dma_wait3A = arith.constant 0 : i32
      %dma_wait3A_40 = tpu.memref_slice %arg4[%arg0, %arg1, %dma_wait3A] : memref<2x16x10016xf32, #tpu.memory_space<hbm>> -> memref<1x1x10016xf32, #tpu.memory_space<hbm>>
      %dma_wait3A_41 = tpu.memref_squeeze %dma_wait3A_40 : memref<1x1x10016xf32, #tpu.memory_space<hbm>> -> memref<10016xf32, #tpu.memory_space<hbm>>
      %dma_wait3A_42 = arith.constant 0 : i32
      %dma_wait3A_43 = tpu.memref_slice %arg4[%arg0, %arg1, %dma_wait3A_42] : memref<2x16x10016xf32, #tpu.memory_space<hbm>> -> memref<1x1x10016xf32, #tpu.memory_space<hbm>>
      %dma_wait3A_44 = tpu.memref_squeeze %dma_wait3A_43 : memref<1x1x10016xf32, #tpu.memory_space<hbm>> -> memref<10016xf32, #tpu.memory_space<hbm>>
      tpu.wait_dma2 semaphore(%run_scoped3A : memref<!tpu.dma_semaphore, #tpu.memory_space<semaphore_mem>>) src(%arg6 : memref<10016xf32, #tpu.memory_space<vmem>>) dst(%dma_wait3A_44 : memref<10016xf32, #tpu.memory_space<hbm>>)
      tpu.yield
    }) : () -> ()
    return
  }
}

#map = affine_map<(d0, d1) -> (0, 0, 0)>
#map1 = affine_map<(d0, d1) -> (0, 0, 0, 0, 0)>
module attributes {stable_mosaic.version = 14 : i64} {
  func.func @_sc_scatter(%arg0: i32, %arg1: i32, %arg2: memref<2x10000x128xf32, #tpu.memory_space<hbm>>, %arg3: memref<2x16x157x2x128xi32, #tpu.memory_space<hbm>>, %arg4: memref<2x10000x128xf32, #tpu.memory_space<hbm>>, %arg5: memref<2x2x128xi32, #tpu.memory_space<vmem>>, %arg6: memref<2x2x128xi32, #tpu.memory_space<vmem>>, %arg7: memref<128x128xf32, #tpu.memory_space<vmem>>, %arg8: memref<128x128xf32, #tpu.memory_space<vmem>>, %arg9: memref<10008x128xf32, #tpu.memory_space<vmem_shared>>, %arg10: memref<!tpu.dma_semaphore, #tpu.memory_space<semaphore_mem>>, %arg11: memref<!tpu.dma_semaphore, #tpu.memory_space<semaphore_mem>>, %arg12: memref<!tpu.dma_semaphore, #tpu.memory_space<semaphore_mem>>, %arg13: memref<!tpu.dma_semaphore, #tpu.memory_space<semaphore_mem>>) attributes {dimension_semantics = [#tpu.dimension_semantics<core_parallel>, #tpu.dimension_semantics<subcore_parallel>], iteration_bounds = array<i64: 2, 16>, scalar_prefetch = 0 : i64, scratch_operands = 9 : i64, tpu.core_type = #tpu.core_type<sc_vector_subcore>, window_params = [{transform_indices = #map}, {transform_indices = #map1}, {transform_indices = #map}]} {
    %lt3A = arith.constant 15 : i32
    %lt3A_0 = arith.cmpi slt, %arg1, %lt3A : i32
    %convert_element_type3A = arith.extui %lt3A_0 : i1 to i32
    %cond3A = arith.constant 0 : i32
    %cond3A_1 = arith.cmpi ne, %convert_element_type3A, %cond3A : i32
    scf.if %cond3A_1 {
      %mul3A = arith.constant 640 : i32
      %mul3A_186 = arith.muli %arg1, %mul3A : i32
      %mul3A_187 = arith.constant 640 : i32
      %mul3A_188 = arith.muli %arg1, %mul3A_187 : i32
      "tpu.region"() ({
        %run_scoped3A_189 = tpu.sem_alloc : memref<!tpu.dma_semaphore, #tpu.memory_space<semaphore_mem>>
        %dma_start3A_190 = arith.constant 0 : i32
        %dma_start3A_191 = tpu.memref_slice %arg9[%mul3A_188, %dma_start3A_190] : memref<10008x128xf32, #tpu.memory_space<vmem_shared>> -> memref<640x128xf32, #tpu.memory_space<vmem_shared>>
        %dma_start3A_192 = arith.constant 0 : i32
        %dma_start3A_193 = arith.constant 0 : i32
        %dma_start3A_194 = tpu.memref_slice %arg2[%arg0, %dma_start3A_192, %dma_start3A_193] : memref<2x10000x128xf32, #tpu.memory_space<hbm>> -> memref<1x10000x128xf32, #tpu.memory_space<hbm>>
        %dma_start3A_195 = tpu.memref_squeeze %dma_start3A_194 : memref<1x10000x128xf32, #tpu.memory_space<hbm>> -> memref<10000x128xf32, #tpu.memory_space<hbm>>
        %dma_start3A_196 = arith.constant 0 : i32
        %dma_start3A_197 = tpu.memref_slice %dma_start3A_195[%mul3A_186, %dma_start3A_196] : memref<10000x128xf32, #tpu.memory_space<hbm>> -> memref<640x128xf32, #tpu.memory_space<hbm>>
        tpu.enqueue_dma source(%dma_start3A_197 : memref<640x128xf32, #tpu.memory_space<hbm>>) target(%dma_start3A_191 : memref<640x128xf32, #tpu.memory_space<vmem_shared>>) target_semaphore(%run_scoped3A_189 : memref<!tpu.dma_semaphore, #tpu.memory_space<semaphore_mem>>)
        %dma_wait3A_198 = arith.constant 0 : i32
        %dma_wait3A_199 = tpu.memref_slice %arg9[%mul3A_188, %dma_wait3A_198] : memref<10008x128xf32, #tpu.memory_space<vmem_shared>> -> memref<640x128xf32, #tpu.memory_space<vmem_shared>>
        %dma_wait3A_200 = arith.constant 0 : i32
        %dma_wait3A_201 = arith.constant 0 : i32
        %dma_wait3A_202 = tpu.memref_slice %arg2[%arg0, %dma_wait3A_200, %dma_wait3A_201] : memref<2x10000x128xf32, #tpu.memory_space<hbm>> -> memref<1x10000x128xf32, #tpu.memory_space<hbm>>
        %dma_wait3A_203 = tpu.memref_squeeze %dma_wait3A_202 : memref<1x10000x128xf32, #tpu.memory_space<hbm>> -> memref<10000x128xf32, #tpu.memory_space<hbm>>
        %dma_wait3A_204 = arith.constant 0 : i32
        %dma_wait3A_205 = tpu.memref_slice %dma_wait3A_203[%mul3A_186, %dma_wait3A_204] : memref<10000x128xf32, #tpu.memory_space<hbm>> -> memref<640x128xf32, #tpu.memory_space<hbm>>
        tpu.wait_dma2 semaphore(%run_scoped3A_189 : memref<!tpu.dma_semaphore, #tpu.memory_space<semaphore_mem>>) src(%dma_wait3A_205 : memref<640x128xf32, #tpu.memory_space<hbm>>) dst(%dma_wait3A_199 : memref<640x128xf32, #tpu.memory_space<vmem_shared>>)
        tpu.yield
      }) : () -> ()
    } else {
    }
    %eq3A = arith.constant 15 : i32
    %eq3A_2 = arith.cmpi eq, %arg1, %eq3A : i32
    %convert_element_type3A_3 = arith.extui %eq3A_2 : i1 to i32
    %cond3A_4 = arith.constant 0 : i32
    %cond3A_5 = arith.cmpi ne, %convert_element_type3A_3, %cond3A_4 : i32
    scf.if %cond3A_5 {
      "tpu.region"() ({
        %run_scoped3A_186 = tpu.sem_alloc : memref<!tpu.dma_semaphore, #tpu.memory_space<semaphore_mem>>
        %dma_start3A_187 = arith.constant 9600 : i32
        %dma_start3A_188 = arith.constant 0 : i32
        %dma_start3A_189 = tpu.memref_slice %arg9[%dma_start3A_187, %dma_start3A_188] : memref<10008x128xf32, #tpu.memory_space<vmem_shared>> -> memref<400x128xf32, #tpu.memory_space<vmem_shared>>
        %dma_start3A_190 = arith.constant 0 : i32
        %dma_start3A_191 = arith.constant 0 : i32
        %dma_start3A_192 = tpu.memref_slice %arg2[%arg0, %dma_start3A_190, %dma_start3A_191] : memref<2x10000x128xf32, #tpu.memory_space<hbm>> -> memref<1x10000x128xf32, #tpu.memory_space<hbm>>
        %dma_start3A_193 = tpu.memref_squeeze %dma_start3A_192 : memref<1x10000x128xf32, #tpu.memory_space<hbm>> -> memref<10000x128xf32, #tpu.memory_space<hbm>>
        %dma_start3A_194 = arith.constant 9600 : i32
        %dma_start3A_195 = arith.constant 0 : i32
        %dma_start3A_196 = tpu.memref_slice %dma_start3A_193[%dma_start3A_194, %dma_start3A_195] : memref<10000x128xf32, #tpu.memory_space<hbm>> -> memref<400x128xf32, #tpu.memory_space<hbm>>
        tpu.enqueue_dma source(%dma_start3A_196 : memref<400x128xf32, #tpu.memory_space<hbm>>) target(%dma_start3A_189 : memref<400x128xf32, #tpu.memory_space<vmem_shared>>) target_semaphore(%run_scoped3A_186 : memref<!tpu.dma_semaphore, #tpu.memory_space<semaphore_mem>>)
        %dma_wait3A_197 = arith.constant 9600 : i32
        %dma_wait3A_198 = arith.constant 0 : i32
        %dma_wait3A_199 = tpu.memref_slice %arg9[%dma_wait3A_197, %dma_wait3A_198] : memref<10008x128xf32, #tpu.memory_space<vmem_shared>> -> memref<400x128xf32, #tpu.memory_space<vmem_shared>>
        %dma_wait3A_200 = arith.constant 0 : i32
        %dma_wait3A_201 = arith.constant 0 : i32
        %dma_wait3A_202 = tpu.memref_slice %arg2[%arg0, %dma_wait3A_200, %dma_wait3A_201] : memref<2x10000x128xf32, #tpu.memory_space<hbm>> -> memref<1x10000x128xf32, #tpu.memory_space<hbm>>
        %dma_wait3A_203 = tpu.memref_squeeze %dma_wait3A_202 : memref<1x10000x128xf32, #tpu.memory_space<hbm>> -> memref<10000x128xf32, #tpu.memory_space<hbm>>
        %dma_wait3A_204 = arith.constant 9600 : i32
        %dma_wait3A_205 = arith.constant 0 : i32
        %dma_wait3A_206 = tpu.memref_slice %dma_wait3A_203[%dma_wait3A_204, %dma_wait3A_205] : memref<10000x128xf32, #tpu.memory_space<hbm>> -> memref<400x128xf32, #tpu.memory_space<hbm>>
        tpu.wait_dma2 semaphore(%run_scoped3A_186 : memref<!tpu.dma_semaphore, #tpu.memory_space<semaphore_mem>>) src(%dma_wait3A_206 : memref<400x128xf32, #tpu.memory_space<hbm>>) dst(%dma_wait3A_199 : memref<400x128xf32, #tpu.memory_space<vmem_shared>>)
        tpu.yield
      }) : () -> ()
    } else {
    }
    %barrier3A = arith.constant 0 : index
    tpu.barrier barrier_id(%barrier3A)
    "tpu.region"() ({
      %run_scoped3A_186 = tpu.sem_alloc : memref<!tpu.dma_semaphore, #tpu.memory_space<semaphore_mem>>
      %dma_start3A_187 = arith.constant 0 : i32
      %dma_start3A_188 = arith.constant 0 : i32
      %dma_start3A_189 = arith.constant 0 : i32
      %dma_start3A_190 = tpu.memref_slice %arg3[%arg0, %arg1, %dma_start3A_187, %dma_start3A_188, %dma_start3A_189] : memref<2x16x157x2x128xi32, #tpu.memory_space<hbm>> -> memref<1x1x157x2x128xi32, #tpu.memory_space<hbm>>
      %dma_start3A_191 = tpu.memref_squeeze %dma_start3A_190 : memref<1x1x157x2x128xi32, #tpu.memory_space<hbm>> -> memref<157x2x128xi32, #tpu.memory_space<hbm>>
      %dma_start3A_192 = arith.constant 0 : i32
      %dma_start3A_193 = arith.constant 0 : i32
      %dma_start3A_194 = arith.constant 0 : i32
      %dma_start3A_195 = tpu.memref_slice %dma_start3A_191[%dma_start3A_192, %dma_start3A_193, %dma_start3A_194] : memref<157x2x128xi32, #tpu.memory_space<hbm>> -> memref<2x2x128xi32, #tpu.memory_space<hbm>>
      %dma_start3A_196 = arith.constant 0 : i32
      %dma_start3A_197 = arith.constant 0 : i32
      %dma_start3A_198 = arith.constant 0 : i32
      %dma_start3A_199 = tpu.memref_slice %arg3[%arg0, %arg1, %dma_start3A_196, %dma_start3A_197, %dma_start3A_198] : memref<2x16x157x2x128xi32, #tpu.memory_space<hbm>> -> memref<1x1x157x2x128xi32, #tpu.memory_space<hbm>>
      %dma_start3A_200 = tpu.memref_squeeze %dma_start3A_199 : memref<1x1x157x2x128xi32, #tpu.memory_space<hbm>> -> memref<157x2x128xi32, #tpu.memory_space<hbm>>
      %dma_start3A_201 = arith.constant 0 : i32
      %dma_start3A_202 = arith.constant 0 : i32
      %dma_start3A_203 = arith.constant 0 : i32
      %dma_start3A_204 = tpu.memref_slice %dma_start3A_200[%dma_start3A_201, %dma_start3A_202, %dma_start3A_203] : memref<157x2x128xi32, #tpu.memory_space<hbm>> -> memref<2x2x128xi32, #tpu.memory_space<hbm>>
      tpu.enqueue_dma source(%dma_start3A_204 : memref<2x2x128xi32, #tpu.memory_space<hbm>>) target(%arg5 : memref<2x2x128xi32, #tpu.memory_space<vmem>>) target_semaphore(%run_scoped3A_186 : memref<!tpu.dma_semaphore, #tpu.memory_space<semaphore_mem>>)
      %dma_wait3A_205 = arith.constant 0 : i32
      %dma_wait3A_206 = arith.constant 0 : i32
      %dma_wait3A_207 = arith.constant 0 : i32
      %dma_wait3A_208 = tpu.memref_slice %arg3[%arg0, %arg1, %dma_wait3A_205, %dma_wait3A_206, %dma_wait3A_207] : memref<2x16x157x2x128xi32, #tpu.memory_space<hbm>> -> memref<1x1x157x2x128xi32, #tpu.memory_space<hbm>>
      %dma_wait3A_209 = tpu.memref_squeeze %dma_wait3A_208 : memref<1x1x157x2x128xi32, #tpu.memory_space<hbm>> -> memref<157x2x128xi32, #tpu.memory_space<hbm>>
      %dma_wait3A_210 = arith.constant 0 : i32
      %dma_wait3A_211 = arith.constant 0 : i32
      %dma_wait3A_212 = arith.constant 0 : i32
      %dma_wait3A_213 = tpu.memref_slice %dma_wait3A_209[%dma_wait3A_210, %dma_wait3A_211, %dma_wait3A_212] : memref<157x2x128xi32, #tpu.memory_space<hbm>> -> memref<2x2x128xi32, #tpu.memory_space<hbm>>
      %dma_wait3A_214 = arith.constant 0 : i32
      %dma_wait3A_215 = arith.constant 0 : i32
      %dma_wait3A_216 = arith.constant 0 : i32
      %dma_wait3A_217 = tpu.memref_slice %arg3[%arg0, %arg1, %dma_wait3A_214, %dma_wait3A_215, %dma_wait3A_216] : memref<2x16x157x2x128xi32, #tpu.memory_space<hbm>> -> memref<1x1x157x2x128xi32, #tpu.memory_space<hbm>>
      %dma_wait3A_218 = tpu.memref_squeeze %dma_wait3A_217 : memref<1x1x157x2x128xi32, #tpu.memory_space<hbm>> -> memref<157x2x128xi32, #tpu.memory_space<hbm>>
      %dma_wait3A_219 = arith.constant 0 : i32
      %dma_wait3A_220 = arith.constant 0 : i32
      %dma_wait3A_221 = arith.constant 0 : i32
      %dma_wait3A_222 = tpu.memref_slice %dma_wait3A_218[%dma_wait3A_219, %dma_wait3A_220, %dma_wait3A_221] : memref<157x2x128xi32, #tpu.memory_space<hbm>> -> memref<2x2x128xi32, #tpu.memory_space<hbm>>
      tpu.wait_dma2 semaphore(%run_scoped3A_186 : memref<!tpu.dma_semaphore, #tpu.memory_space<semaphore_mem>>) src(%dma_wait3A_222 : memref<2x2x128xi32, #tpu.memory_space<hbm>>) dst(%arg5 : memref<2x2x128xi32, #tpu.memory_space<vmem>>)
      tpu.yield
    }) : () -> ()
    %dma_start3A = arith.constant 0 : i32
    %dma_start3A_6 = arith.constant 0 : i32
    %dma_start3A_7 = arith.constant 0 : i32
    %dma_start3A_8 = tpu.memref_slice %arg3[%arg0, %arg1, %dma_start3A, %dma_start3A_6, %dma_start3A_7] : memref<2x16x157x2x128xi32, #tpu.memory_space<hbm>> -> memref<1x1x157x2x128xi32, #tpu.memory_space<hbm>>
    %dma_start3A_9 = tpu.memref_squeeze %dma_start3A_8 : memref<1x1x157x2x128xi32, #tpu.memory_space<hbm>> -> memref<157x2x128xi32, #tpu.memory_space<hbm>>
    %dma_start3A_10 = arith.constant 2 : i32
    %dma_start3A_11 = arith.constant 0 : i32
    %dma_start3A_12 = arith.constant 0 : i32
    %dma_start3A_13 = tpu.memref_slice %dma_start3A_9[%dma_start3A_10, %dma_start3A_11, %dma_start3A_12] : memref<157x2x128xi32, #tpu.memory_space<hbm>> -> memref<2x2x128xi32, #tpu.memory_space<hbm>>
    %dma_start3A_14 = arith.constant 0 : i32
    %dma_start3A_15 = arith.constant 0 : i32
    %dma_start3A_16 = arith.constant 0 : i32
    %dma_start3A_17 = tpu.memref_slice %arg3[%arg0, %arg1, %dma_start3A_14, %dma_start3A_15, %dma_start3A_16] : memref<2x16x157x2x128xi32, #tpu.memory_space<hbm>> -> memref<1x1x157x2x128xi32, #tpu.memory_space<hbm>>
    %dma_start3A_18 = tpu.memref_squeeze %dma_start3A_17 : memref<1x1x157x2x128xi32, #tpu.memory_space<hbm>> -> memref<157x2x128xi32, #tpu.memory_space<hbm>>
    %dma_start3A_19 = arith.constant 2 : i32
    %dma_start3A_20 = arith.constant 0 : i32
    %dma_start3A_21 = arith.constant 0 : i32
    %dma_start3A_22 = tpu.memref_slice %dma_start3A_18[%dma_start3A_19, %dma_start3A_20, %dma_start3A_21] : memref<157x2x128xi32, #tpu.memory_space<hbm>> -> memref<2x2x128xi32, #tpu.memory_space<hbm>>
    tpu.enqueue_dma source(%dma_start3A_22 : memref<2x2x128xi32, #tpu.memory_space<hbm>>) target(%arg6 : memref<2x2x128xi32, #tpu.memory_space<vmem>>) target_semaphore(%arg11 : memref<!tpu.dma_semaphore, #tpu.memory_space<semaphore_mem>>)
    %dma_start3A_23 = arith.constant 0 : i32
    %dma_start3A_24 = arith.constant 0 : i32
    %dma_start3A_25 = arith.constant 0 : i32
    %dma_start3A_26 = tpu.memref_slice %arg5[%dma_start3A_23, %dma_start3A_24, %dma_start3A_25] : memref<2x2x128xi32, #tpu.memory_space<vmem>> -> memref<1x1x128xi32, #tpu.memory_space<vmem>>
    %dma_start3A_27 = tpu.memref_squeeze %dma_start3A_26 : memref<1x1x128xi32, #tpu.memory_space<vmem>> -> memref<128xi32, #tpu.memory_space<vmem>>
    %dma_start3A_28 = arith.constant 0 : i32
    %dma_start3A_29 = arith.constant 0 : i32
    %dma_start3A_30 = tpu.memref_slice %arg2[%arg0, %dma_start3A_28, %dma_start3A_29] : memref<2x10000x128xf32, #tpu.memory_space<hbm>> -> memref<1x10000x128xf32, #tpu.memory_space<hbm>>
    %dma_start3A_31 = tpu.memref_squeeze %dma_start3A_30 : memref<1x10000x128xf32, #tpu.memory_space<hbm>> -> memref<10000x128xf32, #tpu.memory_space<hbm>>
    %dma_start3A_32 = arith.constant 0 : i32
    %dma_start3A_33 = arith.constant 0 : i32
    %dma_start3A_34 = tpu.memref_slice %dma_start3A_31[%dma_start3A_32, %dma_start3A_33] : memref<10000x128xf32, #tpu.memory_space<hbm>> -> memref<10000x128xf32, #tpu.memory_space<hbm>>
    tpu.enqueue_indirect_dma source(%dma_start3A_34 : memref<10000x128xf32, #tpu.memory_space<hbm>>) target(%arg7 : memref<128x128xf32, #tpu.memory_space<vmem>>) offsets(%dma_start3A_27 : memref<128xi32, #tpu.memory_space<vmem>>) semaphore(%arg12 : memref<!tpu.dma_semaphore, #tpu.memory_space<semaphore_mem>>)
    %scan3A = arith.constant 0 : i32
    %scan3A_35 = arith.constant 38 : i32
    %scan3A_36 = arith.addi %scan3A, %scan3A_35 : i32
    %scan3A_37 = arith.constant 1 : i32
    scf.for %scan3A_186 = %scan3A to %scan3A_36 step %scan3A_37  : i32 {
      %mul3A = arith.constant 4 : i32
      %mul3A_187 = arith.muli %mul3A, %scan3A_186 : i32
      %dma_wait3A_188 = arith.constant 0 : i32
      %dma_wait3A_189 = arith.constant 0 : i32
      %dma_wait3A_190 = arith.constant 0 : i32
      %dma_wait3A_191 = tpu.memref_slice %arg5[%dma_wait3A_188, %dma_wait3A_189, %dma_wait3A_190] : memref<2x2x128xi32, #tpu.memory_space<vmem>> -> memref<1x1x128xi32, #tpu.memory_space<vmem>>
      %dma_wait3A_192 = tpu.memref_squeeze %dma_wait3A_191 : memref<1x1x128xi32, #tpu.memory_space<vmem>> -> memref<128xi32, #tpu.memory_space<vmem>>
      %dma_wait3A_193 = arith.constant 0 : i32
      %dma_wait3A_194 = arith.constant 0 : i32
      %dma_wait3A_195 = tpu.memref_slice %arg2[%arg0, %dma_wait3A_193, %dma_wait3A_194] : memref<2x10000x128xf32, #tpu.memory_space<hbm>> -> memref<1x10000x128xf32, #tpu.memory_space<hbm>>
      %dma_wait3A_196 = tpu.memref_squeeze %dma_wait3A_195 : memref<1x10000x128xf32, #tpu.memory_space<hbm>> -> memref<10000x128xf32, #tpu.memory_space<hbm>>
      %dma_wait3A_197 = arith.constant 0 : i32
      %dma_wait3A_198 = arith.constant 0 : i32
      %dma_wait3A_199 = tpu.memref_slice %dma_wait3A_196[%dma_wait3A_197, %dma_wait3A_198] : memref<10000x128xf32, #tpu.memory_space<hbm>> -> memref<10000x128xf32, #tpu.memory_space<hbm>>
      tpu.wait_indirect_dma semaphore(%arg12 : memref<!tpu.dma_semaphore, #tpu.memory_space<semaphore_mem>>) src(%dma_wait3A_199 : memref<10000x128xf32, #tpu.memory_space<hbm>>) dst(%arg7 : memref<128x128xf32, #tpu.memory_space<vmem>>)
      %dma_start3A_200 = arith.constant 1 : i32
      %dma_start3A_201 = arith.constant 0 : i32
      %dma_start3A_202 = arith.constant 0 : i32
      %dma_start3A_203 = tpu.memref_slice %arg5[%dma_start3A_200, %dma_start3A_201, %dma_start3A_202] : memref<2x2x128xi32, #tpu.memory_space<vmem>> -> memref<1x1x128xi32, #tpu.memory_space<vmem>>
      %dma_start3A_204 = tpu.memref_squeeze %dma_start3A_203 : memref<1x1x128xi32, #tpu.memory_space<vmem>> -> memref<128xi32, #tpu.memory_space<vmem>>
      %dma_start3A_205 = arith.constant 0 : i32
      %dma_start3A_206 = arith.constant 0 : i32
      %dma_start3A_207 = tpu.memref_slice %arg2[%arg0, %dma_start3A_205, %dma_start3A_206] : memref<2x10000x128xf32, #tpu.memory_space<hbm>> -> memref<1x10000x128xf32, #tpu.memory_space<hbm>>
      %dma_start3A_208 = tpu.memref_squeeze %dma_start3A_207 : memref<1x10000x128xf32, #tpu.memory_space<hbm>> -> memref<10000x128xf32, #tpu.memory_space<hbm>>
      %dma_start3A_209 = arith.constant 0 : i32
      %dma_start3A_210 = arith.constant 0 : i32
      %dma_start3A_211 = tpu.memref_slice %dma_start3A_208[%dma_start3A_209, %dma_start3A_210] : memref<10000x128xf32, #tpu.memory_space<hbm>> -> memref<10000x128xf32, #tpu.memory_space<hbm>>
      tpu.enqueue_indirect_dma source(%dma_start3A_211 : memref<10000x128xf32, #tpu.memory_space<hbm>>) target(%arg8 : memref<128x128xf32, #tpu.memory_space<vmem>>) offsets(%dma_start3A_204 : memref<128xi32, #tpu.memory_space<vmem>>) semaphore(%arg13 : memref<!tpu.dma_semaphore, #tpu.memory_space<semaphore_mem>>)
      %run_scoped3A_212 = arith.constant 0 : i32
      %run_scoped3A_213 = arith.constant 1 : i32
      "tpu.region"() ({
        %run_scoped3A_363 = tpu.sem_alloc : memref<!tpu.dma_semaphore, #tpu.memory_space<semaphore_mem>>
        %dma_start3A_364 = arith.constant 0 : i32
        %dma_start3A_365 = tpu.memref_slice %arg5[%run_scoped3A_212, %run_scoped3A_213, %dma_start3A_364] : memref<2x2x128xi32, #tpu.memory_space<vmem>> -> memref<1x1x128xi32, #tpu.memory_space<vmem>>
        %dma_start3A_366 = tpu.memref_squeeze %dma_start3A_365 : memref<1x1x128xi32, #tpu.memory_space<vmem>> -> memref<128xi32, #tpu.memory_space<vmem>>
        %dma_start3A_367 = arith.constant 0 : i32
        %dma_start3A_368 = arith.constant 0 : i32
        %dma_start3A_369 = tpu.memref_slice %arg9[%dma_start3A_367, %dma_start3A_368] : memref<10008x128xf32, #tpu.memory_space<vmem_shared>> -> memref<10008x128xf32, #tpu.memory_space<vmem_shared>>
        tpu.enqueue_indirect_dma source(%arg7 : memref<128x128xf32, #tpu.memory_space<vmem>>) target(%dma_start3A_369 : memref<10008x128xf32, #tpu.memory_space<vmem_shared>>) offsets(%dma_start3A_366 : memref<128xi32, #tpu.memory_space<vmem>>) semaphore(%run_scoped3A_363 : memref<!tpu.dma_semaphore, #tpu.memory_space<semaphore_mem>>) {add = true}
        %dma_wait3A_370 = arith.constant 0 : i32
        %dma_wait3A_371 = tpu.memref_slice %arg5[%run_scoped3A_212, %run_scoped3A_213, %dma_wait3A_370] : memref<2x2x128xi32, #tpu.memory_space<vmem>> -> memref<1x1x128xi32, #tpu.memory_space<vmem>>
        %dma_wait3A_372 = tpu.memref_squeeze %dma_wait3A_371 : memref<1x1x128xi32, #tpu.memory_space<vmem>> -> memref<128xi32, #tpu.memory_space<vmem>>
        %dma_wait3A_373 = arith.constant 0 : i32
        %dma_wait3A_374 = arith.constant 0 : i32
        %dma_wait3A_375 = tpu.memref_slice %arg9[%dma_wait3A_373, %dma_wait3A_374] : memref<10008x128xf32, #tpu.memory_space<vmem_shared>> -> memref<10008x128xf32, #tpu.memory_space<vmem_shared>>
        tpu.wait_indirect_dma semaphore(%run_scoped3A_363 : memref<!tpu.dma_semaphore, #tpu.memory_space<semaphore_mem>>) src(%arg7 : memref<128x128xf32, #tpu.memory_space<vmem>>) dst(%dma_wait3A_375 : memref<10008x128xf32, #tpu.memory_space<vmem_shared>>)
        tpu.yield
      }) : () -> ()
      %add3A = arith.constant 2 : i32
      %add3A_214 = arith.addi %mul3A_187, %add3A : i32
      %dma_wait3A_215 = arith.constant 0 : i32
      %dma_wait3A_216 = arith.constant 0 : i32
      %dma_wait3A_217 = arith.constant 0 : i32
      %dma_wait3A_218 = tpu.memref_slice %arg3[%arg0, %arg1, %dma_wait3A_215, %dma_wait3A_216, %dma_wait3A_217] : memref<2x16x157x2x128xi32, #tpu.memory_space<hbm>> -> memref<1x1x157x2x128xi32, #tpu.memory_space<hbm>>
      %dma_wait3A_219 = tpu.memref_squeeze %dma_wait3A_218 : memref<1x1x157x2x128xi32, #tpu.memory_space<hbm>> -> memref<157x2x128xi32, #tpu.memory_space<hbm>>
      %dma_wait3A_220 = arith.constant 0 : i32
      %dma_wait3A_221 = arith.constant 0 : i32
      %dma_wait3A_222 = tpu.memref_slice %dma_wait3A_219[%add3A_214, %dma_wait3A_220, %dma_wait3A_221] : memref<157x2x128xi32, #tpu.memory_space<hbm>> -> memref<2x2x128xi32, #tpu.memory_space<hbm>>
      %dma_wait3A_223 = arith.constant 0 : i32
      %dma_wait3A_224 = arith.constant 0 : i32
      %dma_wait3A_225 = arith.constant 0 : i32
      %dma_wait3A_226 = tpu.memref_slice %arg3[%arg0, %arg1, %dma_wait3A_223, %dma_wait3A_224, %dma_wait3A_225] : memref<2x16x157x2x128xi32, #tpu.memory_space<hbm>> -> memref<1x1x157x2x128xi32, #tpu.memory_space<hbm>>
      %dma_wait3A_227 = tpu.memref_squeeze %dma_wait3A_226 : memref<1x1x157x2x128xi32, #tpu.memory_space<hbm>> -> memref<157x2x128xi32, #tpu.memory_space<hbm>>
      %dma_wait3A_228 = arith.constant 0 : i32
      %dma_wait3A_229 = arith.constant 0 : i32
      %dma_wait3A_230 = tpu.memref_slice %dma_wait3A_227[%add3A_214, %dma_wait3A_228, %dma_wait3A_229] : memref<157x2x128xi32, #tpu.memory_space<hbm>> -> memref<2x2x128xi32, #tpu.memory_space<hbm>>
      tpu.wait_dma2 semaphore(%arg11 : memref<!tpu.dma_semaphore, #tpu.memory_space<semaphore_mem>>) src(%dma_wait3A_230 : memref<2x2x128xi32, #tpu.memory_space<hbm>>) dst(%arg6 : memref<2x2x128xi32, #tpu.memory_space<vmem>>)
      %dma_wait3A_231 = arith.constant 1 : i32
      %dma_wait3A_232 = arith.constant 0 : i32
      %dma_wait3A_233 = arith.constant 0 : i32
      %dma_wait3A_234 = tpu.memref_slice %arg5[%dma_wait3A_231, %dma_wait3A_232, %dma_wait3A_233] : memref<2x2x128xi32, #tpu.memory_space<vmem>> -> memref<1x1x128xi32, #tpu.memory_space<vmem>>
      %dma_wait3A_235 = tpu.memref_squeeze %dma_wait3A_234 : memref<1x1x128xi32, #tpu.memory_space<vmem>> -> memref<128xi32, #tpu.memory_space<vmem>>
      %dma_wait3A_236 = arith.constant 0 : i32
      %dma_wait3A_237 = arith.constant 0 : i32
      %dma_wait3A_238 = tpu.memref_slice %arg2[%arg0, %dma_wait3A_236, %dma_wait3A_237] : memref<2x10000x128xf32, #tpu.memory_space<hbm>> -> memref<1x10000x128xf32, #tpu.memory_space<hbm>>
      %dma_wait3A_239 = tpu.memref_squeeze %dma_wait3A_238 : memref<1x10000x128xf32, #tpu.memory_space<hbm>> -> memref<10000x128xf32, #tpu.memory_space<hbm>>
      %dma_wait3A_240 = arith.constant 0 : i32
      %dma_wait3A_241 = arith.constant 0 : i32
      %dma_wait3A_242 = tpu.memref_slice %dma_wait3A_239[%dma_wait3A_240, %dma_wait3A_241] : memref<10000x128xf32, #tpu.memory_space<hbm>> -> memref<10000x128xf32, #tpu.memory_space<hbm>>
      tpu.wait_indirect_dma semaphore(%arg13 : memref<!tpu.dma_semaphore, #tpu.memory_space<semaphore_mem>>) src(%dma_wait3A_242 : memref<10000x128xf32, #tpu.memory_space<hbm>>) dst(%arg8 : memref<128x128xf32, #tpu.memory_space<vmem>>)
      %dma_start3A_243 = arith.constant 0 : i32
      %dma_start3A_244 = arith.constant 0 : i32
      %dma_start3A_245 = arith.constant 0 : i32
      %dma_start3A_246 = tpu.memref_slice %arg6[%dma_start3A_243, %dma_start3A_244, %dma_start3A_245] : memref<2x2x128xi32, #tpu.memory_space<vmem>> -> memref<1x1x128xi32, #tpu.memory_space<vmem>>
      %dma_start3A_247 = tpu.memref_squeeze %dma_start3A_246 : memref<1x1x128xi32, #tpu.memory_space<vmem>> -> memref<128xi32, #tpu.memory_space<vmem>>
      %dma_start3A_248 = arith.constant 0 : i32
      %dma_start3A_249 = arith.constant 0 : i32
      %dma_start3A_250 = tpu.memref_slice %arg2[%arg0, %dma_start3A_248, %dma_start3A_249] : memref<2x10000x128xf32, #tpu.memory_space<hbm>> -> memref<1x10000x128xf32, #tpu.memory_space<hbm>>
      %dma_start3A_251 = tpu.memref_squeeze %dma_start3A_250 : memref<1x10000x128xf32, #tpu.memory_space<hbm>> -> memref<10000x128xf32, #tpu.memory_space<hbm>>
      %dma_start3A_252 = arith.constant 0 : i32
      %dma_start3A_253 = arith.constant 0 : i32
      %dma_start3A_254 = tpu.memref_slice %dma_start3A_251[%dma_start3A_252, %dma_start3A_253] : memref<10000x128xf32, #tpu.memory_space<hbm>> -> memref<10000x128xf32, #tpu.memory_space<hbm>>
      tpu.enqueue_indirect_dma source(%dma_start3A_254 : memref<10000x128xf32, #tpu.memory_space<hbm>>) target(%arg7 : memref<128x128xf32, #tpu.memory_space<vmem>>) offsets(%dma_start3A_247 : memref<128xi32, #tpu.memory_space<vmem>>) semaphore(%arg12 : memref<!tpu.dma_semaphore, #tpu.memory_space<semaphore_mem>>)
      %run_scoped3A_255 = arith.constant 1 : i32
      %run_scoped3A_256 = arith.constant 1 : i32
      "tpu.region"() ({
        %run_scoped3A_363 = tpu.sem_alloc : memref<!tpu.dma_semaphore, #tpu.memory_space<semaphore_mem>>
        %dma_start3A_364 = arith.constant 0 : i32
        %dma_start3A_365 = tpu.memref_slice %arg5[%run_scoped3A_255, %run_scoped3A_256, %dma_start3A_364] : memref<2x2x128xi32, #tpu.memory_space<vmem>> -> memref<1x1x128xi32, #tpu.memory_space<vmem>>
        %dma_start3A_366 = tpu.memref_squeeze %dma_start3A_365 : memref<1x1x128xi32, #tpu.memory_space<vmem>> -> memref<128xi32, #tpu.memory_space<vmem>>
        %dma_start3A_367 = arith.constant 0 : i32
        %dma_start3A_368 = arith.constant 0 : i32
        %dma_start3A_369 = tpu.memref_slice %arg9[%dma_start3A_367, %dma_start3A_368] : memref<10008x128xf32, #tpu.memory_space<vmem_shared>> -> memref<10008x128xf32, #tpu.memory_space<vmem_shared>>
        tpu.enqueue_indirect_dma source(%arg8 : memref<128x128xf32, #tpu.memory_space<vmem>>) target(%dma_start3A_369 : memref<10008x128xf32, #tpu.memory_space<vmem_shared>>) offsets(%dma_start3A_366 : memref<128xi32, #tpu.memory_space<vmem>>) semaphore(%run_scoped3A_363 : memref<!tpu.dma_semaphore, #tpu.memory_space<semaphore_mem>>) {add = true}
        %dma_wait3A_370 = arith.constant 0 : i32
        %dma_wait3A_371 = tpu.memref_slice %arg5[%run_scoped3A_255, %run_scoped3A_256, %dma_wait3A_370] : memref<2x2x128xi32, #tpu.memory_space<vmem>> -> memref<1x1x128xi32, #tpu.memory_space<vmem>>
        %dma_wait3A_372 = tpu.memref_squeeze %dma_wait3A_371 : memref<1x1x128xi32, #tpu.memory_space<vmem>> -> memref<128xi32, #tpu.memory_space<vmem>>
        %dma_wait3A_373 = arith.constant 0 : i32
        %dma_wait3A_374 = arith.constant 0 : i32
        %dma_wait3A_375 = tpu.memref_slice %arg9[%dma_wait3A_373, %dma_wait3A_374] : memref<10008x128xf32, #tpu.memory_space<vmem_shared>> -> memref<10008x128xf32, #tpu.memory_space<vmem_shared>>
        tpu.wait_indirect_dma semaphore(%run_scoped3A_363 : memref<!tpu.dma_semaphore, #tpu.memory_space<semaphore_mem>>) src(%arg8 : memref<128x128xf32, #tpu.memory_space<vmem>>) dst(%dma_wait3A_375 : memref<10008x128xf32, #tpu.memory_space<vmem_shared>>)
        tpu.yield
      }) : () -> ()
      %add3A_257 = arith.constant 4 : i32
      %add3A_258 = arith.addi %mul3A_187, %add3A_257 : i32
      %dma_start3A_259 = arith.constant 0 : i32
      %dma_start3A_260 = arith.constant 0 : i32
      %dma_start3A_261 = arith.constant 0 : i32
      %dma_start3A_262 = tpu.memref_slice %arg3[%arg0, %arg1, %dma_start3A_259, %dma_start3A_260, %dma_start3A_261] : memref<2x16x157x2x128xi32, #tpu.memory_space<hbm>> -> memref<1x1x157x2x128xi32, #tpu.memory_space<hbm>>
      %dma_start3A_263 = tpu.memref_squeeze %dma_start3A_262 : memref<1x1x157x2x128xi32, #tpu.memory_space<hbm>> -> memref<157x2x128xi32, #tpu.memory_space<hbm>>
      %dma_start3A_264 = arith.constant 0 : i32
      %dma_start3A_265 = arith.constant 0 : i32
      %dma_start3A_266 = tpu.memref_slice %dma_start3A_263[%add3A_258, %dma_start3A_264, %dma_start3A_265] : memref<157x2x128xi32, #tpu.memory_space<hbm>> -> memref<2x2x128xi32, #tpu.memory_space<hbm>>
      %dma_start3A_267 = arith.constant 0 : i32
      %dma_start3A_268 = arith.constant 0 : i32
      %dma_start3A_269 = arith.constant 0 : i32
      %dma_start3A_270 = tpu.memref_slice %arg3[%arg0, %arg1, %dma_start3A_267, %dma_start3A_268, %dma_start3A_269] : memref<2x16x157x2x128xi32, #tpu.memory_space<hbm>> -> memref<1x1x157x2x128xi32, #tpu.memory_space<hbm>>
      %dma_start3A_271 = tpu.memref_squeeze %dma_start3A_270 : memref<1x1x157x2x128xi32, #tpu.memory_space<hbm>> -> memref<157x2x128xi32, #tpu.memory_space<hbm>>
      %dma_start3A_272 = arith.constant 0 : i32
      %dma_start3A_273 = arith.constant 0 : i32
      %dma_start3A_274 = tpu.memref_slice %dma_start3A_271[%add3A_258, %dma_start3A_272, %dma_start3A_273] : memref<157x2x128xi32, #tpu.memory_space<hbm>> -> memref<2x2x128xi32, #tpu.memory_space<hbm>>
      tpu.enqueue_dma source(%dma_start3A_274 : memref<2x2x128xi32, #tpu.memory_space<hbm>>) target(%arg5 : memref<2x2x128xi32, #tpu.memory_space<vmem>>) target_semaphore(%arg10 : memref<!tpu.dma_semaphore, #tpu.memory_space<semaphore_mem>>)
      %dma_wait3A_275 = arith.constant 0 : i32
      %dma_wait3A_276 = arith.constant 0 : i32
      %dma_wait3A_277 = arith.constant 0 : i32
      %dma_wait3A_278 = tpu.memref_slice %arg6[%dma_wait3A_275, %dma_wait3A_276, %dma_wait3A_277] : memref<2x2x128xi32, #tpu.memory_space<vmem>> -> memref<1x1x128xi32, #tpu.memory_space<vmem>>
      %dma_wait3A_279 = tpu.memref_squeeze %dma_wait3A_278 : memref<1x1x128xi32, #tpu.memory_space<vmem>> -> memref<128xi32, #tpu.memory_space<vmem>>
      %dma_wait3A_280 = arith.constant 0 : i32
      %dma_wait3A_281 = arith.constant 0 : i32
      %dma_wait3A_282 = tpu.memref_slice %arg2[%arg0, %dma_wait3A_280, %dma_wait3A_281] : memref<2x10000x128xf32, #tpu.memory_space<hbm>> -> memref<1x10000x128xf32, #tpu.memory_space<hbm>>
      %dma_wait3A_283 = tpu.memref_squeeze %dma_wait3A_282 : memref<1x10000x128xf32, #tpu.memory_space<hbm>> -> memref<10000x128xf32, #tpu.memory_space<hbm>>
      %dma_wait3A_284 = arith.constant 0 : i32
      %dma_wait3A_285 = arith.constant 0 : i32
      %dma_wait3A_286 = tpu.memref_slice %dma_wait3A_283[%dma_wait3A_284, %dma_wait3A_285] : memref<10000x128xf32, #tpu.memory_space<hbm>> -> memref<10000x128xf32, #tpu.memory_space<hbm>>
      tpu.wait_indirect_dma semaphore(%arg12 : memref<!tpu.dma_semaphore, #tpu.memory_space<semaphore_mem>>) src(%dma_wait3A_286 : memref<10000x128xf32, #tpu.memory_space<hbm>>) dst(%arg7 : memref<128x128xf32, #tpu.memory_space<vmem>>)
      %dma_start3A_287 = arith.constant 1 : i32
      %dma_start3A_288 = arith.constant 0 : i32
      %dma_start3A_289 = arith.constant 0 : i32
      %dma_start3A_290 = tpu.memref_slice %arg6[%dma_start3A_287, %dma_start3A_288, %dma_start3A_289] : memref<2x2x128xi32, #tpu.memory_space<vmem>> -> memref<1x1x128xi32, #tpu.memory_space<vmem>>
      %dma_start3A_291 = tpu.memref_squeeze %dma_start3A_290 : memref<1x1x128xi32, #tpu.memory_space<vmem>> -> memref<128xi32, #tpu.memory_space<vmem>>
      %dma_start3A_292 = arith.constant 0 : i32
      %dma_start3A_293 = arith.constant 0 : i32
      %dma_start3A_294 = tpu.memref_slice %arg2[%arg0, %dma_start3A_292, %dma_start3A_293] : memref<2x10000x128xf32, #tpu.memory_space<hbm>> -> memref<1x10000x128xf32, #tpu.memory_space<hbm>>
      %dma_start3A_295 = tpu.memref_squeeze %dma_start3A_294 : memref<1x10000x128xf32, #tpu.memory_space<hbm>> -> memref<10000x128xf32, #tpu.memory_space<hbm>>
      %dma_start3A_296 = arith.constant 0 : i32
      %dma_start3A_297 = arith.constant 0 : i32
      %dma_start3A_298 = tpu.memref_slice %dma_start3A_295[%dma_start3A_296, %dma_start3A_297] : memref<10000x128xf32, #tpu.memory_space<hbm>> -> memref<10000x128xf32, #tpu.memory_space<hbm>>
      tpu.enqueue_indirect_dma source(%dma_start3A_298 : memref<10000x128xf32, #tpu.memory_space<hbm>>) target(%arg8 : memref<128x128xf32, #tpu.memory_space<vmem>>) offsets(%dma_start3A_291 : memref<128xi32, #tpu.memory_space<vmem>>) semaphore(%arg13 : memref<!tpu.dma_semaphore, #tpu.memory_space<semaphore_mem>>)
      %run_scoped3A_299 = arith.constant 0 : i32
      %run_scoped3A_300 = arith.constant 1 : i32
      "tpu.region"() ({
        %run_scoped3A_363 = tpu.sem_alloc : memref<!tpu.dma_semaphore, #tpu.memory_space<semaphore_mem>>
        %dma_start3A_364 = arith.constant 0 : i32
        %dma_start3A_365 = tpu.memref_slice %arg6[%run_scoped3A_299, %run_scoped3A_300, %dma_start3A_364] : memref<2x2x128xi32, #tpu.memory_space<vmem>> -> memref<1x1x128xi32, #tpu.memory_space<vmem>>
        %dma_start3A_366 = tpu.memref_squeeze %dma_start3A_365 : memref<1x1x128xi32, #tpu.memory_space<vmem>> -> memref<128xi32, #tpu.memory_space<vmem>>
        %dma_start3A_367 = arith.constant 0 : i32
        %dma_start3A_368 = arith.constant 0 : i32
        %dma_start3A_369 = tpu.memref_slice %arg9[%dma_start3A_367, %dma_start3A_368] : memref<10008x128xf32, #tpu.memory_space<vmem_shared>> -> memref<10008x128xf32, #tpu.memory_space<vmem_shared>>
        tpu.enqueue_indirect_dma source(%arg7 : memref<128x128xf32, #tpu.memory_space<vmem>>) target(%dma_start3A_369 : memref<10008x128xf32, #tpu.memory_space<vmem_shared>>) offsets(%dma_start3A_366 : memref<128xi32, #tpu.memory_space<vmem>>) semaphore(%run_scoped3A_363 : memref<!tpu.dma_semaphore, #tpu.memory_space<semaphore_mem>>) {add = true}
        %dma_wait3A_370 = arith.constant 0 : i32
        %dma_wait3A_371 = tpu.memref_slice %arg6[%run_scoped3A_299, %run_scoped3A_300, %dma_wait3A_370] : memref<2x2x128xi32, #tpu.memory_space<vmem>> -> memref<1x1x128xi32, #tpu.memory_space<vmem>>
        %dma_wait3A_372 = tpu.memref_squeeze %dma_wait3A_371 : memref<1x1x128xi32, #tpu.memory_space<vmem>> -> memref<128xi32, #tpu.memory_space<vmem>>
        %dma_wait3A_373 = arith.constant 0 : i32
        %dma_wait3A_374 = arith.constant 0 : i32
        %dma_wait3A_375 = tpu.memref_slice %arg9[%dma_wait3A_373, %dma_wait3A_374] : memref<10008x128xf32, #tpu.memory_space<vmem_shared>> -> memref<10008x128xf32, #tpu.memory_space<vmem_shared>>
        tpu.wait_indirect_dma semaphore(%run_scoped3A_363 : memref<!tpu.dma_semaphore, #tpu.memory_space<semaphore_mem>>) src(%arg7 : memref<128x128xf32, #tpu.memory_space<vmem>>) dst(%dma_wait3A_375 : memref<10008x128xf32, #tpu.memory_space<vmem_shared>>)
        tpu.yield
      }) : () -> ()
      %add3A_301 = arith.constant 4 : i32
      %add3A_302 = arith.addi %mul3A_187, %add3A_301 : i32
      %dma_wait3A_303 = arith.constant 0 : i32
      %dma_wait3A_304 = arith.constant 0 : i32
      %dma_wait3A_305 = arith.constant 0 : i32
      %dma_wait3A_306 = tpu.memref_slice %arg3[%arg0, %arg1, %dma_wait3A_303, %dma_wait3A_304, %dma_wait3A_305] : memref<2x16x157x2x128xi32, #tpu.memory_space<hbm>> -> memref<1x1x157x2x128xi32, #tpu.memory_space<hbm>>
      %dma_wait3A_307 = tpu.memref_squeeze %dma_wait3A_306 : memref<1x1x157x2x128xi32, #tpu.memory_space<hbm>> -> memref<157x2x128xi32, #tpu.memory_space<hbm>>
      %dma_wait3A_308 = arith.constant 0 : i32
      %dma_wait3A_309 = arith.constant 0 : i32
      %dma_wait3A_310 = tpu.memref_slice %dma_wait3A_307[%add3A_302, %dma_wait3A_308, %dma_wait3A_309] : memref<157x2x128xi32, #tpu.memory_space<hbm>> -> memref<2x2x128xi32, #tpu.memory_space<hbm>>
      %dma_wait3A_311 = arith.constant 0 : i32
      %dma_wait3A_312 = arith.constant 0 : i32
      %dma_wait3A_313 = arith.constant 0 : i32
      %dma_wait3A_314 = tpu.memref_slice %arg3[%arg0, %arg1, %dma_wait3A_311, %dma_wait3A_312, %dma_wait3A_313] : memref<2x16x157x2x128xi32, #tpu.memory_space<hbm>> -> memref<1x1x157x2x128xi32, #tpu.memory_space<hbm>>
      %dma_wait3A_315 = tpu.memref_squeeze %dma_wait3A_314 : memref<1x1x157x2x128xi32, #tpu.memory_space<hbm>> -> memref<157x2x128xi32, #tpu.memory_space<hbm>>
      %dma_wait3A_316 = arith.constant 0 : i32
      %dma_wait3A_317 = arith.constant 0 : i32
      %dma_wait3A_318 = tpu.memref_slice %dma_wait3A_315[%add3A_302, %dma_wait3A_316, %dma_wait3A_317] : memref<157x2x128xi32, #tpu.memory_space<hbm>> -> memref<2x2x128xi32, #tpu.memory_space<hbm>>
      tpu.wait_dma2 semaphore(%arg10 : memref<!tpu.dma_semaphore, #tpu.memory_space<semaphore_mem>>) src(%dma_wait3A_318 : memref<2x2x128xi32, #tpu.memory_space<hbm>>) dst(%arg5 : memref<2x2x128xi32, #tpu.memory_space<vmem>>)
      %dma_wait3A_319 = arith.constant 1 : i32
      %dma_wait3A_320 = arith.constant 0 : i32
      %dma_wait3A_321 = arith.constant 0 : i32
      %dma_wait3A_322 = tpu.memref_slice %arg6[%dma_wait3A_319, %dma_wait3A_320, %dma_wait3A_321] : memref<2x2x128xi32, #tpu.memory_space<vmem>> -> memref<1x1x128xi32, #tpu.memory_space<vmem>>
      %dma_wait3A_323 = tpu.memref_squeeze %dma_wait3A_322 : memref<1x1x128xi32, #tpu.memory_space<vmem>> -> memref<128xi32, #tpu.memory_space<vmem>>
      %dma_wait3A_324 = arith.constant 0 : i32
      %dma_wait3A_325 = arith.constant 0 : i32
      %dma_wait3A_326 = tpu.memref_slice %arg2[%arg0, %dma_wait3A_324, %dma_wait3A_325] : memref<2x10000x128xf32, #tpu.memory_space<hbm>> -> memref<1x10000x128xf32, #tpu.memory_space<hbm>>
      %dma_wait3A_327 = tpu.memref_squeeze %dma_wait3A_326 : memref<1x10000x128xf32, #tpu.memory_space<hbm>> -> memref<10000x128xf32, #tpu.memory_space<hbm>>
      %dma_wait3A_328 = arith.constant 0 : i32
      %dma_wait3A_329 = arith.constant 0 : i32
      %dma_wait3A_330 = tpu.memref_slice %dma_wait3A_327[%dma_wait3A_328, %dma_wait3A_329] : memref<10000x128xf32, #tpu.memory_space<hbm>> -> memref<10000x128xf32, #tpu.memory_space<hbm>>
      tpu.wait_indirect_dma semaphore(%arg13 : memref<!tpu.dma_semaphore, #tpu.memory_space<semaphore_mem>>) src(%dma_wait3A_330 : memref<10000x128xf32, #tpu.memory_space<hbm>>) dst(%arg8 : memref<128x128xf32, #tpu.memory_space<vmem>>)
      %dma_start3A_331 = arith.constant 0 : i32
      %dma_start3A_332 = arith.constant 0 : i32
      %dma_start3A_333 = arith.constant 0 : i32
      %dma_start3A_334 = tpu.memref_slice %arg5[%dma_start3A_331, %dma_start3A_332, %dma_start3A_333] : memref<2x2x128xi32, #tpu.memory_space<vmem>> -> memref<1x1x128xi32, #tpu.memory_space<vmem>>
      %dma_start3A_335 = tpu.memref_squeeze %dma_start3A_334 : memref<1x1x128xi32, #tpu.memory_space<vmem>> -> memref<128xi32, #tpu.memory_space<vmem>>
      %dma_start3A_336 = arith.constant 0 : i32
      %dma_start3A_337 = arith.constant 0 : i32
      %dma_start3A_338 = tpu.memref_slice %arg2[%arg0, %dma_start3A_336, %dma_start3A_337] : memref<2x10000x128xf32, #tpu.memory_space<hbm>> -> memref<1x10000x128xf32, #tpu.memory_space<hbm>>
      %dma_start3A_339 = tpu.memref_squeeze %dma_start3A_338 : memref<1x10000x128xf32, #tpu.memory_space<hbm>> -> memref<10000x128xf32, #tpu.memory_space<hbm>>
      %dma_start3A_340 = arith.constant 0 : i32
      %dma_start3A_341 = arith.constant 0 : i32
      %dma_start3A_342 = tpu.memref_slice %dma_start3A_339[%dma_start3A_340, %dma_start3A_341] : memref<10000x128xf32, #tpu.memory_space<hbm>> -> memref<10000x128xf32, #tpu.memory_space<hbm>>
      tpu.enqueue_indirect_dma source(%dma_start3A_342 : memref<10000x128xf32, #tpu.memory_space<hbm>>) target(%arg7 : memref<128x128xf32, #tpu.memory_space<vmem>>) offsets(%dma_start3A_335 : memref<128xi32, #tpu.memory_space<vmem>>) semaphore(%arg12 : memref<!tpu.dma_semaphore, #tpu.memory_space<semaphore_mem>>)
      %run_scoped3A_343 = arith.constant 1 : i32
      %run_scoped3A_344 = arith.constant 1 : i32
      "tpu.region"() ({
        %run_scoped3A_363 = tpu.sem_alloc : memref<!tpu.dma_semaphore, #tpu.memory_space<semaphore_mem>>
        %dma_start3A_364 = arith.constant 0 : i32
        %dma_start3A_365 = tpu.memref_slice %arg6[%run_scoped3A_343, %run_scoped3A_344, %dma_start3A_364] : memref<2x2x128xi32, #tpu.memory_space<vmem>> -> memref<1x1x128xi32, #tpu.memory_space<vmem>>
        %dma_start3A_366 = tpu.memref_squeeze %dma_start3A_365 : memref<1x1x128xi32, #tpu.memory_space<vmem>> -> memref<128xi32, #tpu.memory_space<vmem>>
        %dma_start3A_367 = arith.constant 0 : i32
        %dma_start3A_368 = arith.constant 0 : i32
        %dma_start3A_369 = tpu.memref_slice %arg9[%dma_start3A_367, %dma_start3A_368] : memref<10008x128xf32, #tpu.memory_space<vmem_shared>> -> memref<10008x128xf32, #tpu.memory_space<vmem_shared>>
        tpu.enqueue_indirect_dma source(%arg8 : memref<128x128xf32, #tpu.memory_space<vmem>>) target(%dma_start3A_369 : memref<10008x128xf32, #tpu.memory_space<vmem_shared>>) offsets(%dma_start3A_366 : memref<128xi32, #tpu.memory_space<vmem>>) semaphore(%run_scoped3A_363 : memref<!tpu.dma_semaphore, #tpu.memory_space<semaphore_mem>>) {add = true}
        %dma_wait3A_370 = arith.constant 0 : i32
        %dma_wait3A_371 = tpu.memref_slice %arg6[%run_scoped3A_343, %run_scoped3A_344, %dma_wait3A_370] : memref<2x2x128xi32, #tpu.memory_space<vmem>> -> memref<1x1x128xi32, #tpu.memory_space<vmem>>
        %dma_wait3A_372 = tpu.memref_squeeze %dma_wait3A_371 : memref<1x1x128xi32, #tpu.memory_space<vmem>> -> memref<128xi32, #tpu.memory_space<vmem>>
        %dma_wait3A_373 = arith.constant 0 : i32
        %dma_wait3A_374 = arith.constant 0 : i32
        %dma_wait3A_375 = tpu.memref_slice %arg9[%dma_wait3A_373, %dma_wait3A_374] : memref<10008x128xf32, #tpu.memory_space<vmem_shared>> -> memref<10008x128xf32, #tpu.memory_space<vmem_shared>>
        tpu.wait_indirect_dma semaphore(%run_scoped3A_363 : memref<!tpu.dma_semaphore, #tpu.memory_space<semaphore_mem>>) src(%arg8 : memref<128x128xf32, #tpu.memory_space<vmem>>) dst(%dma_wait3A_375 : memref<10008x128xf32, #tpu.memory_space<vmem_shared>>)
        tpu.yield
      }) : () -> ()
      %add3A_345 = arith.constant 6 : i32
      %add3A_346 = arith.addi %mul3A_187, %add3A_345 : i32
      %dma_start3A_347 = arith.constant 0 : i32
      %dma_start3A_348 = arith.constant 0 : i32
      %dma_start3A_349 = arith.constant 0 : i32
      %dma_start3A_350 = tpu.memref_slice %arg3[%arg0, %arg1, %dma_start3A_347, %dma_start3A_348, %dma_start3A_349] : memref<2x16x157x2x128xi32, #tpu.memory_space<hbm>> -> memref<1x1x157x2x128xi32, #tpu.memory_space<hbm>>
      %dma_start3A_351 = tpu.memref_squeeze %dma_start3A_350 : memref<1x1x157x2x128xi32, #tpu.memory_space<hbm>> -> memref<157x2x128xi32, #tpu.memory_space<hbm>>
      %dma_start3A_352 = arith.constant 0 : i32
      %dma_start3A_353 = arith.constant 0 : i32
      %dma_start3A_354 = tpu.memref_slice %dma_start3A_351[%add3A_346, %dma_start3A_352, %dma_start3A_353] : memref<157x2x128xi32, #tpu.memory_space<hbm>> -> memref<2x2x128xi32, #tpu.memory_space<hbm>>
      %dma_start3A_355 = arith.constant 0 : i32
      %dma_start3A_356 = arith.constant 0 : i32
      %dma_start3A_357 = arith.constant 0 : i32
      %dma_start3A_358 = tpu.memref_slice %arg3[%arg0, %arg1, %dma_start3A_355, %dma_start3A_356, %dma_start3A_357] : memref<2x16x157x2x128xi32, #tpu.memory_space<hbm>> -> memref<1x1x157x2x128xi32, #tpu.memory_space<hbm>>
      %dma_start3A_359 = tpu.memref_squeeze %dma_start3A_358 : memref<1x1x157x2x128xi32, #tpu.memory_space<hbm>> -> memref<157x2x128xi32, #tpu.memory_space<hbm>>
      %dma_start3A_360 = arith.constant 0 : i32
      %dma_start3A_361 = arith.constant 0 : i32
      %dma_start3A_362 = tpu.memref_slice %dma_start3A_359[%add3A_346, %dma_start3A_360, %dma_start3A_361] : memref<157x2x128xi32, #tpu.memory_space<hbm>> -> memref<2x2x128xi32, #tpu.memory_space<hbm>>
      tpu.enqueue_dma source(%dma_start3A_362 : memref<2x2x128xi32, #tpu.memory_space<hbm>>) target(%arg6 : memref<2x2x128xi32, #tpu.memory_space<vmem>>) target_semaphore(%arg11 : memref<!tpu.dma_semaphore, #tpu.memory_space<semaphore_mem>>)
    }
    %scan3A_38 = arith.constant 38 : i32
    %dma_wait3A = arith.constant 0 : i32
    %dma_wait3A_39 = arith.constant 0 : i32
    %dma_wait3A_40 = arith.constant 0 : i32
    %dma_wait3A_41 = tpu.memref_slice %arg5[%dma_wait3A, %dma_wait3A_39, %dma_wait3A_40] : memref<2x2x128xi32, #tpu.memory_space<vmem>> -> memref<1x1x128xi32, #tpu.memory_space<vmem>>
    %dma_wait3A_42 = tpu.memref_squeeze %dma_wait3A_41 : memref<1x1x128xi32, #tpu.memory_space<vmem>> -> memref<128xi32, #tpu.memory_space<vmem>>
    %dma_wait3A_43 = arith.constant 0 : i32
    %dma_wait3A_44 = arith.constant 0 : i32
    %dma_wait3A_45 = tpu.memref_slice %arg2[%arg0, %dma_wait3A_43, %dma_wait3A_44] : memref<2x10000x128xf32, #tpu.memory_space<hbm>> -> memref<1x10000x128xf32, #tpu.memory_space<hbm>>
    %dma_wait3A_46 = tpu.memref_squeeze %dma_wait3A_45 : memref<1x10000x128xf32, #tpu.memory_space<hbm>> -> memref<10000x128xf32, #tpu.memory_space<hbm>>
    %dma_wait3A_47 = arith.constant 0 : i32
    %dma_wait3A_48 = arith.constant 0 : i32
    %dma_wait3A_49 = tpu.memref_slice %dma_wait3A_46[%dma_wait3A_47, %dma_wait3A_48] : memref<10000x128xf32, #tpu.memory_space<hbm>> -> memref<10000x128xf32, #tpu.memory_space<hbm>>
    tpu.wait_indirect_dma semaphore(%arg12 : memref<!tpu.dma_semaphore, #tpu.memory_space<semaphore_mem>>) src(%dma_wait3A_49 : memref<10000x128xf32, #tpu.memory_space<hbm>>) dst(%arg7 : memref<128x128xf32, #tpu.memory_space<vmem>>)
    %dma_start3A_50 = arith.constant 1 : i32
    %dma_start3A_51 = arith.constant 0 : i32
    %dma_start3A_52 = arith.constant 0 : i32
    %dma_start3A_53 = tpu.memref_slice %arg5[%dma_start3A_50, %dma_start3A_51, %dma_start3A_52] : memref<2x2x128xi32, #tpu.memory_space<vmem>> -> memref<1x1x128xi32, #tpu.memory_space<vmem>>
    %dma_start3A_54 = tpu.memref_squeeze %dma_start3A_53 : memref<1x1x128xi32, #tpu.memory_space<vmem>> -> memref<128xi32, #tpu.memory_space<vmem>>
    %dma_start3A_55 = arith.constant 0 : i32
    %dma_start3A_56 = arith.constant 0 : i32
    %dma_start3A_57 = tpu.memref_slice %arg2[%arg0, %dma_start3A_55, %dma_start3A_56] : memref<2x10000x128xf32, #tpu.memory_space<hbm>> -> memref<1x10000x128xf32, #tpu.memory_space<hbm>>
    %dma_start3A_58 = tpu.memref_squeeze %dma_start3A_57 : memref<1x10000x128xf32, #tpu.memory_space<hbm>> -> memref<10000x128xf32, #tpu.memory_space<hbm>>
    %dma_start3A_59 = arith.constant 0 : i32
    %dma_start3A_60 = arith.constant 0 : i32
    %dma_start3A_61 = tpu.memref_slice %dma_start3A_58[%dma_start3A_59, %dma_start3A_60] : memref<10000x128xf32, #tpu.memory_space<hbm>> -> memref<10000x128xf32, #tpu.memory_space<hbm>>
    tpu.enqueue_indirect_dma source(%dma_start3A_61 : memref<10000x128xf32, #tpu.memory_space<hbm>>) target(%arg8 : memref<128x128xf32, #tpu.memory_space<vmem>>) offsets(%dma_start3A_54 : memref<128xi32, #tpu.memory_space<vmem>>) semaphore(%arg13 : memref<!tpu.dma_semaphore, #tpu.memory_space<semaphore_mem>>)
    %run_scoped3A = arith.constant 0 : i32
    %run_scoped3A_62 = arith.constant 1 : i32
    "tpu.region"() ({
      %run_scoped3A_186 = tpu.sem_alloc : memref<!tpu.dma_semaphore, #tpu.memory_space<semaphore_mem>>
      %dma_start3A_187 = arith.constant 0 : i32
      %dma_start3A_188 = tpu.memref_slice %arg5[%run_scoped3A, %run_scoped3A_62, %dma_start3A_187] : memref<2x2x128xi32, #tpu.memory_space<vmem>> -> memref<1x1x128xi32, #tpu.memory_space<vmem>>
      %dma_start3A_189 = tpu.memref_squeeze %dma_start3A_188 : memref<1x1x128xi32, #tpu.memory_space<vmem>> -> memref<128xi32, #tpu.memory_space<vmem>>
      %dma_start3A_190 = arith.constant 0 : i32
      %dma_start3A_191 = arith.constant 0 : i32
      %dma_start3A_192 = tpu.memref_slice %arg9[%dma_start3A_190, %dma_start3A_191] : memref<10008x128xf32, #tpu.memory_space<vmem_shared>> -> memref<10008x128xf32, #tpu.memory_space<vmem_shared>>
      tpu.enqueue_indirect_dma source(%arg7 : memref<128x128xf32, #tpu.memory_space<vmem>>) target(%dma_start3A_192 : memref<10008x128xf32, #tpu.memory_space<vmem_shared>>) offsets(%dma_start3A_189 : memref<128xi32, #tpu.memory_space<vmem>>) semaphore(%run_scoped3A_186 : memref<!tpu.dma_semaphore, #tpu.memory_space<semaphore_mem>>) {add = true}
      %dma_wait3A_193 = arith.constant 0 : i32
      %dma_wait3A_194 = tpu.memref_slice %arg5[%run_scoped3A, %run_scoped3A_62, %dma_wait3A_193] : memref<2x2x128xi32, #tpu.memory_space<vmem>> -> memref<1x1x128xi32, #tpu.memory_space<vmem>>
      %dma_wait3A_195 = tpu.memref_squeeze %dma_wait3A_194 : memref<1x1x128xi32, #tpu.memory_space<vmem>> -> memref<128xi32, #tpu.memory_space<vmem>>
      %dma_wait3A_196 = arith.constant 0 : i32
      %dma_wait3A_197 = arith.constant 0 : i32
      %dma_wait3A_198 = tpu.memref_slice %arg9[%dma_wait3A_196, %dma_wait3A_197] : memref<10008x128xf32, #tpu.memory_space<vmem_shared>> -> memref<10008x128xf32, #tpu.memory_space<vmem_shared>>
      tpu.wait_indirect_dma semaphore(%run_scoped3A_186 : memref<!tpu.dma_semaphore, #tpu.memory_space<semaphore_mem>>) src(%arg7 : memref<128x128xf32, #tpu.memory_space<vmem>>) dst(%dma_wait3A_198 : memref<10008x128xf32, #tpu.memory_space<vmem_shared>>)
      tpu.yield
    }) : () -> ()
    %dma_wait3A_63 = arith.constant 0 : i32
    %dma_wait3A_64 = arith.constant 0 : i32
    %dma_wait3A_65 = arith.constant 0 : i32
    %dma_wait3A_66 = tpu.memref_slice %arg3[%arg0, %arg1, %dma_wait3A_63, %dma_wait3A_64, %dma_wait3A_65] : memref<2x16x157x2x128xi32, #tpu.memory_space<hbm>> -> memref<1x1x157x2x128xi32, #tpu.memory_space<hbm>>
    %dma_wait3A_67 = tpu.memref_squeeze %dma_wait3A_66 : memref<1x1x157x2x128xi32, #tpu.memory_space<hbm>> -> memref<157x2x128xi32, #tpu.memory_space<hbm>>
    %dma_wait3A_68 = arith.constant 154 : i32
    %dma_wait3A_69 = arith.constant 0 : i32
    %dma_wait3A_70 = arith.constant 0 : i32
    %dma_wait3A_71 = tpu.memref_slice %dma_wait3A_67[%dma_wait3A_68, %dma_wait3A_69, %dma_wait3A_70] : memref<157x2x128xi32, #tpu.memory_space<hbm>> -> memref<2x2x128xi32, #tpu.memory_space<hbm>>
    %dma_wait3A_72 = arith.constant 0 : i32
    %dma_wait3A_73 = arith.constant 0 : i32
    %dma_wait3A_74 = arith.constant 0 : i32
    %dma_wait3A_75 = tpu.memref_slice %arg3[%arg0, %arg1, %dma_wait3A_72, %dma_wait3A_73, %dma_wait3A_74] : memref<2x16x157x2x128xi32, #tpu.memory_space<hbm>> -> memref<1x1x157x2x128xi32, #tpu.memory_space<hbm>>
    %dma_wait3A_76 = tpu.memref_squeeze %dma_wait3A_75 : memref<1x1x157x2x128xi32, #tpu.memory_space<hbm>> -> memref<157x2x128xi32, #tpu.memory_space<hbm>>
    %dma_wait3A_77 = arith.constant 154 : i32
    %dma_wait3A_78 = arith.constant 0 : i32
    %dma_wait3A_79 = arith.constant 0 : i32
    %dma_wait3A_80 = tpu.memref_slice %dma_wait3A_76[%dma_wait3A_77, %dma_wait3A_78, %dma_wait3A_79] : memref<157x2x128xi32, #tpu.memory_space<hbm>> -> memref<2x2x128xi32, #tpu.memory_space<hbm>>
    tpu.wait_dma2 semaphore(%arg11 : memref<!tpu.dma_semaphore, #tpu.memory_space<semaphore_mem>>) src(%dma_wait3A_80 : memref<2x2x128xi32, #tpu.memory_space<hbm>>) dst(%arg6 : memref<2x2x128xi32, #tpu.memory_space<vmem>>)
    %dma_wait3A_81 = arith.constant 1 : i32
    %dma_wait3A_82 = arith.constant 0 : i32
    %dma_wait3A_83 = arith.constant 0 : i32
    %dma_wait3A_84 = tpu.memref_slice %arg5[%dma_wait3A_81, %dma_wait3A_82, %dma_wait3A_83] : memref<2x2x128xi32, #tpu.memory_space<vmem>> -> memref<1x1x128xi32, #tpu.memory_space<vmem>>
    %dma_wait3A_85 = tpu.memref_squeeze %dma_wait3A_84 : memref<1x1x128xi32, #tpu.memory_space<vmem>> -> memref<128xi32, #tpu.memory_space<vmem>>
    %dma_wait3A_86 = arith.constant 0 : i32
    %dma_wait3A_87 = arith.constant 0 : i32
    %dma_wait3A_88 = tpu.memref_slice %arg2[%arg0, %dma_wait3A_86, %dma_wait3A_87] : memref<2x10000x128xf32, #tpu.memory_space<hbm>> -> memref<1x10000x128xf32, #tpu.memory_space<hbm>>
    %dma_wait3A_89 = tpu.memref_squeeze %dma_wait3A_88 : memref<1x10000x128xf32, #tpu.memory_space<hbm>> -> memref<10000x128xf32, #tpu.memory_space<hbm>>
    %dma_wait3A_90 = arith.constant 0 : i32
    %dma_wait3A_91 = arith.constant 0 : i32
    %dma_wait3A_92 = tpu.memref_slice %dma_wait3A_89[%dma_wait3A_90, %dma_wait3A_91] : memref<10000x128xf32, #tpu.memory_space<hbm>> -> memref<10000x128xf32, #tpu.memory_space<hbm>>
    tpu.wait_indirect_dma semaphore(%arg13 : memref<!tpu.dma_semaphore, #tpu.memory_space<semaphore_mem>>) src(%dma_wait3A_92 : memref<10000x128xf32, #tpu.memory_space<hbm>>) dst(%arg8 : memref<128x128xf32, #tpu.memory_space<vmem>>)
    %dma_start3A_93 = arith.constant 0 : i32
    %dma_start3A_94 = arith.constant 0 : i32
    %dma_start3A_95 = arith.constant 0 : i32
    %dma_start3A_96 = tpu.memref_slice %arg6[%dma_start3A_93, %dma_start3A_94, %dma_start3A_95] : memref<2x2x128xi32, #tpu.memory_space<vmem>> -> memref<1x1x128xi32, #tpu.memory_space<vmem>>
    %dma_start3A_97 = tpu.memref_squeeze %dma_start3A_96 : memref<1x1x128xi32, #tpu.memory_space<vmem>> -> memref<128xi32, #tpu.memory_space<vmem>>
    %dma_start3A_98 = arith.constant 0 : i32
    %dma_start3A_99 = arith.constant 0 : i32
    %dma_start3A_100 = tpu.memref_slice %arg2[%arg0, %dma_start3A_98, %dma_start3A_99] : memref<2x10000x128xf32, #tpu.memory_space<hbm>> -> memref<1x10000x128xf32, #tpu.memory_space<hbm>>
    %dma_start3A_101 = tpu.memref_squeeze %dma_start3A_100 : memref<1x10000x128xf32, #tpu.memory_space<hbm>> -> memref<10000x128xf32, #tpu.memory_space<hbm>>
    %dma_start3A_102 = arith.constant 0 : i32
    %dma_start3A_103 = arith.constant 0 : i32
    %dma_start3A_104 = tpu.memref_slice %dma_start3A_101[%dma_start3A_102, %dma_start3A_103] : memref<10000x128xf32, #tpu.memory_space<hbm>> -> memref<10000x128xf32, #tpu.memory_space<hbm>>
    tpu.enqueue_indirect_dma source(%dma_start3A_104 : memref<10000x128xf32, #tpu.memory_space<hbm>>) target(%arg7 : memref<128x128xf32, #tpu.memory_space<vmem>>) offsets(%dma_start3A_97 : memref<128xi32, #tpu.memory_space<vmem>>) semaphore(%arg12 : memref<!tpu.dma_semaphore, #tpu.memory_space<semaphore_mem>>)
    %run_scoped3A_105 = arith.constant 1 : i32
    %run_scoped3A_106 = arith.constant 1 : i32
    "tpu.region"() ({
      %run_scoped3A_186 = tpu.sem_alloc : memref<!tpu.dma_semaphore, #tpu.memory_space<semaphore_mem>>
      %dma_start3A_187 = arith.constant 0 : i32
      %dma_start3A_188 = tpu.memref_slice %arg5[%run_scoped3A_105, %run_scoped3A_106, %dma_start3A_187] : memref<2x2x128xi32, #tpu.memory_space<vmem>> -> memref<1x1x128xi32, #tpu.memory_space<vmem>>
      %dma_start3A_189 = tpu.memref_squeeze %dma_start3A_188 : memref<1x1x128xi32, #tpu.memory_space<vmem>> -> memref<128xi32, #tpu.memory_space<vmem>>
      %dma_start3A_190 = arith.constant 0 : i32
      %dma_start3A_191 = arith.constant 0 : i32
      %dma_start3A_192 = tpu.memref_slice %arg9[%dma_start3A_190, %dma_start3A_191] : memref<10008x128xf32, #tpu.memory_space<vmem_shared>> -> memref<10008x128xf32, #tpu.memory_space<vmem_shared>>
      tpu.enqueue_indirect_dma source(%arg8 : memref<128x128xf32, #tpu.memory_space<vmem>>) target(%dma_start3A_192 : memref<10008x128xf32, #tpu.memory_space<vmem_shared>>) offsets(%dma_start3A_189 : memref<128xi32, #tpu.memory_space<vmem>>) semaphore(%run_scoped3A_186 : memref<!tpu.dma_semaphore, #tpu.memory_space<semaphore_mem>>) {add = true}
      %dma_wait3A_193 = arith.constant 0 : i32
      %dma_wait3A_194 = tpu.memref_slice %arg5[%run_scoped3A_105, %run_scoped3A_106, %dma_wait3A_193] : memref<2x2x128xi32, #tpu.memory_space<vmem>> -> memref<1x1x128xi32, #tpu.memory_space<vmem>>
      %dma_wait3A_195 = tpu.memref_squeeze %dma_wait3A_194 : memref<1x1x128xi32, #tpu.memory_space<vmem>> -> memref<128xi32, #tpu.memory_space<vmem>>
      %dma_wait3A_196 = arith.constant 0 : i32
      %dma_wait3A_197 = arith.constant 0 : i32
      %dma_wait3A_198 = tpu.memref_slice %arg9[%dma_wait3A_196, %dma_wait3A_197] : memref<10008x128xf32, #tpu.memory_space<vmem_shared>> -> memref<10008x128xf32, #tpu.memory_space<vmem_shared>>
      tpu.wait_indirect_dma semaphore(%run_scoped3A_186 : memref<!tpu.dma_semaphore, #tpu.memory_space<semaphore_mem>>) src(%arg8 : memref<128x128xf32, #tpu.memory_space<vmem>>) dst(%dma_wait3A_198 : memref<10008x128xf32, #tpu.memory_space<vmem_shared>>)
      tpu.yield
    }) : () -> ()
    %run_scoped3A_107 = arith.constant 156 : i32
    %run_scoped3A_108 = arith.constant 0 : i32
    "tpu.region"() ({
      %run_scoped3A_186 = tpu.sem_alloc : memref<!tpu.dma_semaphore, #tpu.memory_space<semaphore_mem>>
      %dma_start3A_187 = arith.constant 0 : i32
      %dma_start3A_188 = arith.constant 0 : i32
      %dma_start3A_189 = tpu.memref_slice %arg5[%run_scoped3A_108, %dma_start3A_187, %dma_start3A_188] : memref<2x2x128xi32, #tpu.memory_space<vmem>> -> memref<1x2x128xi32, #tpu.memory_space<vmem>>
      %dma_start3A_190 = tpu.memref_squeeze %dma_start3A_189 : memref<1x2x128xi32, #tpu.memory_space<vmem>> -> memref<2x128xi32, #tpu.memory_space<vmem>>
      %dma_start3A_191 = arith.constant 0 : i32
      %dma_start3A_192 = arith.constant 0 : i32
      %dma_start3A_193 = arith.constant 0 : i32
      %dma_start3A_194 = tpu.memref_slice %arg3[%arg0, %arg1, %dma_start3A_191, %dma_start3A_192, %dma_start3A_193] : memref<2x16x157x2x128xi32, #tpu.memory_space<hbm>> -> memref<1x1x157x2x128xi32, #tpu.memory_space<hbm>>
      %dma_start3A_195 = tpu.memref_squeeze %dma_start3A_194 : memref<1x1x157x2x128xi32, #tpu.memory_space<hbm>> -> memref<157x2x128xi32, #tpu.memory_space<hbm>>
      %dma_start3A_196 = arith.constant 0 : i32
      %dma_start3A_197 = arith.constant 0 : i32
      %dma_start3A_198 = tpu.memref_slice %dma_start3A_195[%run_scoped3A_107, %dma_start3A_196, %dma_start3A_197] : memref<157x2x128xi32, #tpu.memory_space<hbm>> -> memref<1x2x128xi32, #tpu.memory_space<hbm>>
      %dma_start3A_199 = tpu.memref_squeeze %dma_start3A_198 : memref<1x2x128xi32, #tpu.memory_space<hbm>> -> memref<2x128xi32, #tpu.memory_space<hbm>>
      %dma_start3A_200 = arith.constant 0 : i32
      %dma_start3A_201 = arith.constant 0 : i32
      %dma_start3A_202 = tpu.memref_slice %arg5[%run_scoped3A_108, %dma_start3A_200, %dma_start3A_201] : memref<2x2x128xi32, #tpu.memory_space<vmem>> -> memref<1x2x128xi32, #tpu.memory_space<vmem>>
      %dma_start3A_203 = tpu.memref_squeeze %dma_start3A_202 : memref<1x2x128xi32, #tpu.memory_space<vmem>> -> memref<2x128xi32, #tpu.memory_space<vmem>>
      %dma_start3A_204 = arith.constant 0 : i32
      %dma_start3A_205 = arith.constant 0 : i32
      %dma_start3A_206 = arith.constant 0 : i32
      %dma_start3A_207 = tpu.memref_slice %arg3[%arg0, %arg1, %dma_start3A_204, %dma_start3A_205, %dma_start3A_206] : memref<2x16x157x2x128xi32, #tpu.memory_space<hbm>> -> memref<1x1x157x2x128xi32, #tpu.memory_space<hbm>>
      %dma_start3A_208 = tpu.memref_squeeze %dma_start3A_207 : memref<1x1x157x2x128xi32, #tpu.memory_space<hbm>> -> memref<157x2x128xi32, #tpu.memory_space<hbm>>
      %dma_start3A_209 = arith.constant 0 : i32
      %dma_start3A_210 = arith.constant 0 : i32
      %dma_start3A_211 = tpu.memref_slice %dma_start3A_208[%run_scoped3A_107, %dma_start3A_209, %dma_start3A_210] : memref<157x2x128xi32, #tpu.memory_space<hbm>> -> memref<1x2x128xi32, #tpu.memory_space<hbm>>
      %dma_start3A_212 = tpu.memref_squeeze %dma_start3A_211 : memref<1x2x128xi32, #tpu.memory_space<hbm>> -> memref<2x128xi32, #tpu.memory_space<hbm>>
      tpu.enqueue_dma source(%dma_start3A_212 : memref<2x128xi32, #tpu.memory_space<hbm>>) target(%dma_start3A_203 : memref<2x128xi32, #tpu.memory_space<vmem>>) target_semaphore(%run_scoped3A_186 : memref<!tpu.dma_semaphore, #tpu.memory_space<semaphore_mem>>)
      %dma_wait3A_213 = arith.constant 0 : i32
      %dma_wait3A_214 = arith.constant 0 : i32
      %dma_wait3A_215 = tpu.memref_slice %arg5[%run_scoped3A_108, %dma_wait3A_213, %dma_wait3A_214] : memref<2x2x128xi32, #tpu.memory_space<vmem>> -> memref<1x2x128xi32, #tpu.memory_space<vmem>>
      %dma_wait3A_216 = tpu.memref_squeeze %dma_wait3A_215 : memref<1x2x128xi32, #tpu.memory_space<vmem>> -> memref<2x128xi32, #tpu.memory_space<vmem>>
      %dma_wait3A_217 = arith.constant 0 : i32
      %dma_wait3A_218 = arith.constant 0 : i32
      %dma_wait3A_219 = arith.constant 0 : i32
      %dma_wait3A_220 = tpu.memref_slice %arg3[%arg0, %arg1, %dma_wait3A_217, %dma_wait3A_218, %dma_wait3A_219] : memref<2x16x157x2x128xi32, #tpu.memory_space<hbm>> -> memref<1x1x157x2x128xi32, #tpu.memory_space<hbm>>
      %dma_wait3A_221 = tpu.memref_squeeze %dma_wait3A_220 : memref<1x1x157x2x128xi32, #tpu.memory_space<hbm>> -> memref<157x2x128xi32, #tpu.memory_space<hbm>>
      %dma_wait3A_222 = arith.constant 0 : i32
      %dma_wait3A_223 = arith.constant 0 : i32
      %dma_wait3A_224 = tpu.memref_slice %dma_wait3A_221[%run_scoped3A_107, %dma_wait3A_222, %dma_wait3A_223] : memref<157x2x128xi32, #tpu.memory_space<hbm>> -> memref<1x2x128xi32, #tpu.memory_space<hbm>>
      %dma_wait3A_225 = tpu.memref_squeeze %dma_wait3A_224 : memref<1x2x128xi32, #tpu.memory_space<hbm>> -> memref<2x128xi32, #tpu.memory_space<hbm>>
      %dma_wait3A_226 = arith.constant 0 : i32
      %dma_wait3A_227 = arith.constant 0 : i32
      %dma_wait3A_228 = tpu.memref_slice %arg5[%run_scoped3A_108, %dma_wait3A_226, %dma_wait3A_227] : memref<2x2x128xi32, #tpu.memory_space<vmem>> -> memref<1x2x128xi32, #tpu.memory_space<vmem>>
      %dma_wait3A_229 = tpu.memref_squeeze %dma_wait3A_228 : memref<1x2x128xi32, #tpu.memory_space<vmem>> -> memref<2x128xi32, #tpu.memory_space<vmem>>
      %dma_wait3A_230 = arith.constant 0 : i32
      %dma_wait3A_231 = arith.constant 0 : i32
      %dma_wait3A_232 = arith.constant 0 : i32
      %dma_wait3A_233 = tpu.memref_slice %arg3[%arg0, %arg1, %dma_wait3A_230, %dma_wait3A_231, %dma_wait3A_232] : memref<2x16x157x2x128xi32, #tpu.memory_space<hbm>> -> memref<1x1x157x2x128xi32, #tpu.memory_space<hbm>>
      %dma_wait3A_234 = tpu.memref_squeeze %dma_wait3A_233 : memref<1x1x157x2x128xi32, #tpu.memory_space<hbm>> -> memref<157x2x128xi32, #tpu.memory_space<hbm>>
      %dma_wait3A_235 = arith.constant 0 : i32
      %dma_wait3A_236 = arith.constant 0 : i32
      %dma_wait3A_237 = tpu.memref_slice %dma_wait3A_234[%run_scoped3A_107, %dma_wait3A_235, %dma_wait3A_236] : memref<157x2x128xi32, #tpu.memory_space<hbm>> -> memref<1x2x128xi32, #tpu.memory_space<hbm>>
      %dma_wait3A_238 = tpu.memref_squeeze %dma_wait3A_237 : memref<1x2x128xi32, #tpu.memory_space<hbm>> -> memref<2x128xi32, #tpu.memory_space<hbm>>
      tpu.wait_dma2 semaphore(%run_scoped3A_186 : memref<!tpu.dma_semaphore, #tpu.memory_space<semaphore_mem>>) src(%dma_wait3A_238 : memref<2x128xi32, #tpu.memory_space<hbm>>) dst(%dma_wait3A_229 : memref<2x128xi32, #tpu.memory_space<vmem>>)
      tpu.yield
    }) : () -> ()
    %dma_wait3A_109 = arith.constant 0 : i32
    %dma_wait3A_110 = arith.constant 0 : i32
    %dma_wait3A_111 = arith.constant 0 : i32
    %dma_wait3A_112 = tpu.memref_slice %arg6[%dma_wait3A_109, %dma_wait3A_110, %dma_wait3A_111] : memref<2x2x128xi32, #tpu.memory_space<vmem>> -> memref<1x1x128xi32, #tpu.memory_space<vmem>>
    %dma_wait3A_113 = tpu.memref_squeeze %dma_wait3A_112 : memref<1x1x128xi32, #tpu.memory_space<vmem>> -> memref<128xi32, #tpu.memory_space<vmem>>
    %dma_wait3A_114 = arith.constant 0 : i32
    %dma_wait3A_115 = arith.constant 0 : i32
    %dma_wait3A_116 = tpu.memref_slice %arg2[%arg0, %dma_wait3A_114, %dma_wait3A_115] : memref<2x10000x128xf32, #tpu.memory_space<hbm>> -> memref<1x10000x128xf32, #tpu.memory_space<hbm>>
    %dma_wait3A_117 = tpu.memref_squeeze %dma_wait3A_116 : memref<1x10000x128xf32, #tpu.memory_space<hbm>> -> memref<10000x128xf32, #tpu.memory_space<hbm>>
    %dma_wait3A_118 = arith.constant 0 : i32
    %dma_wait3A_119 = arith.constant 0 : i32
    %dma_wait3A_120 = tpu.memref_slice %dma_wait3A_117[%dma_wait3A_118, %dma_wait3A_119] : memref<10000x128xf32, #tpu.memory_space<hbm>> -> memref<10000x128xf32, #tpu.memory_space<hbm>>
    tpu.wait_indirect_dma semaphore(%arg12 : memref<!tpu.dma_semaphore, #tpu.memory_space<semaphore_mem>>) src(%dma_wait3A_120 : memref<10000x128xf32, #tpu.memory_space<hbm>>) dst(%arg7 : memref<128x128xf32, #tpu.memory_space<vmem>>)
    %dma_start3A_121 = arith.constant 1 : i32
    %dma_start3A_122 = arith.constant 0 : i32
    %dma_start3A_123 = arith.constant 0 : i32
    %dma_start3A_124 = tpu.memref_slice %arg6[%dma_start3A_121, %dma_start3A_122, %dma_start3A_123] : memref<2x2x128xi32, #tpu.memory_space<vmem>> -> memref<1x1x128xi32, #tpu.memory_space<vmem>>
    %dma_start3A_125 = tpu.memref_squeeze %dma_start3A_124 : memref<1x1x128xi32, #tpu.memory_space<vmem>> -> memref<128xi32, #tpu.memory_space<vmem>>
    %dma_start3A_126 = arith.constant 0 : i32
    %dma_start3A_127 = arith.constant 0 : i32
    %dma_start3A_128 = tpu.memref_slice %arg2[%arg0, %dma_start3A_126, %dma_start3A_127] : memref<2x10000x128xf32, #tpu.memory_space<hbm>> -> memref<1x10000x128xf32, #tpu.memory_space<hbm>>
    %dma_start3A_129 = tpu.memref_squeeze %dma_start3A_128 : memref<1x10000x128xf32, #tpu.memory_space<hbm>> -> memref<10000x128xf32, #tpu.memory_space<hbm>>
    %dma_start3A_130 = arith.constant 0 : i32
    %dma_start3A_131 = arith.constant 0 : i32
    %dma_start3A_132 = tpu.memref_slice %dma_start3A_129[%dma_start3A_130, %dma_start3A_131] : memref<10000x128xf32, #tpu.memory_space<hbm>> -> memref<10000x128xf32, #tpu.memory_space<hbm>>
    tpu.enqueue_indirect_dma source(%dma_start3A_132 : memref<10000x128xf32, #tpu.memory_space<hbm>>) target(%arg8 : memref<128x128xf32, #tpu.memory_space<vmem>>) offsets(%dma_start3A_125 : memref<128xi32, #tpu.memory_space<vmem>>) semaphore(%arg13 : memref<!tpu.dma_semaphore, #tpu.memory_space<semaphore_mem>>)
    %run_scoped3A_133 = arith.constant 0 : i32
    %run_scoped3A_134 = arith.constant 1 : i32
    "tpu.region"() ({
      %run_scoped3A_186 = tpu.sem_alloc : memref<!tpu.dma_semaphore, #tpu.memory_space<semaphore_mem>>
      %dma_start3A_187 = arith.constant 0 : i32
      %dma_start3A_188 = tpu.memref_slice %arg6[%run_scoped3A_133, %run_scoped3A_134, %dma_start3A_187] : memref<2x2x128xi32, #tpu.memory_space<vmem>> -> memref<1x1x128xi32, #tpu.memory_space<vmem>>
      %dma_start3A_189 = tpu.memref_squeeze %dma_start3A_188 : memref<1x1x128xi32, #tpu.memory_space<vmem>> -> memref<128xi32, #tpu.memory_space<vmem>>
      %dma_start3A_190 = arith.constant 0 : i32
      %dma_start3A_191 = arith.constant 0 : i32
      %dma_start3A_192 = tpu.memref_slice %arg9[%dma_start3A_190, %dma_start3A_191] : memref<10008x128xf32, #tpu.memory_space<vmem_shared>> -> memref<10008x128xf32, #tpu.memory_space<vmem_shared>>
      tpu.enqueue_indirect_dma source(%arg7 : memref<128x128xf32, #tpu.memory_space<vmem>>) target(%dma_start3A_192 : memref<10008x128xf32, #tpu.memory_space<vmem_shared>>) offsets(%dma_start3A_189 : memref<128xi32, #tpu.memory_space<vmem>>) semaphore(%run_scoped3A_186 : memref<!tpu.dma_semaphore, #tpu.memory_space<semaphore_mem>>) {add = true}
      %dma_wait3A_193 = arith.constant 0 : i32
      %dma_wait3A_194 = tpu.memref_slice %arg6[%run_scoped3A_133, %run_scoped3A_134, %dma_wait3A_193] : memref<2x2x128xi32, #tpu.memory_space<vmem>> -> memref<1x1x128xi32, #tpu.memory_space<vmem>>
      %dma_wait3A_195 = tpu.memref_squeeze %dma_wait3A_194 : memref<1x1x128xi32, #tpu.memory_space<vmem>> -> memref<128xi32, #tpu.memory_space<vmem>>
      %dma_wait3A_196 = arith.constant 0 : i32
      %dma_wait3A_197 = arith.constant 0 : i32
      %dma_wait3A_198 = tpu.memref_slice %arg9[%dma_wait3A_196, %dma_wait3A_197] : memref<10008x128xf32, #tpu.memory_space<vmem_shared>> -> memref<10008x128xf32, #tpu.memory_space<vmem_shared>>
      tpu.wait_indirect_dma semaphore(%run_scoped3A_186 : memref<!tpu.dma_semaphore, #tpu.memory_space<semaphore_mem>>) src(%arg7 : memref<128x128xf32, #tpu.memory_space<vmem>>) dst(%dma_wait3A_198 : memref<10008x128xf32, #tpu.memory_space<vmem_shared>>)
      tpu.yield
    }) : () -> ()
    %dma_start3A_135 = arith.constant 0 : i32
    %dma_start3A_136 = arith.constant 0 : i32
    %dma_start3A_137 = arith.constant 0 : i32
    %dma_start3A_138 = tpu.memref_slice %arg5[%dma_start3A_135, %dma_start3A_136, %dma_start3A_137] : memref<2x2x128xi32, #tpu.memory_space<vmem>> -> memref<1x1x128xi32, #tpu.memory_space<vmem>>
    %dma_start3A_139 = tpu.memref_squeeze %dma_start3A_138 : memref<1x1x128xi32, #tpu.memory_space<vmem>> -> memref<128xi32, #tpu.memory_space<vmem>>
    %dma_start3A_140 = arith.constant 0 : i32
    %dma_start3A_141 = arith.constant 0 : i32
    %dma_start3A_142 = tpu.memref_slice %arg2[%arg0, %dma_start3A_140, %dma_start3A_141] : memref<2x10000x128xf32, #tpu.memory_space<hbm>> -> memref<1x10000x128xf32, #tpu.memory_space<hbm>>
    %dma_start3A_143 = tpu.memref_squeeze %dma_start3A_142 : memref<1x10000x128xf32, #tpu.memory_space<hbm>> -> memref<10000x128xf32, #tpu.memory_space<hbm>>
    %dma_start3A_144 = arith.constant 0 : i32
    %dma_start3A_145 = arith.constant 0 : i32
    %dma_start3A_146 = tpu.memref_slice %dma_start3A_143[%dma_start3A_144, %dma_start3A_145] : memref<10000x128xf32, #tpu.memory_space<hbm>> -> memref<10000x128xf32, #tpu.memory_space<hbm>>
    tpu.enqueue_indirect_dma source(%dma_start3A_146 : memref<10000x128xf32, #tpu.memory_space<hbm>>) target(%arg7 : memref<128x128xf32, #tpu.memory_space<vmem>>) offsets(%dma_start3A_139 : memref<128xi32, #tpu.memory_space<vmem>>) semaphore(%arg12 : memref<!tpu.dma_semaphore, #tpu.memory_space<semaphore_mem>>)
    %dma_wait3A_147 = arith.constant 1 : i32
    %dma_wait3A_148 = arith.constant 0 : i32
    %dma_wait3A_149 = arith.constant 0 : i32
    %dma_wait3A_150 = tpu.memref_slice %arg6[%dma_wait3A_147, %dma_wait3A_148, %dma_wait3A_149] : memref<2x2x128xi32, #tpu.memory_space<vmem>> -> memref<1x1x128xi32, #tpu.memory_space<vmem>>
    %dma_wait3A_151 = tpu.memref_squeeze %dma_wait3A_150 : memref<1x1x128xi32, #tpu.memory_space<vmem>> -> memref<128xi32, #tpu.memory_space<vmem>>
    %dma_wait3A_152 = arith.constant 0 : i32
    %dma_wait3A_153 = arith.constant 0 : i32
    %dma_wait3A_154 = tpu.memref_slice %arg2[%arg0, %dma_wait3A_152, %dma_wait3A_153] : memref<2x10000x128xf32, #tpu.memory_space<hbm>> -> memref<1x10000x128xf32, #tpu.memory_space<hbm>>
    %dma_wait3A_155 = tpu.memref_squeeze %dma_wait3A_154 : memref<1x10000x128xf32, #tpu.memory_space<hbm>> -> memref<10000x128xf32, #tpu.memory_space<hbm>>
    %dma_wait3A_156 = arith.constant 0 : i32
    %dma_wait3A_157 = arith.constant 0 : i32
    %dma_wait3A_158 = tpu.memref_slice %dma_wait3A_155[%dma_wait3A_156, %dma_wait3A_157] : memref<10000x128xf32, #tpu.memory_space<hbm>> -> memref<10000x128xf32, #tpu.memory_space<hbm>>
    tpu.wait_indirect_dma semaphore(%arg13 : memref<!tpu.dma_semaphore, #tpu.memory_space<semaphore_mem>>) src(%dma_wait3A_158 : memref<10000x128xf32, #tpu.memory_space<hbm>>) dst(%arg8 : memref<128x128xf32, #tpu.memory_space<vmem>>)
    %run_scoped3A_159 = arith.constant 1 : i32
    %run_scoped3A_160 = arith.constant 1 : i32
    "tpu.region"() ({
      %run_scoped3A_186 = tpu.sem_alloc : memref<!tpu.dma_semaphore, #tpu.memory_space<semaphore_mem>>
      %dma_start3A_187 = arith.constant 0 : i32
      %dma_start3A_188 = tpu.memref_slice %arg6[%run_scoped3A_159, %run_scoped3A_160, %dma_start3A_187] : memref<2x2x128xi32, #tpu.memory_space<vmem>> -> memref<1x1x128xi32, #tpu.memory_space<vmem>>
      %dma_start3A_189 = tpu.memref_squeeze %dma_start3A_188 : memref<1x1x128xi32, #tpu.memory_space<vmem>> -> memref<128xi32, #tpu.memory_space<vmem>>
      %dma_start3A_190 = arith.constant 0 : i32
      %dma_start3A_191 = arith.constant 0 : i32
      %dma_start3A_192 = tpu.memref_slice %arg9[%dma_start3A_190, %dma_start3A_191] : memref<10008x128xf32, #tpu.memory_space<vmem_shared>> -> memref<10008x128xf32, #tpu.memory_space<vmem_shared>>
      tpu.enqueue_indirect_dma source(%arg8 : memref<128x128xf32, #tpu.memory_space<vmem>>) target(%dma_start3A_192 : memref<10008x128xf32, #tpu.memory_space<vmem_shared>>) offsets(%dma_start3A_189 : memref<128xi32, #tpu.memory_space<vmem>>) semaphore(%run_scoped3A_186 : memref<!tpu.dma_semaphore, #tpu.memory_space<semaphore_mem>>) {add = true}
      %dma_wait3A_193 = arith.constant 0 : i32
      %dma_wait3A_194 = tpu.memref_slice %arg6[%run_scoped3A_159, %run_scoped3A_160, %dma_wait3A_193] : memref<2x2x128xi32, #tpu.memory_space<vmem>> -> memref<1x1x128xi32, #tpu.memory_space<vmem>>
      %dma_wait3A_195 = tpu.memref_squeeze %dma_wait3A_194 : memref<1x1x128xi32, #tpu.memory_space<vmem>> -> memref<128xi32, #tpu.memory_space<vmem>>
      %dma_wait3A_196 = arith.constant 0 : i32
      %dma_wait3A_197 = arith.constant 0 : i32
      %dma_wait3A_198 = tpu.memref_slice %arg9[%dma_wait3A_196, %dma_wait3A_197] : memref<10008x128xf32, #tpu.memory_space<vmem_shared>> -> memref<10008x128xf32, #tpu.memory_space<vmem_shared>>
      tpu.wait_indirect_dma semaphore(%run_scoped3A_186 : memref<!tpu.dma_semaphore, #tpu.memory_space<semaphore_mem>>) src(%arg8 : memref<128x128xf32, #tpu.memory_space<vmem>>) dst(%dma_wait3A_198 : memref<10008x128xf32, #tpu.memory_space<vmem_shared>>)
      tpu.yield
    }) : () -> ()
    %dma_wait3A_161 = arith.constant 0 : i32
    %dma_wait3A_162 = arith.constant 0 : i32
    %dma_wait3A_163 = arith.constant 0 : i32
    %dma_wait3A_164 = tpu.memref_slice %arg5[%dma_wait3A_161, %dma_wait3A_162, %dma_wait3A_163] : memref<2x2x128xi32, #tpu.memory_space<vmem>> -> memref<1x1x128xi32, #tpu.memory_space<vmem>>
    %dma_wait3A_165 = tpu.memref_squeeze %dma_wait3A_164 : memref<1x1x128xi32, #tpu.memory_space<vmem>> -> memref<128xi32, #tpu.memory_space<vmem>>
    %dma_wait3A_166 = arith.constant 0 : i32
    %dma_wait3A_167 = arith.constant 0 : i32
    %dma_wait3A_168 = tpu.memref_slice %arg2[%arg0, %dma_wait3A_166, %dma_wait3A_167] : memref<2x10000x128xf32, #tpu.memory_space<hbm>> -> memref<1x10000x128xf32, #tpu.memory_space<hbm>>
    %dma_wait3A_169 = tpu.memref_squeeze %dma_wait3A_168 : memref<1x10000x128xf32, #tpu.memory_space<hbm>> -> memref<10000x128xf32, #tpu.memory_space<hbm>>
    %dma_wait3A_170 = arith.constant 0 : i32
    %dma_wait3A_171 = arith.constant 0 : i32
    %dma_wait3A_172 = tpu.memref_slice %dma_wait3A_169[%dma_wait3A_170, %dma_wait3A_171] : memref<10000x128xf32, #tpu.memory_space<hbm>> -> memref<10000x128xf32, #tpu.memory_space<hbm>>
    tpu.wait_indirect_dma semaphore(%arg12 : memref<!tpu.dma_semaphore, #tpu.memory_space<semaphore_mem>>) src(%dma_wait3A_172 : memref<10000x128xf32, #tpu.memory_space<hbm>>) dst(%arg7 : memref<128x128xf32, #tpu.memory_space<vmem>>)
    %run_scoped3A_173 = arith.constant 0 : i32
    %run_scoped3A_174 = arith.constant 1 : i32
    "tpu.region"() ({
      %run_scoped3A_186 = tpu.sem_alloc : memref<!tpu.dma_semaphore, #tpu.memory_space<semaphore_mem>>
      %dma_start3A_187 = arith.constant 0 : i32
      %dma_start3A_188 = tpu.memref_slice %arg5[%run_scoped3A_173, %run_scoped3A_174, %dma_start3A_187] : memref<2x2x128xi32, #tpu.memory_space<vmem>> -> memref<1x1x128xi32, #tpu.memory_space<vmem>>
      %dma_start3A_189 = tpu.memref_squeeze %dma_start3A_188 : memref<1x1x128xi32, #tpu.memory_space<vmem>> -> memref<128xi32, #tpu.memory_space<vmem>>
      %dma_start3A_190 = arith.constant 0 : i32
      %dma_start3A_191 = arith.constant 0 : i32
      %dma_start3A_192 = tpu.memref_slice %arg9[%dma_start3A_190, %dma_start3A_191] : memref<10008x128xf32, #tpu.memory_space<vmem_shared>> -> memref<10008x128xf32, #tpu.memory_space<vmem_shared>>
      tpu.enqueue_indirect_dma source(%arg7 : memref<128x128xf32, #tpu.memory_space<vmem>>) target(%dma_start3A_192 : memref<10008x128xf32, #tpu.memory_space<vmem_shared>>) offsets(%dma_start3A_189 : memref<128xi32, #tpu.memory_space<vmem>>) semaphore(%run_scoped3A_186 : memref<!tpu.dma_semaphore, #tpu.memory_space<semaphore_mem>>) {add = true}
      %dma_wait3A_193 = arith.constant 0 : i32
      %dma_wait3A_194 = tpu.memref_slice %arg5[%run_scoped3A_173, %run_scoped3A_174, %dma_wait3A_193] : memref<2x2x128xi32, #tpu.memory_space<vmem>> -> memref<1x1x128xi32, #tpu.memory_space<vmem>>
      %dma_wait3A_195 = tpu.memref_squeeze %dma_wait3A_194 : memref<1x1x128xi32, #tpu.memory_space<vmem>> -> memref<128xi32, #tpu.memory_space<vmem>>
      %dma_wait3A_196 = arith.constant 0 : i32
      %dma_wait3A_197 = arith.constant 0 : i32
      %dma_wait3A_198 = tpu.memref_slice %arg9[%dma_wait3A_196, %dma_wait3A_197] : memref<10008x128xf32, #tpu.memory_space<vmem_shared>> -> memref<10008x128xf32, #tpu.memory_space<vmem_shared>>
      tpu.wait_indirect_dma semaphore(%run_scoped3A_186 : memref<!tpu.dma_semaphore, #tpu.memory_space<semaphore_mem>>) src(%arg7 : memref<128x128xf32, #tpu.memory_space<vmem>>) dst(%dma_wait3A_198 : memref<10008x128xf32, #tpu.memory_space<vmem_shared>>)
      tpu.yield
    }) : () -> ()
    %barrier3A_175 = arith.constant 0 : index
    tpu.barrier barrier_id(%barrier3A_175)
    %lt3A_176 = arith.constant 15 : i32
    %lt3A_177 = arith.cmpi slt, %arg1, %lt3A_176 : i32
    %convert_element_type3A_178 = arith.extui %lt3A_177 : i1 to i32
    %cond3A_179 = arith.constant 0 : i32
    %cond3A_180 = arith.cmpi ne, %convert_element_type3A_178, %cond3A_179 : i32
    scf.if %cond3A_180 {
      %mul3A = arith.constant 640 : i32
      %mul3A_186 = arith.muli %arg1, %mul3A : i32
      %mul3A_187 = arith.constant 640 : i32
      %mul3A_188 = arith.muli %arg1, %mul3A_187 : i32
      "tpu.region"() ({
        %run_scoped3A_189 = tpu.sem_alloc : memref<!tpu.dma_semaphore, #tpu.memory_space<semaphore_mem>>
        %dma_start3A_190 = arith.constant 0 : i32
        %dma_start3A_191 = arith.constant 0 : i32
        %dma_start3A_192 = tpu.memref_slice %arg4[%arg0, %dma_start3A_190, %dma_start3A_191] : memref<2x10000x128xf32, #tpu.memory_space<hbm>> -> memref<1x10000x128xf32, #tpu.memory_space<hbm>>
        %dma_start3A_193 = tpu.memref_squeeze %dma_start3A_192 : memref<1x10000x128xf32, #tpu.memory_space<hbm>> -> memref<10000x128xf32, #tpu.memory_space<hbm>>
        %dma_start3A_194 = arith.constant 0 : i32
        %dma_start3A_195 = tpu.memref_slice %dma_start3A_193[%mul3A_188, %dma_start3A_194] : memref<10000x128xf32, #tpu.memory_space<hbm>> -> memref<640x128xf32, #tpu.memory_space<hbm>>
        %dma_start3A_196 = arith.constant 0 : i32
        %dma_start3A_197 = tpu.memref_slice %arg9[%mul3A_186, %dma_start3A_196] : memref<10008x128xf32, #tpu.memory_space<vmem_shared>> -> memref<640x128xf32, #tpu.memory_space<vmem_shared>>
        tpu.enqueue_dma source(%dma_start3A_197 : memref<640x128xf32, #tpu.memory_space<vmem_shared>>) target(%dma_start3A_195 : memref<640x128xf32, #tpu.memory_space<hbm>>) target_semaphore(%run_scoped3A_189 : memref<!tpu.dma_semaphore, #tpu.memory_space<semaphore_mem>>)
        %dma_wait3A_198 = arith.constant 0 : i32
        %dma_wait3A_199 = arith.constant 0 : i32
        %dma_wait3A_200 = tpu.memref_slice %arg4[%arg0, %dma_wait3A_198, %dma_wait3A_199] : memref<2x10000x128xf32, #tpu.memory_space<hbm>> -> memref<1x10000x128xf32, #tpu.memory_space<hbm>>
        %dma_wait3A_201 = tpu.memref_squeeze %dma_wait3A_200 : memref<1x10000x128xf32, #tpu.memory_space<hbm>> -> memref<10000x128xf32, #tpu.memory_space<hbm>>
        %dma_wait3A_202 = arith.constant 0 : i32
        %dma_wait3A_203 = tpu.memref_slice %dma_wait3A_201[%mul3A_188, %dma_wait3A_202] : memref<10000x128xf32, #tpu.memory_space<hbm>> -> memref<640x128xf32, #tpu.memory_space<hbm>>
        %dma_wait3A_204 = arith.constant 0 : i32
        %dma_wait3A_205 = tpu.memref_slice %arg9[%mul3A_186, %dma_wait3A_204] : memref<10008x128xf32, #tpu.memory_space<vmem_shared>> -> memref<640x128xf32, #tpu.memory_space<vmem_shared>>
        tpu.wait_dma2 semaphore(%run_scoped3A_189 : memref<!tpu.dma_semaphore, #tpu.memory_space<semaphore_mem>>) src(%dma_wait3A_205 : memref<640x128xf32, #tpu.memory_space<vmem_shared>>) dst(%dma_wait3A_203 : memref<640x128xf32, #tpu.memory_space<hbm>>)
        tpu.yield
      }) : () -> ()
    } else {
    }
    %eq3A_181 = arith.constant 15 : i32
    %eq3A_182 = arith.cmpi eq, %arg1, %eq3A_181 : i32
    %convert_element_type3A_183 = arith.extui %eq3A_182 : i1 to i32
    %cond3A_184 = arith.constant 0 : i32
    %cond3A_185 = arith.cmpi ne, %convert_element_type3A_183, %cond3A_184 : i32
    scf.if %cond3A_185 {
      "tpu.region"() ({
        %run_scoped3A_186 = tpu.sem_alloc : memref<!tpu.dma_semaphore, #tpu.memory_space<semaphore_mem>>
        %dma_start3A_187 = arith.constant 0 : i32
        %dma_start3A_188 = arith.constant 0 : i32
        %dma_start3A_189 = tpu.memref_slice %arg4[%arg0, %dma_start3A_187, %dma_start3A_188] : memref<2x10000x128xf32, #tpu.memory_space<hbm>> -> memref<1x10000x128xf32, #tpu.memory_space<hbm>>
        %dma_start3A_190 = tpu.memref_squeeze %dma_start3A_189 : memref<1x10000x128xf32, #tpu.memory_space<hbm>> -> memref<10000x128xf32, #tpu.memory_space<hbm>>
        %dma_start3A_191 = arith.constant 9600 : i32
        %dma_start3A_192 = arith.constant 0 : i32
        %dma_start3A_193 = tpu.memref_slice %dma_start3A_190[%dma_start3A_191, %dma_start3A_192] : memref<10000x128xf32, #tpu.memory_space<hbm>> -> memref<400x128xf32, #tpu.memory_space<hbm>>
        %dma_start3A_194 = arith.constant 9600 : i32
        %dma_start3A_195 = arith.constant 0 : i32
        %dma_start3A_196 = tpu.memref_slice %arg9[%dma_start3A_194, %dma_start3A_195] : memref<10008x128xf32, #tpu.memory_space<vmem_shared>> -> memref<400x128xf32, #tpu.memory_space<vmem_shared>>
        tpu.enqueue_dma source(%dma_start3A_196 : memref<400x128xf32, #tpu.memory_space<vmem_shared>>) target(%dma_start3A_193 : memref<400x128xf32, #tpu.memory_space<hbm>>) target_semaphore(%run_scoped3A_186 : memref<!tpu.dma_semaphore, #tpu.memory_space<semaphore_mem>>)
        %dma_wait3A_197 = arith.constant 0 : i32
        %dma_wait3A_198 = arith.constant 0 : i32
        %dma_wait3A_199 = tpu.memref_slice %arg4[%arg0, %dma_wait3A_197, %dma_wait3A_198] : memref<2x10000x128xf32, #tpu.memory_space<hbm>> -> memref<1x10000x128xf32, #tpu.memory_space<hbm>>
        %dma_wait3A_200 = tpu.memref_squeeze %dma_wait3A_199 : memref<1x10000x128xf32, #tpu.memory_space<hbm>> -> memref<10000x128xf32, #tpu.memory_space<hbm>>
        %dma_wait3A_201 = arith.constant 9600 : i32
        %dma_wait3A_202 = arith.constant 0 : i32
        %dma_wait3A_203 = tpu.memref_slice %dma_wait3A_200[%dma_wait3A_201, %dma_wait3A_202] : memref<10000x128xf32, #tpu.memory_space<hbm>> -> memref<400x128xf32, #tpu.memory_space<hbm>>
        %dma_wait3A_204 = arith.constant 9600 : i32
        %dma_wait3A_205 = arith.constant 0 : i32
        %dma_wait3A_206 = tpu.memref_slice %arg9[%dma_wait3A_204, %dma_wait3A_205] : memref<10008x128xf32, #tpu.memory_space<vmem_shared>> -> memref<400x128xf32, #tpu.memory_space<vmem_shared>>
        tpu.wait_dma2 semaphore(%run_scoped3A_186 : memref<!tpu.dma_semaphore, #tpu.memory_space<semaphore_mem>>) src(%dma_wait3A_206 : memref<400x128xf32, #tpu.memory_space<vmem_shared>>) dst(%dma_wait3A_203 : memref<400x128xf32, #tpu.memory_space<hbm>>)
        tpu.yield
      }) : () -> ()
    } else {
    }
    return
  }
}

module attributes {stable_mosaic.version = 14 : i64} {
  func.func @_tc_dinv_body(%arg0: memref<2x16x10016xf32, #tpu.memory_space<vmem>>, %arg1: memref<2x10000x1xf32, #tpu.memory_space<vmem>>) attributes {dimension_semantics = [], scalar_prefetch = 0 : i64, scratch_operands = 0 : i64, tpu.core_type = #tpu.core_type<tc>} {
    %get3A = arith.constant 0 : index
    %get3A_0 = arith.constant 0 : index
    %get3A_1 = arith.constant 0 : index
    %get3A_2 = vector.load %arg0[%get3A, %get3A_0, %get3A_1] : memref<2x16x10016xf32, #tpu.memory_space<vmem>>, vector<2x16x10016xf32>
    %reduce_sum3A = arith.constant dense<0.000000e+00> : vector<2x10016xf32>
    %reduce_sum3A_3 = vector.multi_reduction <add>, %get3A_2, %reduce_sum3A [1] : vector<2x16x10016xf32> to vector<2x10016xf32>
    %add3A = arith.constant 1.000000e+00 : f32
    %add3A_4 = vector.broadcast %add3A : f32 to vector<2x10016xf32>
    %add3A_5 = arith.addf %reduce_sum3A_3, %add3A_4 : vector<2x10016xf32>
    %rsqrt3A = math.rsqrt %add3A_5 : vector<2x10016xf32>
    %slice3A = vector.extract_strided_slice %rsqrt3A {offsets = [0, 0], sizes = [2, 10000], strides = [1, 1]} : vector<2x10016xf32> to vector<2x10000xf32>
    %broadcast_in_dim3A = vector.shape_cast %slice3A : vector<2x10000xf32> to vector<2x10000x1xf32>
    %swap3A = arith.constant 0 : index
    %swap3A_6 = arith.constant 0 : index
    %swap3A_7 = arith.constant 0 : index
    %swap3A_8 = vector.load %arg1[%swap3A, %swap3A_6, %swap3A_7] : memref<2x10000x1xf32, #tpu.memory_space<vmem>>, vector<2x10000x1xf32>
    tpu.vector_store %arg1[%swap3A, %swap3A_6, %swap3A_7], %broadcast_in_dim3A {strides = array<i32>} : memref<2x10000x1xf32, #tpu.memory_space<vmem>>, vector<2x10000x1xf32>,
    return
  }
}

module attributes {stable_mosaic.version = 14 : i64} {
  func.func @_tc_layer1_body(%arg0: i32, %arg1: memref<1000x128xf32, #tpu.memory_space<vmem>>, %arg2: memref<128x128xf32, #tpu.memory_space<vmem>>, %arg3: memref<128x128xf32, #tpu.memory_space<vmem>>, %arg4: memref<2x1000x1xf32, #tpu.memory_space<vmem>>, %arg5: memref<2x1000x128xf32, #tpu.memory_space<vmem>>) attributes {dimension_semantics = [#tpu.dimension_semantics<arbitrary>], iteration_bounds = array<i64: 10>, scalar_prefetch = 0 : i64, scratch_operands = 0 : i64, tpu.core_type = #tpu.core_type<tc>, window_params = [{transform_indices = @transform_0, window_bounds = array<i64: 1000, 128>}, {pipeline_mode = #tpu.pipeline_mode<synchronous>, transform_indices = @transform_1, window_bounds = array<i64: 128, 128>}, {pipeline_mode = #tpu.pipeline_mode<synchronous>, transform_indices = @transform_2, window_bounds = array<i64: 128, 128>}, {transform_indices = @transform_3, window_bounds = array<i64: 2, 1000, 1>}, {transform_indices = @transform_4, window_bounds = array<i64: 2, 1000, 128>}]} {
    %get3A = arith.constant 0 : index
    %get3A_0 = arith.constant 0 : index
    %get3A_1 = arith.constant 0 : index
    %get3A_2 = vector.load %arg4[%get3A, %get3A_0, %get3A_1] : memref<2x1000x1xf32, #tpu.memory_space<vmem>>, vector<2x1000x1xf32>
    %get3A_3 = arith.constant 0 : index
    %get3A_4 = arith.constant 0 : index
    %get3A_5 = vector.load %arg1[%get3A_3, %get3A_4] : memref<1000x128xf32, #tpu.memory_space<vmem>>, vector<1000x128xf32>
    %get3A_6 = arith.constant 0 : index
    %get3A_7 = arith.constant 0 : index
    %get3A_8 = vector.load %arg2[%get3A_6, %get3A_7] : memref<128x128xf32, #tpu.memory_space<vmem>>, vector<128x128xf32>
    %dot_general3A = arith.constant dense<0.000000e+00> : vector<1000x128xf32>
    %dot_general3A_9 = tpu.matmul %get3A_5, %get3A_8, %dot_general3A {dimension_numbers = #tpu.dot_dimension_numbers<[1], [0], [0], [1], [0, 0, 1, 1], [], []>, transpose_lhs_hint = false} : vector<1000x128xf32>, vector<128x128xf32>, vector<1000x128xf32> -> vector<1000x128xf32>
    %get3A_10 = arith.constant 0 : index
    %get3A_11 = arith.constant 0 : index
    %get3A_12 = vector.load %arg3[%get3A_10, %get3A_11] : memref<128x128xf32, #tpu.memory_space<vmem>>, vector<128x128xf32>
    %dot_general3A_13 = arith.constant dense<0.000000e+00> : vector<1000x128xf32>
    %dot_general3A_14 = tpu.matmul %get3A_5, %get3A_12, %dot_general3A_13 {dimension_numbers = #tpu.dot_dimension_numbers<[1], [0], [0], [1], [0, 0, 1, 1], [], []>, transpose_lhs_hint = false} : vector<1000x128xf32>, vector<128x128xf32>, vector<1000x128xf32> -> vector<1000x128xf32>
    %slice3A = vector.extract_strided_slice %get3A_2 {offsets = [0, 0, 0], sizes = [1, 1000, 1], strides = [1, 1, 1]} : vector<2x1000x1xf32> to vector<1x1000x1xf32>
    %squeeze3A = vector.shape_cast %slice3A : vector<1x1000x1xf32> to vector<1000x1xf32>
    %mul3A = vector.broadcast %squeeze3A : vector<1000x1xf32> to vector<1000x128xf32>
    %mul3A_15 = arith.mulf %dot_general3A_9, %mul3A : vector<1000x128xf32>
    %swap3A = arith.constant 0 : index
    %swap3A_16 = arith.constant 0 : index
    %swap3A_17 = arith.constant 0 : index
    %swap3A_18 = vector.load %arg5[%swap3A, %swap3A_16, %swap3A_17] : memref<2x1000x128xf32, #tpu.memory_space<vmem>>, vector<1x1000x128xf32>
    %swap3A_19 = vector.shape_cast %swap3A_18 : vector<1x1000x128xf32> to vector<1000x128xf32>
    %swap3A_20 = vector.shape_cast %mul3A_15 : vector<1000x128xf32> to vector<1x1000x128xf32>
    tpu.vector_store %arg5[%swap3A, %swap3A_16, %swap3A_17], %swap3A_20 {strides = array<i32>} : memref<2x1000x128xf32, #tpu.memory_space<vmem>>, vector<1x1000x128xf32>,
    %slice3A_21 = vector.extract_strided_slice %get3A_2 {offsets = [1, 0, 0], sizes = [1, 1000, 1], strides = [1, 1, 1]} : vector<2x1000x1xf32> to vector<1x1000x1xf32>
    %squeeze3A_22 = vector.shape_cast %slice3A_21 : vector<1x1000x1xf32> to vector<1000x1xf32>
    %mul3A_23 = vector.broadcast %squeeze3A_22 : vector<1000x1xf32> to vector<1000x128xf32>
    %mul3A_24 = arith.mulf %dot_general3A_14, %mul3A_23 : vector<1000x128xf32>
    %swap3A_25 = arith.constant 1 : index
    %swap3A_26 = arith.constant 0 : index
    %swap3A_27 = arith.constant 0 : index
    %swap3A_28 = vector.load %arg5[%swap3A_25, %swap3A_26, %swap3A_27] : memref<2x1000x128xf32, #tpu.memory_space<vmem>>, vector<1x1000x128xf32>
    %swap3A_29 = vector.shape_cast %swap3A_28 : vector<1x1000x128xf32> to vector<1000x128xf32>
    %swap3A_30 = vector.shape_cast %mul3A_24 : vector<1000x128xf32> to vector<1x1000x128xf32>
    tpu.vector_store %arg5[%swap3A_25, %swap3A_26, %swap3A_27], %swap3A_30 {strides = array<i32>} : memref<2x1000x128xf32, #tpu.memory_space<vmem>>, vector<1x1000x128xf32>,
    return
  }
  func.func @transform_0(%arg0: i32) -> (i32, i32) {
    %c0_i32 = arith.constant 0 : i32
    %c0_i32_0 = arith.constant 0 : i32
    return %arg0, %c0_i32 : i32, i32
  }
  func.func @transform_1(%arg0: i32) -> (i32, i32) {
    %c0_i32 = arith.constant 0 : i32
    %c0_i32_0 = arith.constant 0 : i32
    %c0_i32_1 = arith.constant 0 : i32
    return %c0_i32, %c0_i32_0 : i32, i32
  }
  func.func @transform_2(%arg0: i32) -> (i32, i32) {
    %c0_i32 = arith.constant 0 : i32
    %c0_i32_0 = arith.constant 0 : i32
    %c0_i32_1 = arith.constant 0 : i32
    return %c0_i32, %c0_i32_0 : i32, i32
  }
  func.func @transform_3(%arg0: i32) -> (i32, i32, i32) {
    %c0_i32 = arith.constant 0 : i32
    %c0_i32_0 = arith.constant 0 : i32
    %c0_i32_1 = arith.constant 0 : i32
    return %c0_i32, %arg0, %c0_i32_0 : i32, i32, i32
  }
  func.func @transform_4(%arg0: i32) -> (i32, i32, i32) {
    %c0_i32 = arith.constant 0 : i32
    %c0_i32_0 = arith.constant 0 : i32
    %c0_i32_1 = arith.constant 0 : i32
    return %c0_i32, %arg0, %c0_i32_0 : i32, i32, i32
  }
}

module attributes {stable_mosaic.version = 14 : i64} {
  func.func @_tc_layer2_body(%arg0: i32, %arg1: memref<2x1000x128xf32, #tpu.memory_space<vmem>>, %arg2: memref<2x1000x1xf32, #tpu.memory_space<vmem>>, %arg3: memref<2x1x128xf32, #tpu.memory_space<vmem>>, %arg4: memref<128x128xf32, #tpu.memory_space<vmem>>, %arg5: memref<128x128xf32, #tpu.memory_space<vmem>>, %arg6: memref<2x1000x128xf32, #tpu.memory_space<vmem>>) attributes {dimension_semantics = [#tpu.dimension_semantics<arbitrary>], iteration_bounds = array<i64: 10>, scalar_prefetch = 0 : i64, scratch_operands = 0 : i64, tpu.core_type = #tpu.core_type<tc>, window_params = [{transform_indices = @transform_0, window_bounds = array<i64: 2, 1000, 128>}, {transform_indices = @transform_1, window_bounds = array<i64: 2, 1000, 1>}, {pipeline_mode = #tpu.pipeline_mode<synchronous>, transform_indices = @transform_2, window_bounds = array<i64: 2, 1, 128>}, {pipeline_mode = #tpu.pipeline_mode<synchronous>, transform_indices = @transform_3, window_bounds = array<i64: 128, 128>}, {pipeline_mode = #tpu.pipeline_mode<synchronous>, transform_indices = @transform_4, window_bounds = array<i64: 128, 128>}, {transform_indices = @transform_5, window_bounds = array<i64: 2, 1000, 128>}]} {
    %get3A = arith.constant 0 : index
    %get3A_0 = arith.constant 0 : index
    %get3A_1 = arith.constant 0 : index
    %get3A_2 = vector.load %arg2[%get3A, %get3A_0, %get3A_1] : memref<2x1000x1xf32, #tpu.memory_space<vmem>>, vector<2x1000x1xf32>
    %get3A_3 = arith.constant 0 : index
    %get3A_4 = arith.constant 0 : index
    %get3A_5 = arith.constant 0 : index
    %get3A_6 = vector.load %arg1[%get3A_3, %get3A_4, %get3A_5] : memref<2x1000x128xf32, #tpu.memory_space<vmem>>, vector<1x1000x128xf32>
    %get3A_7 = vector.shape_cast %get3A_6 : vector<1x1000x128xf32> to vector<1000x128xf32>
    %slice3A = vector.extract_strided_slice %get3A_2 {offsets = [0, 0, 0], sizes = [1, 1000, 1], strides = [1, 1, 1]} : vector<2x1000x1xf32> to vector<1x1000x1xf32>
    %squeeze3A = vector.shape_cast %slice3A : vector<1x1000x1xf32> to vector<1000x1xf32>
    %mul3A = vector.broadcast %squeeze3A : vector<1000x1xf32> to vector<1000x128xf32>
    %mul3A_8 = arith.mulf %get3A_7, %mul3A : vector<1000x128xf32>
    %get3A_9 = arith.constant 0 : index
    %get3A_10 = arith.constant 0 : index
    %get3A_11 = arith.constant 0 : index
    %get3A_12 = vector.load %arg3[%get3A_9, %get3A_10, %get3A_11] : memref<2x1x128xf32, #tpu.memory_space<vmem>>, vector<1x1x128xf32>
    %get3A_13 = vector.shape_cast %get3A_12 : vector<1x1x128xf32> to vector<1x128xf32>
    %add3A = vector.broadcast %get3A_13 : vector<1x128xf32> to vector<1000x128xf32>
    %add3A_14 = arith.addf %mul3A_8, %add3A : vector<1000x128xf32>
    %get3A_15 = arith.constant 1 : index
    %get3A_16 = arith.constant 0 : index
    %get3A_17 = arith.constant 0 : index
    %get3A_18 = vector.load %arg1[%get3A_15, %get3A_16, %get3A_17] : memref<2x1000x128xf32, #tpu.memory_space<vmem>>, vector<1x1000x128xf32>
    %get3A_19 = vector.shape_cast %get3A_18 : vector<1x1000x128xf32> to vector<1000x128xf32>
    %slice3A_20 = vector.extract_strided_slice %get3A_2 {offsets = [1, 0, 0], sizes = [1, 1000, 1], strides = [1, 1, 1]} : vector<2x1000x1xf32> to vector<1x1000x1xf32>
    %squeeze3A_21 = vector.shape_cast %slice3A_20 : vector<1x1000x1xf32> to vector<1000x1xf32>
    %mul3A_22 = vector.broadcast %squeeze3A_21 : vector<1000x1xf32> to vector<1000x128xf32>
    %mul3A_23 = arith.mulf %get3A_19, %mul3A_22 : vector<1000x128xf32>
    %add3A_24 = arith.addf %add3A_14, %mul3A_23 : vector<1000x128xf32>
    %get3A_25 = arith.constant 1 : index
    %get3A_26 = arith.constant 0 : index
    %get3A_27 = arith.constant 0 : index
    %get3A_28 = vector.load %arg3[%get3A_25, %get3A_26, %get3A_27] : memref<2x1x128xf32, #tpu.memory_space<vmem>>, vector<1x1x128xf32>
    %get3A_29 = vector.shape_cast %get3A_28 : vector<1x1x128xf32> to vector<1x128xf32>
    %add3A_30 = vector.broadcast %get3A_29 : vector<1x128xf32> to vector<1000x128xf32>
    %add3A_31 = arith.addf %add3A_24, %add3A_30 : vector<1000x128xf32>
    %max3A = arith.constant 0.000000e+00 : f32
    %max3A_32 = vector.broadcast %max3A : f32 to vector<1000x128xf32>
    %max3A_33 = arith.maximumf %add3A_31, %max3A_32 : vector<1000x128xf32>
    %get3A_34 = arith.constant 0 : index
    %get3A_35 = arith.constant 0 : index
    %get3A_36 = vector.load %arg4[%get3A_34, %get3A_35] : memref<128x128xf32, #tpu.memory_space<vmem>>, vector<128x128xf32>
    %dot_general3A = arith.constant dense<0.000000e+00> : vector<1000x128xf32>
    %dot_general3A_37 = tpu.matmul %max3A_33, %get3A_36, %dot_general3A {dimension_numbers = #tpu.dot_dimension_numbers<[1], [0], [0], [1], [0, 0, 1, 1], [], []>, transpose_lhs_hint = false} : vector<1000x128xf32>, vector<128x128xf32>, vector<1000x128xf32> -> vector<1000x128xf32>
    %get3A_38 = arith.constant 0 : index
    %get3A_39 = arith.constant 0 : index
    %get3A_40 = vector.load %arg5[%get3A_38, %get3A_39] : memref<128x128xf32, #tpu.memory_space<vmem>>, vector<128x128xf32>
    %dot_general3A_41 = arith.constant dense<0.000000e+00> : vector<1000x128xf32>
    %dot_general3A_42 = tpu.matmul %max3A_33, %get3A_40, %dot_general3A_41 {dimension_numbers = #tpu.dot_dimension_numbers<[1], [0], [0], [1], [0, 0, 1, 1], [], []>, transpose_lhs_hint = false} : vector<1000x128xf32>, vector<128x128xf32>, vector<1000x128xf32> -> vector<1000x128xf32>
    %slice3A_43 = vector.extract_strided_slice %get3A_2 {offsets = [0, 0, 0], sizes = [1, 1000, 1], strides = [1, 1, 1]} : vector<2x1000x1xf32> to vector<1x1000x1xf32>
    %squeeze3A_44 = vector.shape_cast %slice3A_43 : vector<1x1000x1xf32> to vector<1000x1xf32>
    %mul3A_45 = vector.broadcast %squeeze3A_44 : vector<1000x1xf32> to vector<1000x128xf32>
    %mul3A_46 = arith.mulf %dot_general3A_37, %mul3A_45 : vector<1000x128xf32>
    %swap3A = arith.constant 0 : index
    %swap3A_47 = arith.constant 0 : index
    %swap3A_48 = arith.constant 0 : index
    %swap3A_49 = vector.load %arg6[%swap3A, %swap3A_47, %swap3A_48] : memref<2x1000x128xf32, #tpu.memory_space<vmem>>, vector<1x1000x128xf32>
    %swap3A_50 = vector.shape_cast %swap3A_49 : vector<1x1000x128xf32> to vector<1000x128xf32>
    %swap3A_51 = vector.shape_cast %mul3A_46 : vector<1000x128xf32> to vector<1x1000x128xf32>
    tpu.vector_store %arg6[%swap3A, %swap3A_47, %swap3A_48], %swap3A_51 {strides = array<i32>} : memref<2x1000x128xf32, #tpu.memory_space<vmem>>, vector<1x1000x128xf32>,
    %slice3A_52 = vector.extract_strided_slice %get3A_2 {offsets = [1, 0, 0], sizes = [1, 1000, 1], strides = [1, 1, 1]} : vector<2x1000x1xf32> to vector<1x1000x1xf32>
    %squeeze3A_53 = vector.shape_cast %slice3A_52 : vector<1x1000x1xf32> to vector<1000x1xf32>
    %mul3A_54 = vector.broadcast %squeeze3A_53 : vector<1000x1xf32> to vector<1000x128xf32>
    %mul3A_55 = arith.mulf %dot_general3A_42, %mul3A_54 : vector<1000x128xf32>
    %swap3A_56 = arith.constant 1 : index
    %swap3A_57 = arith.constant 0 : index
    %swap3A_58 = arith.constant 0 : index
    %swap3A_59 = vector.load %arg6[%swap3A_56, %swap3A_57, %swap3A_58] : memref<2x1000x128xf32, #tpu.memory_space<vmem>>, vector<1x1000x128xf32>
    %swap3A_60 = vector.shape_cast %swap3A_59 : vector<1x1000x128xf32> to vector<1000x128xf32>
    %swap3A_61 = vector.shape_cast %mul3A_55 : vector<1000x128xf32> to vector<1x1000x128xf32>
    tpu.vector_store %arg6[%swap3A_56, %swap3A_57, %swap3A_58], %swap3A_61 {strides = array<i32>} : memref<2x1000x128xf32, #tpu.memory_space<vmem>>, vector<1x1000x128xf32>,
    return
  }
  func.func @transform_0(%arg0: i32) -> (i32, i32, i32) {
    %c0_i32 = arith.constant 0 : i32
    %c0_i32_0 = arith.constant 0 : i32
    %c0_i32_1 = arith.constant 0 : i32
    return %c0_i32, %arg0, %c0_i32_0 : i32, i32, i32
  }
  func.func @transform_1(%arg0: i32) -> (i32, i32, i32) {
    %c0_i32 = arith.constant 0 : i32
    %c0_i32_0 = arith.constant 0 : i32
    %c0_i32_1 = arith.constant 0 : i32
    return %c0_i32, %arg0, %c0_i32_0 : i32, i32, i32
  }
  func.func @transform_2(%arg0: i32) -> (i32, i32, i32) {
    %c0_i32 = arith.constant 0 : i32
    %c0_i32_0 = arith.constant 0 : i32
    %c0_i32_1 = arith.constant 0 : i32
    %c0_i32_2 = arith.constant 0 : i32
    return %c0_i32, %c0_i32_0, %c0_i32_1 : i32, i32, i32
  }
  func.func @transform_3(%arg0: i32) -> (i32, i32) {
    %c0_i32 = arith.constant 0 : i32
    %c0_i32_0 = arith.constant 0 : i32
    %c0_i32_1 = arith.constant 0 : i32
    return %c0_i32, %c0_i32_0 : i32, i32
  }
  func.func @transform_4(%arg0: i32) -> (i32, i32) {
    %c0_i32 = arith.constant 0 : i32
    %c0_i32_0 = arith.constant 0 : i32
    %c0_i32_1 = arith.constant 0 : i32
    return %c0_i32, %c0_i32_0 : i32, i32
  }
  func.func @transform_5(%arg0: i32) -> (i32, i32, i32) {
    %c0_i32 = arith.constant 0 : i32
    %c0_i32_0 = arith.constant 0 : i32
    %c0_i32_1 = arith.constant 0 : i32
    return %c0_i32, %arg0, %c0_i32_0 : i32, i32, i32
  }
}

module attributes {stable_mosaic.version = 14 : i64} {
  func.func @_tc_final_body(%arg0: i32, %arg1: memref<2x1000x128xf32, #tpu.memory_space<vmem>>, %arg2: memref<2x1000x1xf32, #tpu.memory_space<vmem>>, %arg3: memref<2x1x128xf32, #tpu.memory_space<vmem>>, %arg4: memref<1000x128xf32, #tpu.memory_space<vmem>>) attributes {dimension_semantics = [#tpu.dimension_semantics<arbitrary>], iteration_bounds = array<i64: 10>, scalar_prefetch = 0 : i64, scratch_operands = 0 : i64, tpu.core_type = #tpu.core_type<tc>, window_params = [{transform_indices = @transform_0, window_bounds = array<i64: 2, 1000, 128>}, {transform_indices = @transform_1, window_bounds = array<i64: 2, 1000, 1>}, {pipeline_mode = #tpu.pipeline_mode<synchronous>, transform_indices = @transform_2, window_bounds = array<i64: 2, 1, 128>}, {transform_indices = @transform_3, window_bounds = array<i64: 1000, 128>}]} {
    %get3A = arith.constant 0 : index
    %get3A_0 = arith.constant 0 : index
    %get3A_1 = arith.constant 0 : index
    %get3A_2 = vector.load %arg2[%get3A, %get3A_0, %get3A_1] : memref<2x1000x1xf32, #tpu.memory_space<vmem>>, vector<2x1000x1xf32>
    %get3A_3 = arith.constant 0 : index
    %get3A_4 = arith.constant 0 : index
    %get3A_5 = arith.constant 0 : index
    %get3A_6 = vector.load %arg1[%get3A_3, %get3A_4, %get3A_5] : memref<2x1000x128xf32, #tpu.memory_space<vmem>>, vector<1x1000x128xf32>
    %get3A_7 = vector.shape_cast %get3A_6 : vector<1x1000x128xf32> to vector<1000x128xf32>
    %slice3A = vector.extract_strided_slice %get3A_2 {offsets = [0, 0, 0], sizes = [1, 1000, 1], strides = [1, 1, 1]} : vector<2x1000x1xf32> to vector<1x1000x1xf32>
    %squeeze3A = vector.shape_cast %slice3A : vector<1x1000x1xf32> to vector<1000x1xf32>
    %mul3A = vector.broadcast %squeeze3A : vector<1000x1xf32> to vector<1000x128xf32>
    %mul3A_8 = arith.mulf %get3A_7, %mul3A : vector<1000x128xf32>
    %get3A_9 = arith.constant 0 : index
    %get3A_10 = arith.constant 0 : index
    %get3A_11 = arith.constant 0 : index
    %get3A_12 = vector.load %arg3[%get3A_9, %get3A_10, %get3A_11] : memref<2x1x128xf32, #tpu.memory_space<vmem>>, vector<1x1x128xf32>
    %get3A_13 = vector.shape_cast %get3A_12 : vector<1x1x128xf32> to vector<1x128xf32>
    %add3A = vector.broadcast %get3A_13 : vector<1x128xf32> to vector<1000x128xf32>
    %add3A_14 = arith.addf %mul3A_8, %add3A : vector<1000x128xf32>
    %get3A_15 = arith.constant 1 : index
    %get3A_16 = arith.constant 0 : index
    %get3A_17 = arith.constant 0 : index
    %get3A_18 = vector.load %arg1[%get3A_15, %get3A_16, %get3A_17] : memref<2x1000x128xf32, #tpu.memory_space<vmem>>, vector<1x1000x128xf32>
    %get3A_19 = vector.shape_cast %get3A_18 : vector<1x1000x128xf32> to vector<1000x128xf32>
    %slice3A_20 = vector.extract_strided_slice %get3A_2 {offsets = [1, 0, 0], sizes = [1, 1000, 1], strides = [1, 1, 1]} : vector<2x1000x1xf32> to vector<1x1000x1xf32>
    %squeeze3A_21 = vector.shape_cast %slice3A_20 : vector<1x1000x1xf32> to vector<1000x1xf32>
    %mul3A_22 = vector.broadcast %squeeze3A_21 : vector<1000x1xf32> to vector<1000x128xf32>
    %mul3A_23 = arith.mulf %get3A_19, %mul3A_22 : vector<1000x128xf32>
    %add3A_24 = arith.addf %add3A_14, %mul3A_23 : vector<1000x128xf32>
    %get3A_25 = arith.constant 1 : index
    %get3A_26 = arith.constant 0 : index
    %get3A_27 = arith.constant 0 : index
    %get3A_28 = vector.load %arg3[%get3A_25, %get3A_26, %get3A_27] : memref<2x1x128xf32, #tpu.memory_space<vmem>>, vector<1x1x128xf32>
    %get3A_29 = vector.shape_cast %get3A_28 : vector<1x1x128xf32> to vector<1x128xf32>
    %add3A_30 = vector.broadcast %get3A_29 : vector<1x128xf32> to vector<1000x128xf32>
    %add3A_31 = arith.addf %add3A_24, %add3A_30 : vector<1000x128xf32>
    %swap3A = arith.constant 0 : index
    %swap3A_32 = arith.constant 0 : index
    %swap3A_33 = vector.load %arg4[%swap3A, %swap3A_32] : memref<1000x128xf32, #tpu.memory_space<vmem>>, vector<1000x128xf32>
    tpu.vector_store %arg4[%swap3A, %swap3A_32], %add3A_31 {strides = array<i32>} : memref<1000x128xf32, #tpu.memory_space<vmem>>, vector<1000x128xf32>,
    return
  }
  func.func @transform_0(%arg0: i32) -> (i32, i32, i32) {
    %c0_i32 = arith.constant 0 : i32
    %c0_i32_0 = arith.constant 0 : i32
    %c0_i32_1 = arith.constant 0 : i32
    return %c0_i32, %arg0, %c0_i32_0 : i32, i32, i32
  }
  func.func @transform_1(%arg0: i32) -> (i32, i32, i32) {
    %c0_i32 = arith.constant 0 : i32
    %c0_i32_0 = arith.constant 0 : i32
    %c0_i32_1 = arith.constant 0 : i32
    return %c0_i32, %arg0, %c0_i32_0 : i32, i32, i32
  }
  func.func @transform_2(%arg0: i32) -> (i32, i32, i32) {
    %c0_i32 = arith.constant 0 : i32
    %c0_i32_0 = arith.constant 0 : i32
    %c0_i32_1 = arith.constant 0 : i32
    %c0_i32_2 = arith.constant 0 : i32
    return %c0_i32, %c0_i32_0, %c0_i32_1 : i32, i32, i32
  }
  func.func @transform_3(%arg0: i32) -> (i32, i32) {
    %c0_i32 = arith.constant 0 : i32
    %c0_i32_0 = arith.constant 0 : i32
    return %arg0, %c0_i32 : i32, i32
  }
}

</mosaic_0001>

<sc_bundles>
// kernel: kernel.12.cloned.1.call-start
scs
__scs_entry_jumppad:
0x0: {  	(pc) =	sbr.rel $0x88, $3  }
0x1: {  	(tag) =	ssettag $0x0;
	lr =	simm.s32 $0x1  }
0x2: {  	[smem:$0x3F96] =	sst lr;
	_ =	strace $0xD0000000  }
0x3: {  	_ = 	snop  }
0x4: {  	_ = 	snop  }
0x5: {  	_ = 	snop  }
0x6: {  	_ = 	snop  }
0x7: {  	_ = 	snop  }
__scs_overlays_trampoline_lowered:
0x8: {  	[smem:$0x3FA5] =	sst s0  }
0x9: {  	[smem:$0x3FA6] =	sst s1  }
0xa: {  	[smem:$0x3FA7] =	sst s2  }
0xb: {  	[smem:$0x3FA8] =	sst s3  }
0xc: {  	[smem:$0x3FA9] =	sst s4  }
0xd: {  	[smem:$0x3FAA] =	sst s5  }
0xe: {  	[smem:$0x3FAB] =	sst s6  }
0xf: {  	[smem:$0x3FAC] =	sst s7  }
0x10: {  	[smem:$0x3FAD] =	sst s8  }
0x11: {  	[smem:$0x3FAE] =	sst s9;
	s0 =	simm.s32 @!p0 $0x0  }
0x12: {  	s1 =	sld [smem:$0x3F94];
	s0 =	simm.s32 @p0 $0x1  }
0x13: {  	[smem:$0x3FAF] =	sst s0;
	s0 =	simm.s32 @!p1 $0x0  }
0x14: {  	s2 =	sld [smem:$0x3F93];
	s0 =	simm.s32 @p1 $0x1  }
0x15: {  	[smem:$0x3FB0] =	sst s0;
	s0 =	simm.s32 @!p2 $0x0  }
0x16: {  	s3 =	sld [smem:$0x3FDB];
	s0 =	simm.s32 @p2 $0x1  }
0x17: {  	s4 =	simm.s32 $0x1BF5;
	[smem:$0x3FB2] =	sst s0  }
0x18: {  	s0 =	sld [smem:$0x3F95];
	_ =	swait.ge [sflag:s4], $0x0  }
0x19: {  	s7 =	sld [smem:$0x3F96]  }
0x1a: {  	s8 =	sadd.s32 $0xFFFFE003, lr  }
0x1b: {  	s9 =	sadd.s32 $0xFFFFFEF7, lr;
	s5 =	simm.s32 $0xFFFFFFFF;
	p2 =	slt.u32 s8, $0xFFFFF086  }
0x1c: {  	p1 =	slt.u32 s9, $0xF7A;
	s5 =	simm.s32 @!p2 $0x0  }
0x1d: {  	s5 =	simm.s32 @p1 $0x1;
	p0 =	seq.s32 s7, s2  }
0x1e: {  	s7 =	smul.u32 @!p0 $0xF7A, s2;
	p2 =	seq.s32 @!p0 s5, $0x0  }
0x1f: {  	s9 =	smul.u32 $0xF7A, s1;
	s8 =	simm.s32 @!p0 $0x1BF5;
	p2 =	por !p2, p0  }
0x20: {  	[sflag:s8] =	ssyncset.s32 @!p0 $0xFFFFF086;
	s6 =	sadd.s32 @!p0 s3, s7;
	s7 =	simm.s32 @!p0 $0x108  }
0x21: {  	s3 =	sadd.s32 s3, s9;
	s6 =	sadd.s32 @!p0 $0x88, s6;
	s7 =	simm.s32 @p2 $0x1082  }
0x22: {  	[simem:s7], [sflag:s8] =	dma.local @!p0 [hbm:s6], $0xF7A  }
0x23: {  	s9 =	sor.u32 $0xD0000000, s2;
	s6 =	simm.s32 $0x108;
	_ =	swait.ge @!p0 [sflag:s8], $0x0  }
0x24: {  	s3 =	sadd.s32 $0x88, s3;
	s6 =	simm.s32 @!p1 $0x1082;
	[sflag:s4] =	ssyncset.s32 $0xFFFFF086  }
0x25: {  	[simem:s6], [sflag:s4] =	dma.local [hbm:s3], $0xF7A  }
0x26: {  	[smem:$0x3F96] =	sst s1;
	(tag) =	ssettag s2;
	_ =	strace s9  }
0x27: {  	s1 =	sld [smem:$0x3FA6]  }
0x28: {  	s2 =	sld [smem:$0x3FA7]  }
0x29: {  	s4 =	sld [smem:$0x3FA9]  }
0x2a: {  	p0 =	seq.s32 s5, $0x0;
	s5 =	sld [smem:$0x3FAA]  }
0x2b: {  	s6 =	sld [smem:$0x3FAB]  }
0x2c: {  	s7 =	sld [smem:$0x3FAC]  }
0x2d: {  	s3 =	simm.s32 $0x108;
	s8 =	sld [smem:$0x3FAD]  }
0x2e: {  	s3 =	simm.s32 @!p0 $0x1082;
	s9 =	sld [smem:$0x3FAE]  }
0x2f: {  	lr =	sadd.s32 s0, s3;
	s0 =	sld [smem:$0x3FA5]  }
0x30: {  	s3 =	sld [smem:$0x3FA8]  }
0x31: {  	[smem:$0x3FB1] =	sst s10  }
0x32: {  	s10 =	sld [smem:$0x3FAF];
	_ =	sdelay $0x3  }
0x33: {  	p0 =	seq.s32 s10, $0x1;
	s10 =	sld [smem:$0x3FB1];
	_ =	sdelay $0x3  }
0x34: {  	[smem:$0x3FB1] =	sst s10  }
0x35: {  	s10 =	sld [smem:$0x3FB0];
	_ =	sdelay $0x3  }
0x36: {  	p1 =	seq.s32 s10, $0x1;
	s10 =	sld [smem:$0x3FB1];
	_ =	sdelay $0x3  }
0x37: {  	[smem:$0x3FB1] =	sst s10  }
0x38: {  	s10 =	sld [smem:$0x3FB2]  }
0x39: {  	_ = 	snop;
	(pc) =	sbr.ind lr, $3  }
0x3a: {  	_ = 	snop  }
0x3b: {  	_ = 	snop  }
0x3c: {  	p2 =	seq.s32 s10, $0x1;
	s10 =	sld [smem:$0x3FB1]  }
0x3d: {  	_ =	shalt  }
0x3e: {  	_ =	shalt  }
0x3f: {  	_ =	shalt  }
0x40: {  	_ =	shalt  }
0x41: {  	_ =	shalt  }
0x42: {  	_ =	shalt  }
0x43: {  	_ =	shalt  }
0x44: {  	_ =	shalt  }
0x45: {  	_ =	shalt  }
0x46: {  	_ =	shalt  }
0x47: {  	_ =	shalt  }
0x48: {  	_ =	shalt  }
0x49: {  	_ =	shalt  }
0x4a: {  	_ =	shalt  }
0x4b: {  	_ =	shalt  }
0x4c: {  	_ =	shalt  }
0x4d: {  	_ =	shalt  }
0x4e: {  	_ =	shalt  }
0x4f: {  	_ =	shalt  }
0x50: {  	_ =	shalt  }
0x51: {  	_ =	shalt  }
0x52: {  	_ =	shalt  }
0x53: {  	_ =	shalt  }
0x54: {  	_ =	shalt  }
0x55: {  	_ =	shalt  }
0x56: {  	_ =	shalt  }
0x57: {  	_ =	shalt  }
0x58: {  	_ =	shalt  }
0x59: {  	_ =	shalt  }
0x5a: {  	_ =	shalt  }
0x5b: {  	_ =	shalt  }
0x5c: {  	_ =	shalt  }
0x5d: {  	_ =	shalt  }
0x5e: {  	_ =	shalt  }
0x5f: {  	_ =	shalt  }
0x60: {  	_ =	shalt  }
0x61: {  	_ =	shalt  }
0x62: {  	_ =	shalt  }
0x63: {  	_ =	shalt  }
0x64: {  	_ =	shalt  }
0x65: {  	_ =	shalt  }
0x66: {  	_ =	shalt  }
0x67: {  	_ =	shalt  }
0x68: {  	_ =	shalt  }
0x69: {  	_ =	shalt  }
0x6a: {  	_ =	shalt  }
0x6b: {  	_ =	shalt  }
0x6c: {  	_ =	shalt  }
0x6d: {  	_ =	shalt  }
0x6e: {  	_ =	shalt  }
0x6f: {  	_ =	shalt  }
0x70: {  	_ =	shalt  }
0x71: {  	_ =	shalt  }
0x72: {  	_ =	shalt  }
0x73: {  	_ =	shalt  }
0x74: {  	_ =	shalt  }
0x75: {  	_ =	shalt  }
0x76: {  	_ =	shalt  }
0x77: {  	_ =	shalt  }
0x78: {  	_ =	shalt  }
0x79: {  	_ =	shalt  }
0x7a: {  	_ =	shalt  }
0x7b: {  	_ =	shalt  }
0x7c: {  	_ =	shalt  }
0x7d: {  	_ =	shalt  }
0x7e: {  	_ =	shalt  }
0x7f: {  	_ =	shalt  }
0x80: {  	_ =	shalt  }
0x81: {  	_ =	shalt  }
0x82: {  	_ =	shalt  }
0x83: {  	_ =	shalt  }
0x84: {  	_ =	shalt  }
0x85: {  	_ =	shalt  }
0x86: {  	_ =	shalt  }
0x87: {  	_ =	shalt  }
.Lfunc_end0:
.L_simem_size_0:
called_computation.1_lowered:
.L_overlay_start_0:
0x88: {  	s2 =	sld [smem:$0x3FD9]  }
0x89: {  	s3 =	sld [smem:$0x3FFE];
	_ =	sdelay $0x1  }
0x8a: {  	s1 =	srdreg.scid  }
0x8b: {  	s0 =	sand.u32 $0x1, s1  }
0x8c: {  	s16 =	sshll.u32 s0, $0xA;
	s2 =	sadd.s32 s3, s2  }
0x8d: {  	s2 =	sadd.s32 s2, s16  }
0x8e: {  	[smem:$0x3FBD] =	sst s2  }
0x8f: {  	_ = 	snop  }
0x90: {  	(tm) =	ssettm $0x1  }
0x91: {  	s17 =	sld [smem:$0x3FFB];
	_ =	sdelay $0x3  }
0x92: {  	_ =	strace s17  }
0x93: {  	s2 =	sld [smem:$0x3FFC];
	_ =	sdelay $0x3  }
0x94: {  	_ =	strace s2  }
0x95: {  	s2 =	sld [smem:$0x3FFD];
	_ =	sdelay $0x3  }
0x96: {  	_ =	strace s2  }
0x97: {  	_ =	strace $0x8FFFFFFF  }
0x98: {  	s18 =	sld [smem:$0x3FDB];
	_ =	sdelay $0x1  }
0x99: {  	s19 =	simm.s32 $_scs_section_size  }
0x9a: {  	s4 =	simm.s32 $_size__tile_overlayer_lowered;
	s5 =	simm.s32 $_tile_overlayer_lowered  }
0x9b: {  	s22 =	simm.s32 $0x1BFF;
	s21 =	sshll.u32 s5, $0x1;
	s2 =	sadd.s32 s19, s18  }
0x9c: {  	s6 =	simm.s32 $0x0;
	s20 =	sshll.u32 s4, $0x1;
	s4 =	sadd.s32 s21, s2  }
0x9d: {  	[timem:s6], [sflag:s22] =	dma.local [hbm:s4], s20  }
0x9e: {  	_ =	swait.ge [sflag:s22], s20  }
0x9f: {  	s3 =	ssub.s32 $0x0, s20;
	[sflag:s22] =	ssyncset.done $0x0  }
0xa0: {  	[sflag:s22] =	ssyncadd.s32 s3;
	_ =	sdelay $0x1  }
0xa1: {  	s23 =	simm.s32 $0x1B8B  }
0xa2: {  	_ =	swait.ge [sflag:s23], $0x1  }
0xa3: {  	[sflag:s23] =	ssyncset.done $0x0  }
0xa4: {  	s25 =	simm.s32 $0x1B8E;
	s24 =	sld [smem:$0x3FFE];
	[sflag:s23] =	ssyncadd.s32 $0xFFFFFFFF  }
0xa5: {  	s26 =	simm.s32 $execute0_lowered;
	[smem:$0x3FD2] =	sst s25  }
0xa6: {  	s4 =	sshll.u32 s26, $0x1;
	_ =	strace $0x80000049;
	[dreg:$0x1] =	wrdreg $0xFFFFFFFF  }
0xa7: {  	s28 =	simm.s32 $_size_execute0_lowered;
	s2 =	sadd.s32 s2, s4;
	[dreg:$0x0] =	wrdreg $0x0  }
0xa8: {  	s4 =	sshll.u32 s28, $0x1;
	[dreg:$0x2] =	wrdreg s2  }
0xa9: {  	[dreg:$0x3] =	wrdreg s4  }
0xaa: {  	[dreg:$0x4] =	wrdreg $0xC0  }
0xab: {  	_ =	task [dreg:s6], $0x5FFFF  }
0xac: {  	[dreg:$0x1] =	wrdreg $0xFFFFFFFF  }
0xad: {  	[dreg:$0x0] =	wrdreg $0x60  }
0xae: {  	[dreg:$0x2] =	wrdreg s24  }
0xaf: {  	[dreg:$0x3] =	wrdreg $0x84000  }
0xb0: {  	[dreg:$0x4] =	wrdreg $0x9  }
0xb1: {  	_ =	task.clear_ibuf [dreg:s6], $0x5FFFF;
	_ =	strace $0x90000049  }
0xb2: {  	s29 =	simm.s32 $0x9;
	_ =	strace $0x8000004B  }
0xb3: {  	_ =	swait.ge [sflag:s29], $0x1  }
0xb4: {  	[sflag:s29] =	ssyncadd.s32 $0xFFFFFFFF  }
0xb5: {  	_ =	strace $0x9000004B  }
0xb6: {  	_ =	sfence  }
0xb7: {  	s30 =	sld [smem:$0x0];
	_ =	sdelay $0x2  }
0xb8: {  	s31 =	sshll.u32 s1, $0xD;
	s1 =	sshrl.u32 s1, $0x2  }
0xb9: {  	s3 =	sand.u32 $0x4000, s31;
	s1 =	sadd.s32 s1, s30  }
0xba: {  	s0 =	sor.u32 s3, s0;
	s1 =	sshll.u32 s1, $0x11  }
0xbb: {  	s0 =	sor.u32 s1, s0  }
0xbc: {  	s0 =	sadd.s32 $0x8F2B, s0  }
0xbd: {  	[sflag:s0] =	ssyncadd.remote.s32 $0x1  }
0xbe: {  	_ =	sfence.sel $0xFFFF  }
0xbf: {  	[dreg:$0x0] =	wrdreg $0xFFFFFFFF;
	(pc) =	sbr.abs _section_cstart, $3  }
0xc0: {  	[dreg:$0x1] =	wrdreg $0xFFFFFFFF  }
0xc1: {  	_ =	task.clear_ibuf [dreg:s6], $0x2FFFF;
	_ =	strace $0x9FFFFFFF  }
0xc2: {  	(tm) =	ssettm $0x7FFFFFFF  }
0xc3: {  	_ =	shalt  }
tec
execute0_lowered:
.L_overlay_start_1:
0x0: {  	(tag) =	ssettag $0x1  }
0x1: {  	s0 =	srdreg.scid;
	s1 =	rddreg [dreg:$0x0]  }
0x2: {  	s2 =	rddreg [dreg:$0x1];
	s3 =	simm.s32 $0x0;
	s14 =	simm.s32 $0x5  }
0x3: {  	s16 =	simm.s32 $0x200;
	s17 =	simm.s32 $0x80;
	s18 =	simm.s32 $0x400  }
0x4: {  	s19 =	simm.s32 $0x3;
	s20 =	simm.s32 $0x100;
	s21 =	simm.s32 $0x4400  }
0x5: {  	s22 =	simm.s32 $0x2;
	s23 =	simm.s32 $0x4;
	s4 =	sand.u32 $0x1, s0  }
0x6: {  	s24 =	simm.s32 $0x180;
	s0 =	stileid.u32;
	s5 =	smul.u32 $0x9D000, s4  }
0x7: {  	s28 =	simm.s32 $0x1;
	s29 =	simm.s32 $0x380;
	s6 =	smul.u32 $0x9D00, s0  }
0x8: {  	s30 =	simm.s32 $0x0;
	[smem:$0x7FF] =	sst s3;
	s25 =	smul.u32 $0x27100, s4  }
0x9: {  	s11 =	sadd.s32 $0x12C000, s2;
	s4 =	ssub.s32 $0x2, s4;
	s7 =	smul.u32 $0x50000, s0  }
0xa: {  	_ =	strace $0x8000004A;
	p0 =	seq.s32 s0, $0xF;
	s26 =	sshrl.u32 s4, $0x1  }
0xb: {  	s11 =	sshrl.u32 @p0 s11, $0x3;
	s5 =	sadd.s32 s6, s5;
	s9 =	ssub.s32 s4, s26  }
0xc: {  	s31 =	sshrl.u32 s7, $0x2;
	s26 =	simm.s32 $0x280;
	s5 =	sshrl.u32 s5, $0x3  }
0xd: {  	s13 =	sadd.s32 s31, s2;
	s8 =	sadd.s32 s5, s1;
	s1 =	sadd.s32 s25, s1  }
0xe: {  	s5 =	smul.u32 $0x2800, s0;
	s13 =	sshrl.u32 @!p0 s13, $0x3;
	s25 =	simm.s32 $0x300  }
0xf: {  	s4 =	sadd.s32 $0x8BE00, s1;
	s6 =	sadd.s32 $0x16800, s8;
	s7 =	sadd.s32 $0xDA000, s1  }
0x10: {  	s8 =	smax.u32 s9, $0x1;
	s10 =	sadd.s32 $0xB1600, s1;
	s1 =	sshll.u32 @!p0 s0, $0x6  }
0x11: {  	s9 =	sadd.s32 s5, s4;
	s12 =	sor.u32 @!p0 $0x1C05, s1;
	s15 =	sadd.s32 $0x40, s6  }
.LBB2_1:
0x12: {  	s1 =	simm.s32 @p0 $0x1FC5  }
0x13: {  	[spmem:s11], [sflag:s1] =	dma.local @p0 [hbm:s10], $0x1900  }
0x14: {  	s1 =	simm.s32 @p0 $0x5  }
0x15: {  	_ =	swait.ge @p0 [sflag:s1], $0x1900  }
0x16: {  	[sflag:s1] =	ssyncset.done @p0 $0x0  }
0x17: {  	[sflag:s1] =	ssyncadd.s32 @p0 $0xFFFFE700;
	s1 =	simm.s32 @!p0 $0x5  }
0x18: {  	[spmem:s13], [sflag:s12] =	dma.local @!p0 [hbm:s9], $0x2800  }
0x19: {  	_ =	swait.ge @!p0 [sflag:s1], $0x2800  }
0x1a: {  	[sflag:s1] =	ssyncset.done @!p0 $0x0  }
0x1b: {  	[sflag:s1] =	ssyncadd.s32 @!p0 $0xFFFFD800  }
0x1c: {  	[bflag:$0x0] =	sbarrier.arrive $0xFFFF  }
0x1d: {  	[tilespmem:s3], [sflag:$0x5] =	stream.linear.gather [hbm4b:s6+s3], $0x200, $0x38;
	[tilespmem:$0x1BCC0] =	vst v63  }
0x1e: {  	_ =	swait.ge [sflag:s14], $0x200  }
0x1f: {  	[sflag:s14] =	ssyncset.done $0x0  }
0x20: {  	[sflag:s14] =	ssyncadd.s32 $0xFFFFFE00  }
0x21: {  	[tilespmem:s16], [sflag:$0x2] =	stream.linear.gather [hbm4b:s15+s3], $0x200, $0x38;
	[tilespmem:$0x1BCC0] =	vst v63  }
0x22: {  	_ = 	snop  }
0x23: {  	[tilespmem:s18], [sflag:$0x3] =	stream.indirect.gather [hbm4b:s4+s17], $0x80, s3, s17, $0xb8;
	[tilespmem:$0x1BCC0] =	vst v63  }
0x24: {  	_ =	swait.ge [sflag:s19], $0x4000  }
0x25: {  	[sflag:s19] =	ssyncset.done $0x0  }
0x26: {  	[sflag:s19] =	ssyncadd.s32 $0xFFFFC000  }
0x27: {  	[tilespmem:s21], [sflag:$0x4] =	stream.indirect.gather [hbm4b:s4+s17], $0x80, s20, s17, $0xb8;
	[tilespmem:$0x1BCC0] =	vst v63  }
0x28: {  	_ = 	snop  }
0x29: {  	[spmem:s2] =	stream.indirect.scatter.add.f32 [tilespmem:s18], [sflag:$0x5], $0x80, s17, s17, $0xb8;
	[tilespmem:$0x1BCC0] =	vst v63  }
0x2a: {  	_ =	swait.ge [sflag:s14], $0x4000  }
0x2b: {  	[sflag:s14] =	ssyncset.done $0x0  }
0x2c: {  	[sflag:s14] =	ssyncadd.s32 $0xFFFFC000  }
0x2d: {  	_ =	swait.ge [sflag:s22], $0x200  }
0x2e: {  	[sflag:s22] =	ssyncset.done $0x0  }
0x2f: {  	[sflag:s22] =	ssyncadd.s32 $0xFFFFFE00  }
0x30: {  	_ =	swait.ge [sflag:s23], $0x4000  }
0x31: {  	[sflag:s23] =	ssyncset.done $0x0  }
0x32: {  	[sflag:s23] =	ssyncadd.s32 $0xFFFFC000  }
0x33: {  	[tilespmem:s18], [sflag:$0x3] =	stream.indirect.gather [hbm4b:s4+s17], $0x80, s16, s17, $0xb8;
	[tilespmem:$0x1BCC0] =	vst v63  }
0x34: {  	_ = 	snop  }
0x35: {  	[spmem:s2] =	stream.indirect.scatter.add.f32 [tilespmem:s21], [sflag:$0x5], $0x80, s24, s17, $0xb8;
	[tilespmem:$0x1BCC0] =	vst v63  }
0x36: {  	_ =	swait.ge [sflag:s14], $0x4000  }
0x37: {  	s0 =	sadd.s32 $0xFFFFED00, s6;
	[sflag:s14] =	ssyncset.done $0x0  }
0x38: {  	s31 =	sadd.s32 $0x1380, s0;
	[sflag:s14] =	ssyncadd.s32 $0xFFFFC000  }
0x39: {  	[tilespmem:s3], [sflag:$0x1] =	stream.linear.gather [hbm4b:s31+s3], $0x200, $0x38;
	[tilespmem:$0x1BCC0] =	vst v63  }
0x3a: {  	_ =	swait.ge [sflag:s19], $0x4000  }
0x3b: {  	[sflag:s19] =	ssyncset.done $0x0  }
0x3c: {  	[sflag:s19] =	ssyncadd.s32 $0xFFFFC000  }
0x3d: {  	[tilespmem:s21], [sflag:$0x4] =	stream.indirect.gather [hbm4b:s4+s17], $0x80, s25, s17, $0xb8;
	[tilespmem:$0x1BCC0] =	vst v63  }
0x3e: {  	_ = 	snop  }
0x3f: {  	[spmem:s2] =	stream.indirect.scatter.add.f32 [tilespmem:s18], [sflag:$0x5], $0x80, s26, s17, $0xb8;
	[tilespmem:$0x1BCC0] =	vst v63  }
0x40: {  	_ =	swait.ge [sflag:s14], $0x4000  }
0x41: {  	[sflag:s14] =	ssyncset.done $0x0  }
0x42: {  	[sflag:s14] =	ssyncadd.s32 $0xFFFFC000  }
0x43: {  	_ =	swait.ge [sflag:s28], $0x200  }
0x44: {  	[sflag:s28] =	ssyncset.done $0x0  }
0x45: {  	[sflag:s28] =	ssyncadd.s32 $0xFFFFFE00  }
0x46: {  	_ =	swait.ge [sflag:s23], $0x4000  }
0x47: {  	[sflag:s23] =	ssyncset.done $0x0  }
0x48: {  	[sflag:s23] =	ssyncadd.s32 $0xFFFFC000  }
0x49: {  	[tilespmem:s18], [sflag:$0x3] =	stream.indirect.gather [hbm4b:s4+s17], $0x80, s3, s17, $0xb8;
	[tilespmem:$0x1BCC0] =	vst v63  }
0x4a: {  	_ = 	snop  }
0x4b: {  	[spmem:s2] =	stream.indirect.scatter.add.f32 [tilespmem:s21], [sflag:$0x5], $0x80, s29, s17, $0xb8;
	[tilespmem:$0x1BCC0] =	vst v63  }
0x4c: {  	_ =	swait.ge [sflag:s14], $0x4000  }
0x4d: {  	[sflag:s14] =	ssyncset.done $0x0  }
0x4e: {  	s1 =	sadd.s32 $0x13C0, s0;
	s31 =	simm.s32 $0xFFFFED80;
	[sflag:s14] =	ssyncadd.s32 $0xFFFFC000  }
.LBB2_2:
0x4f: {  	[tilespmem:s16], [sflag:$0x2] =	stream.linear.gather [hbm4b:s1+s3], $0x200, $0x38;
	[tilespmem:$0x1BCC0] =	vst v63  }
0x50: {  	s1 =	smov.u32 s31  }
0x51: {  	p1 =	sne.s32 s31, $0xFFFFFF80;
	s31 =	sadd.s32 $0x80, s31;
	_ =	swait.ge [sflag:s19], $0x4000  }
0x52: {  	[sflag:s19] =	ssyncset.done $0x0  }
0x53: {  	[sflag:s19] =	ssyncadd.s32 $0xFFFFC000  }
0x54: {  	[tilespmem:s21], [sflag:$0x4] =	stream.indirect.gather [hbm4b:s4+s17], $0x80, s20, s17, $0xb8;
	[tilespmem:$0x1BCC0] =	vst v63  }
0x55: {  	_ = 	snop  }
0x56: {  	[spmem:s2] =	stream.indirect.scatter.add.f32 [tilespmem:s18], [sflag:$0x5], $0x80, s17, s17, $0xb8;
	[tilespmem:$0x1BCC0] =	vst v63  }
0x57: {  	_ =	swait.ge [sflag:s14], $0x4000  }
0x58: {  	[sflag:s14] =	ssyncset.done $0x0  }
0x59: {  	[sflag:s14] =	ssyncadd.s32 $0xFFFFC000  }
0x5a: {  	_ =	swait.ge [sflag:s22], $0x200  }
0x5b: {  	[sflag:s22] =	ssyncset.done $0x0  }
0x5c: {  	[sflag:s22] =	ssyncadd.s32 $0xFFFFFE00  }
0x5d: {  	_ =	swait.ge [sflag:s23], $0x4000  }
0x5e: {  	[sflag:s23] =	ssyncset.done $0x0  }
0x5f: {  	[sflag:s23] =	ssyncadd.s32 $0xFFFFC000  }
0x60: {  	[tilespmem:s18], [sflag:$0x3] =	stream.indirect.gather [hbm4b:s4+s17], $0x80, s16, s17, $0xb8;
	[tilespmem:$0x1BCC0] =	vst v63  }
0x61: {  	_ = 	snop  }
0x62: {  	[spmem:s2] =	stream.indirect.scatter.add.f32 [tilespmem:s21], [sflag:$0x5], $0x80, s24, s17, $0xb8;
	[tilespmem:$0x1BCC0] =	vst v63  }
0x63: {  	_ =	swait.ge [sflag:s14], $0x4000  }
0x64: {  	s1 =	sadd.s32 s1, s6;
	[sflag:s14] =	ssyncset.done $0x0  }
0x65: {  	s0 =	sadd.s32 $0x1380, s1;
	[sflag:s14] =	ssyncadd.s32 $0xFFFFC000  }
0x66: {  	[tilespmem:s3], [sflag:$0x1] =	stream.linear.gather [hbm4b:s0+s3], $0x200, $0x38;
	[tilespmem:$0x1BCC0] =	vst v63  }
0x67: {  	_ =	swait.ge [sflag:s19], $0x4000  }
0x68: {  	[sflag:s19] =	ssyncset.done $0x0  }
0x69: {  	[sflag:s19] =	ssyncadd.s32 $0xFFFFC000  }
0x6a: {  	[tilespmem:s21], [sflag:$0x4] =	stream.indirect.gather [hbm4b:s4+s17], $0x80, s25, s17, $0xb8;
	[tilespmem:$0x1BCC0] =	vst v63  }
0x6b: {  	_ = 	snop  }
0x6c: {  	[spmem:s2] =	stream.indirect.scatter.add.f32 [tilespmem:s18], [sflag:$0x5], $0x80, s26, s17, $0xb8;
	[tilespmem:$0x1BCC0] =	vst v63  }
0x6d: {  	_ =	swait.ge [sflag:s14], $0x4000  }
0x6e: {  	[sflag:s14] =	ssyncset.done $0x0  }
0x6f: {  	[sflag:s14] =	ssyncadd.s32 $0xFFFFC000  }
0x70: {  	_ =	swait.ge [sflag:s28], $0x200  }
0x71: {  	[sflag:s28] =	ssyncset.done $0x0  }
0x72: {  	[sflag:s28] =	ssyncadd.s32 $0xFFFFFE00  }
0x73: {  	_ =	swait.ge [sflag:s23], $0x4000  }
0x74: {  	[sflag:s23] =	ssyncset.done $0x0  }
0x75: {  	[sflag:s23] =	ssyncadd.s32 $0xFFFFC000  }
0x76: {  	[tilespmem:s18], [sflag:$0x3] =	stream.indirect.gather [hbm4b:s4+s17], $0x80, s3, s17, $0xb8;
	[tilespmem:$0x1BCC0] =	vst v63  }
.Ltmp0:
0x77: {  	(pc) =	sbr.rel @p1 .LBB2_2-.Ltmp0, $4  }
0x78: {  	[spmem:s2] =	stream.indirect.scatter.add.f32 [tilespmem:s21], [sflag:$0x5], $0x80, s29, s17, $0xb8;
	[tilespmem:$0x1BCC0] =	vst v63  }
0x79: {  	_ =	swait.ge [sflag:s14], $0x4000  }
0x7a: {  	[sflag:s14] =	ssyncset.done $0x0  }
0x7b: {  	s1 =	sadd.s32 $0x13C0, s1;
	[sflag:s14] =	ssyncadd.s32 $0xFFFFC000  }
0x7c: {  	[tilespmem:s16], [sflag:$0x2] =	stream.linear.gather [hbm4b:s1+s3], $0x200, $0x38;
	[tilespmem:$0x1BCC0] =	vst v63  }
0x7d: {  	_ =	swait.ge [sflag:s19], $0x4000  }
0x7e: {  	[sflag:s19] =	ssyncset.done $0x0  }
0x7f: {  	[sflag:s19] =	ssyncadd.s32 $0xFFFFC000  }
0x80: {  	[tilespmem:s21], [sflag:$0x4] =	stream.indirect.gather [hbm4b:s4+s17], $0x80, s20, s17, $0xb8;
	[tilespmem:$0x1BCC0] =	vst v63  }
0x81: {  	_ = 	snop  }
0x82: {  	[spmem:s2] =	stream.indirect.scatter.add.f32 [tilespmem:s18], [sflag:$0x5], $0x80, s17, s17, $0xb8;
	[tilespmem:$0x1BCC0] =	vst v63  }
0x83: {  	_ =	swait.ge [sflag:s14], $0x4000  }
0x84: {  	[sflag:s14] =	ssyncset.done $0x0  }
0x85: {  	[sflag:s14] =	ssyncadd.s32 $0xFFFFC000  }
0x86: {  	_ =	swait.ge [sflag:s22], $0x200  }
0x87: {  	[sflag:s22] =	ssyncset.done $0x0  }
0x88: {  	[sflag:s22] =	ssyncadd.s32 $0xFFFFFE00  }
0x89: {  	_ =	swait.ge [sflag:s23], $0x4000  }
0x8a: {  	[sflag:s23] =	ssyncset.done $0x0  }
0x8b: {  	[sflag:s23] =	ssyncadd.s32 $0xFFFFC000  }
0x8c: {  	[tilespmem:s18], [sflag:$0x3] =	stream.indirect.gather [hbm4b:s4+s17], $0x80, s16, s17, $0xb8;
	[tilespmem:$0x1BCC0] =	vst v63  }
0x8d: {  	_ = 	snop  }
0x8e: {  	[spmem:s2] =	stream.indirect.scatter.add.f32 [tilespmem:s21], [sflag:$0x5], $0x80, s24, s17, $0xb8;
	[tilespmem:$0x1BCC0] =	vst v63  }
0x8f: {  	_ =	swait.ge [sflag:s14], $0x4000  }
0x90: {  	[sflag:s14] =	ssyncset.done $0x0  }
0x91: {  	s0 =	sadd.s32 $0x1380, s6;
	[sflag:s14] =	ssyncadd.s32 $0xFFFFC000  }
0x92: {  	[tilespmem:s3], [sflag:$0x5] =	stream.linear.gather [hbm4b:s0+s3], $0x100, $0x38;
	[tilespmem:$0x1BCC0] =	vst v63  }
0x93: {  	_ =	swait.ge [sflag:s14], $0x100  }
0x94: {  	[sflag:s14] =	ssyncset.done $0x0  }
0x95: {  	[sflag:s14] =	ssyncadd.s32 $0xFFFFFF00  }
0x96: {  	_ =	swait.ge [sflag:s19], $0x4000  }
0x97: {  	[sflag:s19] =	ssyncset.done $0x0  }
0x98: {  	[sflag:s19] =	ssyncadd.s32 $0xFFFFC000  }
0x99: {  	[tilespmem:s21], [sflag:$0x4] =	stream.indirect.gather [hbm4b:s4+s17], $0x80, s25, s17, $0xb8;
	[tilespmem:$0x1BCC0] =	vst v63  }
0x9a: {  	_ = 	snop  }
0x9b: {  	[spmem:s2] =	stream.indirect.scatter.add.f32 [tilespmem:s18], [sflag:$0x5], $0x80, s26, s17, $0xb8;
	[tilespmem:$0x1BCC0] =	vst v63  }
0x9c: {  	_ =	swait.ge [sflag:s14], $0x4000  }
0x9d: {  	[sflag:s14] =	ssyncset.done $0x0  }
0x9e: {  	[sflag:s14] =	ssyncadd.s32 $0xFFFFC000  }
0x9f: {  	[tilespmem:s18], [sflag:$0x3] =	stream.indirect.gather [hbm4b:s4+s17], $0x80, s3, s17, $0xb8;
	[tilespmem:$0x1BCC0] =	vst v63  }
0xa0: {  	_ =	swait.ge [sflag:s23], $0x4000  }
0xa1: {  	[sflag:s23] =	ssyncset.done $0x0  }
0xa2: {  	[sflag:s23] =	ssyncadd.s32 $0xFFFFC000  }
0xa3: {  	[spmem:s2] =	stream.indirect.scatter.add.f32 [tilespmem:s21], [sflag:$0x5], $0x80, s29, s17, $0xb8;
	[tilespmem:$0x1BCC0] =	vst v63  }
0xa4: {  	_ =	swait.ge [sflag:s14], $0x4000  }
0xa5: {  	[sflag:s14] =	ssyncset.done $0x0  }
0xa6: {  	[sflag:s14] =	ssyncadd.s32 $0xFFFFC000  }
0xa7: {  	_ =	swait.ge [sflag:s19], $0x4000  }
0xa8: {  	[sflag:s19] =	ssyncset.done $0x0  }
0xa9: {  	[sflag:s19] =	ssyncadd.s32 $0xFFFFC000  }
0xaa: {  	[spmem:s2] =	stream.indirect.scatter.add.f32 [tilespmem:s18], [sflag:$0x5], $0x80, s17, s17, $0xb8;
	[tilespmem:$0x1BCC0] =	vst v63  }
0xab: {  	_ =	swait.ge [sflag:s14], $0x4000  }
0xac: {  	[sflag:s14] =	ssyncset.done $0x0  }
0xad: {  	[sflag:s14] =	ssyncadd.s32 $0xFFFFC000  }
0xae: {  	s1 =	simm.s32 @p0 $0x1FC5;
	s0 =	sadd.s32 @p0 $0x25800, s7;
	[bflag:$0x0] =	sbarrier.arrive $0xFFFF  }
0xaf: {  	[hbm:s0], [sflag:s1] =	dma.local @p0 [spmem:s11], $0x1900  }
0xb0: {  	s0 =	simm.s32 @p0 $0x5  }
0xb1: {  	_ =	swait.ge @p0 [sflag:s0], $0x1900  }
0xb2: {  	s30 =	sadd.s32 $0x1, s30;
	[sflag:s0] =	ssyncset.done @p0 $0x0  }
0xb3: {  	p1 =	sne.s32 s30, s8;
	[sflag:s0] =	ssyncadd.s32 @p0 $0xFFFFE700;
	s0 =	sadd.s32 @!p0 s5, s7  }
0xb4: {  	[hbm:s0], [sflag:s12] =	dma.local @!p0 [spmem:s13], $0x2800  }
.Ltmp1:
0xb5: {  	_ = 	snop;
	(pc) =	sbr.rel @p1 .LBB2_1-.Ltmp1, $4  }
0xb6: {  	s0 =	simm.s32 @!p0 $0x5  }
0xb7: {  	_ =	swait.ge @!p0 [sflag:s0], $0x2800  }
0xb8: {  	[sflag:s0] =	ssyncset.done @!p0 $0x0  }
0xb9: {  	[sflag:s0] =	ssyncadd.s32 @!p0 $0xFFFFD800  }
0xba: {  	_ =	sfence.sel $0x180000  }
0xbb: {  	[bflag:$0x0] =	sbarrier.arrive $0xFFFF  }
0xbc: {  	_ =	strace $0x9000004A  }
0xbd: {  	s0 =	stileid.u32;
	[bflag:$0x2] =	sbarrier.arrive $0xFFFF  }
0xbe: {  	p0 =	sne.s32 s0, $0x0;
	s0 =	rddreg [dreg:$0x2]  }
0xbf: {  	s0 =	sadd.s32 @!p0 $0x100000, s0  }
0xc0: {  	[sflag:s0] =	ssyncadd.tile.s32 @!p0 $0x1;
	_ =	shalt  }
.Lfunc_end2:
_tile_overlayer_lowered:
.L_overlay_start_2:
0xc1: {  	(tag) =	ssettag $0x2  }
0xc2: {  	s0 =	rddreg [dreg:$0x0];
	s2 =	stileid.u32  }
0xc3: {  	s1 =	rddreg [dreg:$0x1];
	p0 =	sne.s32 s2, $0x0  }
0xc4: {  	s3 =	rddreg [dreg:$0x2];
	[bflag:$0x3] =	sbarrier.arrive $0xFFFF;
	s2 =	simm.s32 @!p0 $0x1C05  }
0xc5: {  	[timem:s3], [sflag:s2] =	dma.local @!p0 [hbm:s0], s1  }
0xc6: {  	s0 =	simm.s32 @!p0 $0x5  }
0xc7: {  	_ =	swait.ge @!p0 [sflag:s0], s1  }
0xc8: {  	s1 =	ssub.s32 @!p0 $0x0, s1;
	[sflag:s0] =	ssyncset.done @!p0 $0x0  }
0xc9: {  	[sflag:s0] =	ssyncadd.s32 @!p0 s1  }
0xca: {  	[bflag:$0x3] =	sbarrier.arrive $0xFFFF  }
0xcb: {  	_ =	shalt  }

// kernel: kernel.15.cloned.1.call-start
scs
__scs_entry_jumppad:
0x0: {  	(pc) =	sbr.rel $0x88, $3  }
0x1: {  	(tag) =	ssettag $0x0;
	lr =	simm.s32 $0x1  }
0x2: {  	[smem:$0x3F96] =	sst lr;
	_ =	strace $0xD0000000  }
0x3: {  	_ = 	snop  }
0x4: {  	_ = 	snop  }
0x5: {  	_ = 	snop  }
0x6: {  	_ = 	snop  }
0x7: {  	_ = 	snop  }
__scs_overlays_trampoline_lowered:
0x8: {  	[smem:$0x3FA5] =	sst s0  }
0x9: {  	[smem:$0x3FA6] =	sst s1  }
0xa: {  	[smem:$0x3FA7] =	sst s2  }
0xb: {  	[smem:$0x3FA8] =	sst s3  }
0xc: {  	[smem:$0x3FA9] =	sst s4  }
0xd: {  	[smem:$0x3FAA] =	sst s5  }
0xe: {  	[smem:$0x3FAB] =	sst s6  }
0xf: {  	[smem:$0x3FAC] =	sst s7  }
0x10: {  	[smem:$0x3FAD] =	sst s8  }
0x11: {  	[smem:$0x3FAE] =	sst s9;
	s0 =	simm.s32 @!p0 $0x0  }
0x12: {  	s1 =	sld [smem:$0x3F94];
	s0 =	simm.s32 @p0 $0x1  }
0x13: {  	[smem:$0x3FAF] =	sst s0;
	s0 =	simm.s32 @!p1 $0x0  }
0x14: {  	s2 =	sld [smem:$0x3F93];
	s0 =	simm.s32 @p1 $0x1  }
0x15: {  	[smem:$0x3FB0] =	sst s0;
	s0 =	simm.s32 @!p2 $0x0  }
0x16: {  	s3 =	sld [smem:$0x3FDB];
	s0 =	simm.s32 @p2 $0x1  }
0x17: {  	s4 =	simm.s32 $0x1BF5;
	[smem:$0x3FB2] =	sst s0  }
0x18: {  	s0 =	sld [smem:$0x3F95];
	_ =	swait.ge [sflag:s4], $0x0  }
0x19: {  	s7 =	sld [smem:$0x3F96]  }
0x1a: {  	s8 =	sadd.s32 $0xFFFFE003, lr  }
0x1b: {  	s9 =	sadd.s32 $0xFFFFFEF7, lr;
	s5 =	simm.s32 $0xFFFFFFFF;
	p2 =	slt.u32 s8, $0xFFFFF086  }
0x1c: {  	p1 =	slt.u32 s9, $0xF7A;
	s5 =	simm.s32 @!p2 $0x0  }
0x1d: {  	s5 =	simm.s32 @p1 $0x1;
	p0 =	seq.s32 s7, s2  }
0x1e: {  	s7 =	smul.u32 @!p0 $0xF7A, s2;
	p2 =	seq.s32 @!p0 s5, $0x0  }
0x1f: {  	s9 =	smul.u32 $0xF7A, s1;
	s8 =	simm.s32 @!p0 $0x1BF5;
	p2 =	por !p2, p0  }
0x20: {  	[sflag:s8] =	ssyncset.s32 @!p0 $0xFFFFF086;
	s6 =	sadd.s32 @!p0 s3, s7;
	s7 =	simm.s32 @!p0 $0x108  }
0x21: {  	s3 =	sadd.s32 s3, s9;
	s6 =	sadd.s32 @!p0 $0x88, s6;
	s7 =	simm.s32 @p2 $0x1082  }
0x22: {  	[simem:s7], [sflag:s8] =	dma.local @!p0 [hbm:s6], $0xF7A  }
0x23: {  	s9 =	sor.u32 $0xD0000000, s2;
	s6 =	simm.s32 $0x108;
	_ =	swait.ge @!p0 [sflag:s8], $0x0  }
0x24: {  	s3 =	sadd.s32 $0x88, s3;
	s6 =	simm.s32 @!p1 $0x1082;
	[sflag:s4] =	ssyncset.s32 $0xFFFFF086  }
0x25: {  	[simem:s6], [sflag:s4] =	dma.local [hbm:s3], $0xF7A  }
0x26: {  	[smem:$0x3F96] =	sst s1;
	(tag) =	ssettag s2;
	_ =	strace s9  }
0x27: {  	s1 =	sld [smem:$0x3FA6]  }
0x28: {  	s2 =	sld [smem:$0x3FA7]  }
0x29: {  	s4 =	sld [smem:$0x3FA9]  }
0x2a: {  	p0 =	seq.s32 s5, $0x0;
	s5 =	sld [smem:$0x3FAA]  }
0x2b: {  	s6 =	sld [smem:$0x3FAB]  }
0x2c: {  	s7 =	sld [smem:$0x3FAC]  }
0x2d: {  	s3 =	simm.s32 $0x108;
	s8 =	sld [smem:$0x3FAD]  }
0x2e: {  	s3 =	simm.s32 @!p0 $0x1082;
	s9 =	sld [smem:$0x3FAE]  }
0x2f: {  	lr =	sadd.s32 s0, s3;
	s0 =	sld [smem:$0x3FA5]  }
0x30: {  	s3 =	sld [smem:$0x3FA8]  }
0x31: {  	[smem:$0x3FB1] =	sst s10  }
0x32: {  	s10 =	sld [smem:$0x3FAF];
	_ =	sdelay $0x3  }
0x33: {  	p0 =	seq.s32 s10, $0x1;
	s10 =	sld [smem:$0x3FB1];
	_ =	sdelay $0x3  }
0x34: {  	[smem:$0x3FB1] =	sst s10  }
0x35: {  	s10 =	sld [smem:$0x3FB0];
	_ =	sdelay $0x3  }
0x36: {  	p1 =	seq.s32 s10, $0x1;
	s10 =	sld [smem:$0x3FB1];
	_ =	sdelay $0x3  }
0x37: {  	[smem:$0x3FB1] =	sst s10  }
0x38: {  	s10 =	sld [smem:$0x3FB2]  }
0x39: {  	_ = 	snop;
	(pc) =	sbr.ind lr, $3  }
0x3a: {  	_ = 	snop  }
0x3b: {  	_ = 	snop  }
0x3c: {  	p2 =	seq.s32 s10, $0x1;
	s10 =	sld [smem:$0x3FB1]  }
0x3d: {  	_ =	shalt  }
0x3e: {  	_ =	shalt  }
0x3f: {  	_ =	shalt  }
0x40: {  	_ =	shalt  }
0x41: {  	_ =	shalt  }
0x42: {  	_ =	shalt  }
0x43: {  	_ =	shalt  }
0x44: {  	_ =	shalt  }
0x45: {  	_ =	shalt  }
0x46: {  	_ =	shalt  }
0x47: {  	_ =	shalt  }
0x48: {  	_ =	shalt  }
0x49: {  	_ =	shalt  }
0x4a: {  	_ =	shalt  }
0x4b: {  	_ =	shalt  }
0x4c: {  	_ =	shalt  }
0x4d: {  	_ =	shalt  }
0x4e: {  	_ =	shalt  }
0x4f: {  	_ =	shalt  }
0x50: {  	_ =	shalt  }
0x51: {  	_ =	shalt  }
0x52: {  	_ =	shalt  }
0x53: {  	_ =	shalt  }
0x54: {  	_ =	shalt  }
0x55: {  	_ =	shalt  }
0x56: {  	_ =	shalt  }
0x57: {  	_ =	shalt  }
0x58: {  	_ =	shalt  }
0x59: {  	_ =	shalt  }
0x5a: {  	_ =	shalt  }
0x5b: {  	_ =	shalt  }
0x5c: {  	_ =	shalt  }
0x5d: {  	_ =	shalt  }
0x5e: {  	_ =	shalt  }
0x5f: {  	_ =	shalt  }
0x60: {  	_ =	shalt  }
0x61: {  	_ =	shalt  }
0x62: {  	_ =	shalt  }
0x63: {  	_ =	shalt  }
0x64: {  	_ =	shalt  }
0x65: {  	_ =	shalt  }
0x66: {  	_ =	shalt  }
0x67: {  	_ =	shalt  }
0x68: {  	_ =	shalt  }
0x69: {  	_ =	shalt  }
0x6a: {  	_ =	shalt  }
0x6b: {  	_ =	shalt  }
0x6c: {  	_ =	shalt  }
0x6d: {  	_ =	shalt  }
0x6e: {  	_ =	shalt  }
0x6f: {  	_ =	shalt  }
0x70: {  	_ =	shalt  }
0x71: {  	_ =	shalt  }
0x72: {  	_ =	shalt  }
0x73: {  	_ =	shalt  }
0x74: {  	_ =	shalt  }
0x75: {  	_ =	shalt  }
0x76: {  	_ =	shalt  }
0x77: {  	_ =	shalt  }
0x78: {  	_ =	shalt  }
0x79: {  	_ =	shalt  }
0x7a: {  	_ =	shalt  }
0x7b: {  	_ =	shalt  }
0x7c: {  	_ =	shalt  }
0x7d: {  	_ =	shalt  }
0x7e: {  	_ =	shalt  }
0x7f: {  	_ =	shalt  }
0x80: {  	_ =	shalt  }
0x81: {  	_ =	shalt  }
0x82: {  	_ =	shalt  }
0x83: {  	_ =	shalt  }
0x84: {  	_ =	shalt  }
0x85: {  	_ =	shalt  }
0x86: {  	_ =	shalt  }
0x87: {  	_ =	shalt  }
.Lfunc_end0:
.L_simem_size_0:
called_computation.2_lowered:
.L_overlay_start_0:
0x88: {  	s2 =	sld [smem:$0x3FD9]  }
0x89: {  	s3 =	sld [smem:$0x3FFE];
	_ =	sdelay $0x1  }
0x8a: {  	s1 =	srdreg.scid  }
0x8b: {  	s0 =	sand.u32 $0x1, s1  }
0x8c: {  	s16 =	sshll.u32 s0, $0xA;
	s2 =	sadd.s32 s3, s2  }
0x8d: {  	s2 =	sadd.s32 s2, s16  }
0x8e: {  	[smem:$0x3FBD] =	sst s2  }
0x8f: {  	_ = 	snop  }
0x90: {  	(tm) =	ssettm $0x1  }
0x91: {  	s17 =	sld [smem:$0x3FFB];
	_ =	sdelay $0x3  }
0x92: {  	_ =	strace s17  }
0x93: {  	s2 =	sld [smem:$0x3FFC];
	_ =	sdelay $0x3  }
0x94: {  	_ =	strace s2  }
0x95: {  	s2 =	sld [smem:$0x3FFD];
	_ =	sdelay $0x3  }
0x96: {  	_ =	strace s2  }
0x97: {  	_ =	strace $0x8FFFFFFF  }
0x98: {  	s18 =	sld [smem:$0x3FDB];
	_ =	sdelay $0x1  }
0x99: {  	s19 =	simm.s32 $_scs_section_size  }
0x9a: {  	s4 =	simm.s32 $_size__tile_overlayer_lowered;
	s5 =	simm.s32 $_tile_overlayer_lowered  }
0x9b: {  	s22 =	simm.s32 $0x1BFF;
	s21 =	sshll.u32 s5, $0x1;
	s2 =	sadd.s32 s19, s18  }
0x9c: {  	s6 =	simm.s32 $0x0;
	s20 =	sshll.u32 s4, $0x1;
	s4 =	sadd.s32 s21, s2  }
0x9d: {  	[timem:s6], [sflag:s22] =	dma.local [hbm:s4], s20  }
0x9e: {  	_ =	swait.ge [sflag:s22], s20  }
0x9f: {  	s3 =	ssub.s32 $0x0, s20;
	[sflag:s22] =	ssyncset.done $0x0  }
0xa0: {  	[sflag:s22] =	ssyncadd.s32 s3;
	_ =	sdelay $0x1  }
0xa1: {  	s23 =	simm.s32 $0x1B8B  }
0xa2: {  	_ =	swait.ge [sflag:s23], $0x1  }
0xa3: {  	[sflag:s23] =	ssyncset.done $0x0  }
0xa4: {  	s25 =	simm.s32 $0x1B8E;
	s24 =	sld [smem:$0x3FFE];
	[sflag:s23] =	ssyncadd.s32 $0xFFFFFFFF  }
0xa5: {  	s26 =	simm.s32 $execute0_lowered;
	[smem:$0x3FD2] =	sst s25  }
0xa6: {  	s4 =	sshll.u32 s26, $0x1;
	_ =	strace $0x8000004C;
	[dreg:$0x1] =	wrdreg $0xFFFFFFFF  }
0xa7: {  	s28 =	simm.s32 $_size_execute0_lowered;
	s2 =	sadd.s32 s2, s4;
	[dreg:$0x0] =	wrdreg $0x0  }
0xa8: {  	s4 =	sshll.u32 s28, $0x1;
	[dreg:$0x2] =	wrdreg s2  }
0xa9: {  	[dreg:$0x3] =	wrdreg s4  }
0xaa: {  	[dreg:$0x4] =	wrdreg $0xC0  }
0xab: {  	_ =	task [dreg:s6], $0x5FFFF  }
0xac: {  	[dreg:$0x1] =	wrdreg $0xFFFFFFFF  }
0xad: {  	[dreg:$0x0] =	wrdreg $0x60  }
0xae: {  	[dreg:$0x2] =	wrdreg s24  }
0xaf: {  	[dreg:$0x3] =	wrdreg $0x84000  }
0xb0: {  	[dreg:$0x4] =	wrdreg $0x9  }
0xb1: {  	_ =	task.clear_ibuf [dreg:s6], $0x5FFFF;
	_ =	strace $0x9000004C  }
0xb2: {  	s29 =	simm.s32 $0x9;
	_ =	strace $0x8000004E  }
0xb3: {  	_ =	swait.ge [sflag:s29], $0x1  }
0xb4: {  	[sflag:s29] =	ssyncadd.s32 $0xFFFFFFFF  }
0xb5: {  	_ =	strace $0x9000004E  }
0xb6: {  	_ =	sfence  }
0xb7: {  	s30 =	sld [smem:$0x0];
	_ =	sdelay $0x2  }
0xb8: {  	s31 =	sshll.u32 s1, $0xD;
	s1 =	sshrl.u32 s1, $0x2  }
0xb9: {  	s3 =	sand.u32 $0x4000, s31;
	s1 =	sadd.s32 s1, s30  }
0xba: {  	s0 =	sor.u32 s3, s0;
	s1 =	sshll.u32 s1, $0x11  }
0xbb: {  	s0 =	sor.u32 s1, s0  }
0xbc: {  	s0 =	sadd.s32 $0x8F2B, s0  }
0xbd: {  	[sflag:s0] =	ssyncadd.remote.s32 $0x1  }
0xbe: {  	_ =	sfence.sel $0xFFFF  }
0xbf: {  	[dreg:$0x0] =	wrdreg $0xFFFFFFFF;
	(pc) =	sbr.abs _section_cstart, $3  }
0xc0: {  	[dreg:$0x1] =	wrdreg $0xFFFFFFFF  }
0xc1: {  	_ =	task.clear_ibuf [dreg:s6], $0x2FFFF;
	_ =	strace $0x9FFFFFFF  }
0xc2: {  	(tm) =	ssettm $0x7FFFFFFF  }
0xc3: {  	_ =	shalt  }
tec
execute0_lowered:
.L_overlay_start_1:
0x0: {  	(tag) =	ssettag $0x1  }
0x1: {  	s0 =	srdreg.scid;
	s1 =	rddreg [dreg:$0x0]  }
0x2: {  	s2 =	rddreg [dreg:$0x1];
	s3 =	simm.s32 $0x0;
	s14 =	simm.s32 $0x5  }
0x3: {  	s16 =	simm.s32 $0x200;
	s17 =	simm.s32 $0x80;
	s18 =	simm.s32 $0x400  }
0x4: {  	s19 =	simm.s32 $0x3;
	s20 =	simm.s32 $0x100;
	s21 =	simm.s32 $0x4400  }
0x5: {  	s22 =	simm.s32 $0x2;
	s23 =	simm.s32 $0x4;
	s4 =	sand.u32 $0x1, s0  }
0x6: {  	s24 =	simm.s32 $0x180;
	s0 =	stileid.u32;
	s5 =	smul.u32 $0x9D000, s4  }
0x7: {  	s28 =	simm.s32 $0x1;
	s29 =	simm.s32 $0x380;
	s6 =	smul.u32 $0x9D00, s0  }
0x8: {  	s30 =	simm.s32 $0x0;
	[smem:$0x7FF] =	sst s3;
	s25 =	smul.u32 $0x27100, s4  }
0x9: {  	s11 =	sadd.s32 $0x12C000, s2;
	s4 =	ssub.s32 $0x2, s4;
	s7 =	smul.u32 $0x50000, s0  }
0xa: {  	_ =	strace $0x8000004D;
	p0 =	seq.s32 s0, $0xF;
	s26 =	sshrl.u32 s4, $0x1  }
0xb: {  	s11 =	sshrl.u32 @p0 s11, $0x3;
	s5 =	sadd.s32 s6, s5;
	s9 =	ssub.s32 s4, s26  }
0xc: {  	s31 =	sshrl.u32 s7, $0x2;
	s26 =	simm.s32 $0x280;
	s5 =	sshrl.u32 s5, $0x3  }
0xd: {  	s13 =	sadd.s32 s31, s2;
	s8 =	sadd.s32 s5, s1;
	s1 =	sadd.s32 s25, s1  }
0xe: {  	s5 =	smul.u32 $0x2800, s0;
	s13 =	sshrl.u32 @!p0 s13, $0x3;
	s25 =	simm.s32 $0x300  }
0xf: {  	s4 =	sadd.s32 $0x8BE00, s1;
	s6 =	sadd.s32 $0x16800, s8;
	s7 =	sadd.s32 $0xDA000, s1  }
0x10: {  	s8 =	smax.u32 s9, $0x1;
	s10 =	sadd.s32 $0xB1600, s1;
	s1 =	sshll.u32 @!p0 s0, $0x6  }
0x11: {  	s9 =	sadd.s32 s5, s4;
	s12 =	sor.u32 @!p0 $0x1C05, s1;
	s15 =	sadd.s32 $0x40, s6  }
.LBB2_1:
0x12: {  	s1 =	simm.s32 @p0 $0x1FC5  }
0x13: {  	[spmem:s11], [sflag:s1] =	dma.local @p0 [hbm:s10], $0x1900  }
0x14: {  	s1 =	simm.s32 @p0 $0x5  }
0x15: {  	_ =	swait.ge @p0 [sflag:s1], $0x1900  }
0x16: {  	[sflag:s1] =	ssyncset.done @p0 $0x0  }
0x17: {  	[sflag:s1] =	ssyncadd.s32 @p0 $0xFFFFE700;
	s1 =	simm.s32 @!p0 $0x5  }
0x18: {  	[spmem:s13], [sflag:s12] =	dma.local @!p0 [hbm:s9], $0x2800  }
0x19: {  	_ =	swait.ge @!p0 [sflag:s1], $0x2800  }
0x1a: {  	[sflag:s1] =	ssyncset.done @!p0 $0x0  }
0x1b: {  	[sflag:s1] =	ssyncadd.s32 @!p0 $0xFFFFD800  }
0x1c: {  	[bflag:$0x0] =	sbarrier.arrive $0xFFFF  }
0x1d: {  	[tilespmem:s3], [sflag:$0x5] =	stream.linear.gather [hbm4b:s6+s3], $0x200, $0x38;
	[tilespmem:$0x1BCC0] =	vst v63  }
0x1e: {  	_ =	swait.ge [sflag:s14], $0x200  }
0x1f: {  	[sflag:s14] =	ssyncset.done $0x0  }
0x20: {  	[sflag:s14] =	ssyncadd.s32 $0xFFFFFE00  }
0x21: {  	[tilespmem:s16], [sflag:$0x2] =	stream.linear.gather [hbm4b:s15+s3], $0x200, $0x38;
	[tilespmem:$0x1BCC0] =	vst v63  }
0x22: {  	_ = 	snop  }
0x23: {  	[tilespmem:s18], [sflag:$0x3] =	stream.indirect.gather [hbm4b:s4+s17], $0x80, s3, s17, $0xb8;
	[tilespmem:$0x1BCC0] =	vst v63  }
0x24: {  	_ =	swait.ge [sflag:s19], $0x4000  }
0x25: {  	[sflag:s19] =	ssyncset.done $0x0  }
0x26: {  	[sflag:s19] =	ssyncadd.s32 $0xFFFFC000  }
0x27: {  	[tilespmem:s21], [sflag:$0x4] =	stream.indirect.gather [hbm4b:s4+s17], $0x80, s20, s17, $0xb8;
	[tilespmem:$0x1BCC0] =	vst v63  }
0x28: {  	_ = 	snop  }
0x29: {  	[spmem:s2] =	stream.indirect.scatter.add.f32 [tilespmem:s18], [sflag:$0x5], $0x80, s17, s17, $0xb8;
	[tilespmem:$0x1BCC0] =	vst v63  }
0x2a: {  	_ =	swait.ge [sflag:s14], $0x4000  }
0x2b: {  	[sflag:s14] =	ssyncset.done $0x0  }
0x2c: {  	[sflag:s14] =	ssyncadd.s32 $0xFFFFC000  }
0x2d: {  	_ =	swait.ge [sflag:s22], $0x200  }
0x2e: {  	[sflag:s22] =	ssyncset.done $0x0  }
0x2f: {  	[sflag:s22] =	ssyncadd.s32 $0xFFFFFE00  }
0x30: {  	_ =	swait.ge [sflag:s23], $0x4000  }
0x31: {  	[sflag:s23] =	ssyncset.done $0x0  }
0x32: {  	[sflag:s23] =	ssyncadd.s32 $0xFFFFC000  }
0x33: {  	[tilespmem:s18], [sflag:$0x3] =	stream.indirect.gather [hbm4b:s4+s17], $0x80, s16, s17, $0xb8;
	[tilespmem:$0x1BCC0] =	vst v63  }
0x34: {  	_ = 	snop  }
0x35: {  	[spmem:s2] =	stream.indirect.scatter.add.f32 [tilespmem:s21], [sflag:$0x5], $0x80, s24, s17, $0xb8;
	[tilespmem:$0x1BCC0] =	vst v63  }
0x36: {  	_ =	swait.ge [sflag:s14], $0x4000  }
0x37: {  	s0 =	sadd.s32 $0xFFFFED00, s6;
	[sflag:s14] =	ssyncset.done $0x0  }
0x38: {  	s31 =	sadd.s32 $0x1380, s0;
	[sflag:s14] =	ssyncadd.s32 $0xFFFFC000  }
0x39: {  	[tilespmem:s3], [sflag:$0x1] =	stream.linear.gather [hbm4b:s31+s3], $0x200, $0x38;
	[tilespmem:$0x1BCC0] =	vst v63  }
0x3a: {  	_ =	swait.ge [sflag:s19], $0x4000  }
0x3b: {  	[sflag:s19] =	ssyncset.done $0x0  }
0x3c: {  	[sflag:s19] =	ssyncadd.s32 $0xFFFFC000  }
0x3d: {  	[tilespmem:s21], [sflag:$0x4] =	stream.indirect.gather [hbm4b:s4+s17], $0x80, s25, s17, $0xb8;
	[tilespmem:$0x1BCC0] =	vst v63  }
0x3e: {  	_ = 	snop  }
0x3f: {  	[spmem:s2] =	stream.indirect.scatter.add.f32 [tilespmem:s18], [sflag:$0x5], $0x80, s26, s17, $0xb8;
	[tilespmem:$0x1BCC0] =	vst v63  }
0x40: {  	_ =	swait.ge [sflag:s14], $0x4000  }
0x41: {  	[sflag:s14] =	ssyncset.done $0x0  }
0x42: {  	[sflag:s14] =	ssyncadd.s32 $0xFFFFC000  }
0x43: {  	_ =	swait.ge [sflag:s28], $0x200  }
0x44: {  	[sflag:s28] =	ssyncset.done $0x0  }
0x45: {  	[sflag:s28] =	ssyncadd.s32 $0xFFFFFE00  }
0x46: {  	_ =	swait.ge [sflag:s23], $0x4000  }
0x47: {  	[sflag:s23] =	ssyncset.done $0x0  }
0x48: {  	[sflag:s23] =	ssyncadd.s32 $0xFFFFC000  }
0x49: {  	[tilespmem:s18], [sflag:$0x3] =	stream.indirect.gather [hbm4b:s4+s17], $0x80, s3, s17, $0xb8;
	[tilespmem:$0x1BCC0] =	vst v63  }
0x4a: {  	_ = 	snop  }
0x4b: {  	[spmem:s2] =	stream.indirect.scatter.add.f32 [tilespmem:s21], [sflag:$0x5], $0x80, s29, s17, $0xb8;
	[tilespmem:$0x1BCC0] =	vst v63  }
0x4c: {  	_ =	swait.ge [sflag:s14], $0x4000  }
0x4d: {  	[sflag:s14] =	ssyncset.done $0x0  }
0x4e: {  	s1 =	sadd.s32 $0x13C0, s0;
	s31 =	simm.s32 $0xFFFFED80;
	[sflag:s14] =	ssyncadd.s32 $0xFFFFC000  }
.LBB2_2:
0x4f: {  	[tilespmem:s16], [sflag:$0x2] =	stream.linear.gather [hbm4b:s1+s3], $0x200, $0x38;
	[tilespmem:$0x1BCC0] =	vst v63  }
0x50: {  	s1 =	smov.u32 s31  }
0x51: {  	p1 =	sne.s32 s31, $0xFFFFFF80;
	s31 =	sadd.s32 $0x80, s31;
	_ =	swait.ge [sflag:s19], $0x4000  }
0x52: {  	[sflag:s19] =	ssyncset.done $0x0  }
0x53: {  	[sflag:s19] =	ssyncadd.s32 $0xFFFFC000  }
0x54: {  	[tilespmem:s21], [sflag:$0x4] =	stream.indirect.gather [hbm4b:s4+s17], $0x80, s20, s17, $0xb8;
	[tilespmem:$0x1BCC0] =	vst v63  }
0x55: {  	_ = 	snop  }
0x56: {  	[spmem:s2] =	stream.indirect.scatter.add.f32 [tilespmem:s18], [sflag:$0x5], $0x80, s17, s17, $0xb8;
	[tilespmem:$0x1BCC0] =	vst v63  }
0x57: {  	_ =	swait.ge [sflag:s14], $0x4000  }
0x58: {  	[sflag:s14] =	ssyncset.done $0x0  }
0x59: {  	[sflag:s14] =	ssyncadd.s32 $0xFFFFC000  }
0x5a: {  	_ =	swait.ge [sflag:s22], $0x200  }
0x5b: {  	[sflag:s22] =	ssyncset.done $0x0  }
0x5c: {  	[sflag:s22] =	ssyncadd.s32 $0xFFFFFE00  }
0x5d: {  	_ =	swait.ge [sflag:s23], $0x4000  }
0x5e: {  	[sflag:s23] =	ssyncset.done $0x0  }
0x5f: {  	[sflag:s23] =	ssyncadd.s32 $0xFFFFC000  }
0x60: {  	[tilespmem:s18], [sflag:$0x3] =	stream.indirect.gather [hbm4b:s4+s17], $0x80, s16, s17, $0xb8;
	[tilespmem:$0x1BCC0] =	vst v63  }
0x61: {  	_ = 	snop  }
0x62: {  	[spmem:s2] =	stream.indirect.scatter.add.f32 [tilespmem:s21], [sflag:$0x5], $0x80, s24, s17, $0xb8;
	[tilespmem:$0x1BCC0] =	vst v63  }
0x63: {  	_ =	swait.ge [sflag:s14], $0x4000  }
0x64: {  	s1 =	sadd.s32 s1, s6;
	[sflag:s14] =	ssyncset.done $0x0  }
0x65: {  	s0 =	sadd.s32 $0x1380, s1;
	[sflag:s14] =	ssyncadd.s32 $0xFFFFC000  }
0x66: {  	[tilespmem:s3], [sflag:$0x1] =	stream.linear.gather [hbm4b:s0+s3], $0x200, $0x38;
	[tilespmem:$0x1BCC0] =	vst v63  }
0x67: {  	_ =	swait.ge [sflag:s19], $0x4000  }
0x68: {  	[sflag:s19] =	ssyncset.done $0x0  }
0x69: {  	[sflag:s19] =	ssyncadd.s32 $0xFFFFC000  }
0x6a: {  	[tilespmem:s21], [sflag:$0x4] =	stream.indirect.gather [hbm4b:s4+s17], $0x80, s25, s17, $0xb8;
	[tilespmem:$0x1BCC0] =	vst v63  }
0x6b: {  	_ = 	snop  }
0x6c: {  	[spmem:s2] =	stream.indirect.scatter.add.f32 [tilespmem:s18], [sflag:$0x5], $0x80, s26, s17, $0xb8;
	[tilespmem:$0x1BCC0] =	vst v63  }
0x6d: {  	_ =	swait.ge [sflag:s14], $0x4000  }
0x6e: {  	[sflag:s14] =	ssyncset.done $0x0  }
0x6f: {  	[sflag:s14] =	ssyncadd.s32 $0xFFFFC000  }
0x70: {  	_ =	swait.ge [sflag:s28], $0x200  }
0x71: {  	[sflag:s28] =	ssyncset.done $0x0  }
0x72: {  	[sflag:s28] =	ssyncadd.s32 $0xFFFFFE00  }
0x73: {  	_ =	swait.ge [sflag:s23], $0x4000  }
0x74: {  	[sflag:s23] =	ssyncset.done $0x0  }
0x75: {  	[sflag:s23] =	ssyncadd.s32 $0xFFFFC000  }
0x76: {  	[tilespmem:s18], [sflag:$0x3] =	stream.indirect.gather [hbm4b:s4+s17], $0x80, s3, s17, $0xb8;
	[tilespmem:$0x1BCC0] =	vst v63  }
.Ltmp0:
0x77: {  	(pc) =	sbr.rel @p1 .LBB2_2-.Ltmp0, $4  }
0x78: {  	[spmem:s2] =	stream.indirect.scatter.add.f32 [tilespmem:s21], [sflag:$0x5], $0x80, s29, s17, $0xb8;
	[tilespmem:$0x1BCC0] =	vst v63  }
0x79: {  	_ =	swait.ge [sflag:s14], $0x4000  }
0x7a: {  	[sflag:s14] =	ssyncset.done $0x0  }
0x7b: {  	s1 =	sadd.s32 $0x13C0, s1;
	[sflag:s14] =	ssyncadd.s32 $0xFFFFC000  }
0x7c: {  	[tilespmem:s16], [sflag:$0x2] =	stream.linear.gather [hbm4b:s1+s3], $0x200, $0x38;
	[tilespmem:$0x1BCC0] =	vst v63  }
0x7d: {  	_ =	swait.ge [sflag:s19], $0x4000  }
0x7e: {  	[sflag:s19] =	ssyncset.done $0x0  }
0x7f: {  	[sflag:s19] =	ssyncadd.s32 $0xFFFFC000  }
0x80: {  	[tilespmem:s21], [sflag:$0x4] =	stream.indirect.gather [hbm4b:s4+s17], $0x80, s20, s17, $0xb8;
	[tilespmem:$0x1BCC0] =	vst v63  }
0x81: {  	_ = 	snop  }
0x82: {  	[spmem:s2] =	stream.indirect.scatter.add.f32 [tilespmem:s18], [sflag:$0x5], $0x80, s17, s17, $0xb8;
	[tilespmem:$0x1BCC0] =	vst v63  }
0x83: {  	_ =	swait.ge [sflag:s14], $0x4000  }
0x84: {  	[sflag:s14] =	ssyncset.done $0x0  }
0x85: {  	[sflag:s14] =	ssyncadd.s32 $0xFFFFC000  }
0x86: {  	_ =	swait.ge [sflag:s22], $0x200  }
0x87: {  	[sflag:s22] =	ssyncset.done $0x0  }
0x88: {  	[sflag:s22] =	ssyncadd.s32 $0xFFFFFE00  }
0x89: {  	_ =	swait.ge [sflag:s23], $0x4000  }
0x8a: {  	[sflag:s23] =	ssyncset.done $0x0  }
0x8b: {  	[sflag:s23] =	ssyncadd.s32 $0xFFFFC000  }
0x8c: {  	[tilespmem:s18], [sflag:$0x3] =	stream.indirect.gather [hbm4b:s4+s17], $0x80, s16, s17, $0xb8;
	[tilespmem:$0x1BCC0] =	vst v63  }
0x8d: {  	_ = 	snop  }
0x8e: {  	[spmem:s2] =	stream.indirect.scatter.add.f32 [tilespmem:s21], [sflag:$0x5], $0x80, s24, s17, $0xb8;
	[tilespmem:$0x1BCC0] =	vst v63  }
0x8f: {  	_ =	swait.ge [sflag:s14], $0x4000  }
0x90: {  	[sflag:s14] =	ssyncset.done $0x0  }
0x91: {  	s0 =	sadd.s32 $0x1380, s6;
	[sflag:s14] =	ssyncadd.s32 $0xFFFFC000  }
0x92: {  	[tilespmem:s3], [sflag:$0x5] =	stream.linear.gather [hbm4b:s0+s3], $0x100, $0x38;
	[tilespmem:$0x1BCC0] =	vst v63  }
0x93: {  	_ =	swait.ge [sflag:s14], $0x100  }
0x94: {  	[sflag:s14] =	ssyncset.done $0x0  }
0x95: {  	[sflag:s14] =	ssyncadd.s32 $0xFFFFFF00  }
0x96: {  	_ =	swait.ge [sflag:s19], $0x4000  }
0x97: {  	[sflag:s19] =	ssyncset.done $0x0  }
0x98: {  	[sflag:s19] =	ssyncadd.s32 $0xFFFFC000  }
0x99: {  	[tilespmem:s21], [sflag:$0x4] =	stream.indirect.gather [hbm4b:s4+s17], $0x80, s25, s17, $0xb8;
	[tilespmem:$0x1BCC0] =	vst v63  }
0x9a: {  	_ = 	snop  }
0x9b: {  	[spmem:s2] =	stream.indirect.scatter.add.f32 [tilespmem:s18], [sflag:$0x5], $0x80, s26, s17, $0xb8;
	[tilespmem:$0x1BCC0] =	vst v63  }
0x9c: {  	_ =	swait.ge [sflag:s14], $0x4000  }
0x9d: {  	[sflag:s14] =	ssyncset.done $0x0  }
0x9e: {  	[sflag:s14] =	ssyncadd.s32 $0xFFFFC000  }
0x9f: {  	[tilespmem:s18], [sflag:$0x3] =	stream.indirect.gather [hbm4b:s4+s17], $0x80, s3, s17, $0xb8;
	[tilespmem:$0x1BCC0] =	vst v63  }
0xa0: {  	_ =	swait.ge [sflag:s23], $0x4000  }
0xa1: {  	[sflag:s23] =	ssyncset.done $0x0  }
0xa2: {  	[sflag:s23] =	ssyncadd.s32 $0xFFFFC000  }
0xa3: {  	[spmem:s2] =	stream.indirect.scatter.add.f32 [tilespmem:s21], [sflag:$0x5], $0x80, s29, s17, $0xb8;
	[tilespmem:$0x1BCC0] =	vst v63  }
0xa4: {  	_ =	swait.ge [sflag:s14], $0x4000  }
0xa5: {  	[sflag:s14] =	ssyncset.done $0x0  }
0xa6: {  	[sflag:s14] =	ssyncadd.s32 $0xFFFFC000  }
0xa7: {  	_ =	swait.ge [sflag:s19], $0x4000  }
0xa8: {  	[sflag:s19] =	ssyncset.done $0x0  }
0xa9: {  	[sflag:s19] =	ssyncadd.s32 $0xFFFFC000  }
0xaa: {  	[spmem:s2] =	stream.indirect.scatter.add.f32 [tilespmem:s18], [sflag:$0x5], $0x80, s17, s17, $0xb8;
	[tilespmem:$0x1BCC0] =	vst v63  }
0xab: {  	_ =	swait.ge [sflag:s14], $0x4000  }
0xac: {  	[sflag:s14] =	ssyncset.done $0x0  }
0xad: {  	[sflag:s14] =	ssyncadd.s32 $0xFFFFC000  }
0xae: {  	s1 =	simm.s32 @p0 $0x1FC5;
	s0 =	sadd.s32 @p0 $0x25800, s7;
	[bflag:$0x0] =	sbarrier.arrive $0xFFFF  }
0xaf: {  	[hbm:s0], [sflag:s1] =	dma.local @p0 [spmem:s11], $0x1900  }
0xb0: {  	s0 =	simm.s32 @p0 $0x5  }
0xb1: {  	_ =	swait.ge @p0 [sflag:s0], $0x1900  }
0xb2: {  	s30 =	sadd.s32 $0x1, s30;
	[sflag:s0] =	ssyncset.done @p0 $0x0  }
0xb3: {  	p1 =	sne.s32 s30, s8;
	[sflag:s0] =	ssyncadd.s32 @p0 $0xFFFFE700;
	s0 =	sadd.s32 @!p0 s5, s7  }
0xb4: {  	[hbm:s0], [sflag:s12] =	dma.local @!p0 [spmem:s13], $0x2800  }
.Ltmp1:
0xb5: {  	_ = 	snop;
	(pc) =	sbr.rel @p1 .LBB2_1-.Ltmp1, $4  }
0xb6: {  	s0 =	simm.s32 @!p0 $0x5  }
0xb7: {  	_ =	swait.ge @!p0 [sflag:s0], $0x2800  }
0xb8: {  	[sflag:s0] =	ssyncset.done @!p0 $0x0  }
0xb9: {  	[sflag:s0] =	ssyncadd.s32 @!p0 $0xFFFFD800  }
0xba: {  	_ =	sfence.sel $0x180000  }
0xbb: {  	[bflag:$0x0] =	sbarrier.arrive $0xFFFF  }
0xbc: {  	_ =	strace $0x9000004D  }
0xbd: {  	s0 =	stileid.u32;
	[bflag:$0x2] =	sbarrier.arrive $0xFFFF  }
0xbe: {  	p0 =	sne.s32 s0, $0x0;
	s0 =	rddreg [dreg:$0x2]  }
0xbf: {  	s0 =	sadd.s32 @!p0 $0x100000, s0  }
0xc0: {  	[sflag:s0] =	ssyncadd.tile.s32 @!p0 $0x1;
	_ =	shalt  }
.Lfunc_end2:
_tile_overlayer_lowered:
.L_overlay_start_2:
0xc1: {  	(tag) =	ssettag $0x2  }
0xc2: {  	s0 =	rddreg [dreg:$0x0];
	s2 =	stileid.u32  }
0xc3: {  	s1 =	rddreg [dreg:$0x1];
	p0 =	sne.s32 s2, $0x0  }
0xc4: {  	s3 =	rddreg [dreg:$0x2];
	[bflag:$0x3] =	sbarrier.arrive $0xFFFF;
	s2 =	simm.s32 @!p0 $0x1C05  }
0xc5: {  	[timem:s3], [sflag:s2] =	dma.local @!p0 [hbm:s0], s1  }
0xc6: {  	s0 =	simm.s32 @!p0 $0x5  }
0xc7: {  	_ =	swait.ge @!p0 [sflag:s0], s1  }
0xc8: {  	s1 =	ssub.s32 @!p0 $0x0, s1;
	[sflag:s0] =	ssyncset.done @!p0 $0x0  }
0xc9: {  	[sflag:s0] =	ssyncadd.s32 @!p0 s1  }
0xca: {  	[bflag:$0x3] =	sbarrier.arrive $0xFFFF  }
0xcb: {  	_ =	shalt  }

// kernel: kernel.9.cloned.1.call-start
scs
__scs_entry_jumppad:
0x0: {  	(pc) =	sbr.rel $0x88, $3  }
0x1: {  	(tag) =	ssettag $0x0;
	lr =	simm.s32 $0x1  }
0x2: {  	[smem:$0x3F96] =	sst lr;
	_ =	strace $0xD0000000  }
0x3: {  	_ = 	snop  }
0x4: {  	_ = 	snop  }
0x5: {  	_ = 	snop  }
0x6: {  	_ = 	snop  }
0x7: {  	_ = 	snop  }
__scs_overlays_trampoline_lowered:
0x8: {  	[smem:$0x3FA5] =	sst s0  }
0x9: {  	[smem:$0x3FA6] =	sst s1  }
0xa: {  	[smem:$0x3FA7] =	sst s2  }
0xb: {  	[smem:$0x3FA8] =	sst s3  }
0xc: {  	[smem:$0x3FA9] =	sst s4  }
0xd: {  	[smem:$0x3FAA] =	sst s5  }
0xe: {  	[smem:$0x3FAB] =	sst s6  }
0xf: {  	[smem:$0x3FAC] =	sst s7  }
0x10: {  	[smem:$0x3FAD] =	sst s8  }
0x11: {  	[smem:$0x3FAE] =	sst s9;
	s0 =	simm.s32 @!p0 $0x0  }
0x12: {  	s1 =	sld [smem:$0x3F94];
	s0 =	simm.s32 @p0 $0x1  }
0x13: {  	[smem:$0x3FAF] =	sst s0;
	s0 =	simm.s32 @!p1 $0x0  }
0x14: {  	s2 =	sld [smem:$0x3F93];
	s0 =	simm.s32 @p1 $0x1  }
0x15: {  	[smem:$0x3FB0] =	sst s0;
	s0 =	simm.s32 @!p2 $0x0  }
0x16: {  	s3 =	sld [smem:$0x3FDB];
	s0 =	simm.s32 @p2 $0x1  }
0x17: {  	s4 =	simm.s32 $0x1BF5;
	[smem:$0x3FB2] =	sst s0  }
0x18: {  	s0 =	sld [smem:$0x3F95];
	_ =	swait.ge [sflag:s4], $0x0  }
0x19: {  	s7 =	sld [smem:$0x3F96]  }
0x1a: {  	s8 =	sadd.s32 $0xFFFFE003, lr  }
0x1b: {  	s9 =	sadd.s32 $0xFFFFFEF7, lr;
	s5 =	simm.s32 $0xFFFFFFFF;
	p2 =	slt.u32 s8, $0xFFFFF086  }
0x1c: {  	p1 =	slt.u32 s9, $0xF7A;
	s5 =	simm.s32 @!p2 $0x0  }
0x1d: {  	s5 =	simm.s32 @p1 $0x1;
	p0 =	seq.s32 s7, s2  }
0x1e: {  	s7 =	smul.u32 @!p0 $0xF7A, s2;
	p2 =	seq.s32 @!p0 s5, $0x0  }
0x1f: {  	s9 =	smul.u32 $0xF7A, s1;
	s8 =	simm.s32 @!p0 $0x1BF5;
	p2 =	por !p2, p0  }
0x20: {  	[sflag:s8] =	ssyncset.s32 @!p0 $0xFFFFF086;
	s6 =	sadd.s32 @!p0 s3, s7;
	s7 =	simm.s32 @!p0 $0x108  }
0x21: {  	s3 =	sadd.s32 s3, s9;
	s6 =	sadd.s32 @!p0 $0x88, s6;
	s7 =	simm.s32 @p2 $0x1082  }
0x22: {  	[simem:s7], [sflag:s8] =	dma.local @!p0 [hbm:s6], $0xF7A  }
0x23: {  	s9 =	sor.u32 $0xD0000000, s2;
	s6 =	simm.s32 $0x108;
	_ =	swait.ge @!p0 [sflag:s8], $0x0  }
0x24: {  	s3 =	sadd.s32 $0x88, s3;
	s6 =	simm.s32 @!p1 $0x1082;
	[sflag:s4] =	ssyncset.s32 $0xFFFFF086  }
0x25: {  	[simem:s6], [sflag:s4] =	dma.local [hbm:s3], $0xF7A  }
0x26: {  	[smem:$0x3F96] =	sst s1;
	(tag) =	ssettag s2;
	_ =	strace s9  }
0x27: {  	s1 =	sld [smem:$0x3FA6]  }
0x28: {  	s2 =	sld [smem:$0x3FA7]  }
0x29: {  	s4 =	sld [smem:$0x3FA9]  }
0x2a: {  	p0 =	seq.s32 s5, $0x0;
	s5 =	sld [smem:$0x3FAA]  }
0x2b: {  	s6 =	sld [smem:$0x3FAB]  }
0x2c: {  	s7 =	sld [smem:$0x3FAC]  }
0x2d: {  	s3 =	simm.s32 $0x108;
	s8 =	sld [smem:$0x3FAD]  }
0x2e: {  	s3 =	simm.s32 @!p0 $0x1082;
	s9 =	sld [smem:$0x3FAE]  }
0x2f: {  	lr =	sadd.s32 s0, s3;
	s0 =	sld [smem:$0x3FA5]  }
0x30: {  	s3 =	sld [smem:$0x3FA8]  }
0x31: {  	[smem:$0x3FB1] =	sst s10  }
0x32: {  	s10 =	sld [smem:$0x3FAF];
	_ =	sdelay $0x3  }
0x33: {  	p0 =	seq.s32 s10, $0x1;
	s10 =	sld [smem:$0x3FB1];
	_ =	sdelay $0x3  }
0x34: {  	[smem:$0x3FB1] =	sst s10  }
0x35: {  	s10 =	sld [smem:$0x3FB0];
	_ =	sdelay $0x3  }
0x36: {  	p1 =	seq.s32 s10, $0x1;
	s10 =	sld [smem:$0x3FB1];
	_ =	sdelay $0x3  }
0x37: {  	[smem:$0x3FB1] =	sst s10  }
0x38: {  	s10 =	sld [smem:$0x3FB2]  }
0x39: {  	_ = 	snop;
	(pc) =	sbr.ind lr, $3  }
0x3a: {  	_ = 	snop  }
0x3b: {  	_ = 	snop  }
0x3c: {  	p2 =	seq.s32 s10, $0x1;
	s10 =	sld [smem:$0x3FB1]  }
0x3d: {  	_ =	shalt  }
0x3e: {  	_ =	shalt  }
0x3f: {  	_ =	shalt  }
0x40: {  	_ =	shalt  }
0x41: {  	_ =	shalt  }
0x42: {  	_ =	shalt  }
0x43: {  	_ =	shalt  }
0x44: {  	_ =	shalt  }
0x45: {  	_ =	shalt  }
0x46: {  	_ =	shalt  }
0x47: {  	_ =	shalt  }
0x48: {  	_ =	shalt  }
0x49: {  	_ =	shalt  }
0x4a: {  	_ =	shalt  }
0x4b: {  	_ =	shalt  }
0x4c: {  	_ =	shalt  }
0x4d: {  	_ =	shalt  }
0x4e: {  	_ =	shalt  }
0x4f: {  	_ =	shalt  }
0x50: {  	_ =	shalt  }
0x51: {  	_ =	shalt  }
0x52: {  	_ =	shalt  }
0x53: {  	_ =	shalt  }
0x54: {  	_ =	shalt  }
0x55: {  	_ =	shalt  }
0x56: {  	_ =	shalt  }
0x57: {  	_ =	shalt  }
0x58: {  	_ =	shalt  }
0x59: {  	_ =	shalt  }
0x5a: {  	_ =	shalt  }
0x5b: {  	_ =	shalt  }
0x5c: {  	_ =	shalt  }
0x5d: {  	_ =	shalt  }
0x5e: {  	_ =	shalt  }
0x5f: {  	_ =	shalt  }
0x60: {  	_ =	shalt  }
0x61: {  	_ =	shalt  }
0x62: {  	_ =	shalt  }
0x63: {  	_ =	shalt  }
0x64: {  	_ =	shalt  }
0x65: {  	_ =	shalt  }
0x66: {  	_ =	shalt  }
0x67: {  	_ =	shalt  }
0x68: {  	_ =	shalt  }
0x69: {  	_ =	shalt  }
0x6a: {  	_ =	shalt  }
0x6b: {  	_ =	shalt  }
0x6c: {  	_ =	shalt  }
0x6d: {  	_ =	shalt  }
0x6e: {  	_ =	shalt  }
0x6f: {  	_ =	shalt  }
0x70: {  	_ =	shalt  }
0x71: {  	_ =	shalt  }
0x72: {  	_ =	shalt  }
0x73: {  	_ =	shalt  }
0x74: {  	_ =	shalt  }
0x75: {  	_ =	shalt  }
0x76: {  	_ =	shalt  }
0x77: {  	_ =	shalt  }
0x78: {  	_ =	shalt  }
0x79: {  	_ =	shalt  }
0x7a: {  	_ =	shalt  }
0x7b: {  	_ =	shalt  }
0x7c: {  	_ =	shalt  }
0x7d: {  	_ =	shalt  }
0x7e: {  	_ =	shalt  }
0x7f: {  	_ =	shalt  }
0x80: {  	_ =	shalt  }
0x81: {  	_ =	shalt  }
0x82: {  	_ =	shalt  }
0x83: {  	_ =	shalt  }
0x84: {  	_ =	shalt  }
0x85: {  	_ =	shalt  }
0x86: {  	_ =	shalt  }
0x87: {  	_ =	shalt  }
.Lfunc_end0:
.L_simem_size_0:
called_computation_lowered:
.L_overlay_start_0:
0x88: {  	s2 =	sld [smem:$0x3FD9]  }
0x89: {  	s3 =	sld [smem:$0x3FFE];
	_ =	sdelay $0x1  }
0x8a: {  	s1 =	srdreg.scid  }
0x8b: {  	s0 =	sand.u32 $0x1, s1  }
0x8c: {  	s17 =	sshll.u32 s0, $0xA;
	s2 =	sadd.s32 s3, s2  }
0x8d: {  	s2 =	sadd.s32 s2, s17  }
0x8e: {  	[smem:$0x3FBD] =	sst s2  }
0x8f: {  	_ = 	snop  }
0x90: {  	s2 =	sld [smem:$0x3FD0];
	(tm) =	ssettm $0x1  }
0x91: {  	s18 =	sld [smem:$0x3FFB];
	_ =	sdelay $0x3  }
0x92: {  	_ =	strace s18  }
0x93: {  	s3 =	sld [smem:$0x3FFC];
	_ =	sdelay $0x3  }
0x94: {  	_ =	strace s3  }
0x95: {  	s3 =	sld [smem:$0x3FFD];
	_ =	sdelay $0x3  }
0x96: {  	_ =	strace s3  }
0x97: {  	_ =	strace $0x8FFFFFFF  }
0x98: {  	s19 =	sld [smem:$0x3FDB];
	_ =	sdelay $0x1  }
0x99: {  	s4 =	simm.s32 $_scs_section_size  }
0x9a: {  	s5 =	simm.s32 $_size__tile_overlayer_lowered;
	s6 =	simm.s32 $_tile_overlayer_lowered  }
0x9b: {  	s22 =	simm.s32 $0x1BFF;
	s21 =	sshll.u32 s6, $0x1;
	s3 =	sadd.s32 s4, s19  }
0x9c: {  	s7 =	simm.s32 $0x0;
	s20 =	sshll.u32 s5, $0x1;
	s5 =	sadd.s32 s21, s3  }
0x9d: {  	[timem:s7], [sflag:s22] =	dma.local [hbm:s5], s20  }
0x9e: {  	_ =	swait.ge [sflag:s22], s20  }
0x9f: {  	s4 =	ssub.s32 $0x0, s20;
	[sflag:s22] =	ssyncset.done $0x0  }
0xa0: {  	[sflag:s22] =	ssyncadd.s32 s4;
	_ =	sdelay $0x1  }
0xa1: {  	s23 =	simm.s32 $0x1B8B  }
0xa2: {  	_ =	swait.ge [sflag:s23], $0x1  }
0xa3: {  	[sflag:s23] =	ssyncset.done $0x0  }
0xa4: {  	s25 =	simm.s32 $0x1B8E;
	s24 =	sld [smem:$0x3FFE];
	[sflag:s23] =	ssyncadd.s32 $0xFFFFFFFF  }
0xa5: {  	s26 =	simm.s32 $execute0_lowered;
	[smem:$0x3FD2] =	sst s25  }
0xa6: {  	s5 =	sshll.u32 s26, $0x1;
	_ =	strace $0x80000046;
	[dreg:$0x1] =	wrdreg $0xFFFFFFFF  }
0xa7: {  	s28 =	simm.s32 $_size_execute0_lowered;
	s3 =	sadd.s32 s3, s5;
	[dreg:$0x0] =	wrdreg $0x0  }
0xa8: {  	s5 =	sshll.u32 s28, $0x1;
	[dreg:$0x2] =	wrdreg s3  }
0xa9: {  	[dreg:$0x3] =	wrdreg s5  }
0xaa: {  	[dreg:$0x4] =	wrdreg $0xC0  }
0xab: {  	_ =	task [dreg:s7], $0x5FFFF  }
0xac: {  	[dreg:$0x1] =	wrdreg $0xFFFFFFFF  }
0xad: {  	[dreg:$0x0] =	wrdreg $0x60  }
0xae: {  	[dreg:$0x2] =	wrdreg s24  }
0xaf: {  	[dreg:$0x3] =	wrdreg s2  }
0xb0: {  	[dreg:$0x4] =	wrdreg $0x9  }
0xb1: {  	_ =	task.clear_ibuf [dreg:s7], $0x5FFFF;
	_ =	strace $0x90000046  }
0xb2: {  	s29 =	simm.s32 $0x9;
	_ =	strace $0x80000048  }
0xb3: {  	_ =	swait.ge [sflag:s29], $0x1  }
0xb4: {  	[sflag:s29] =	ssyncadd.s32 $0xFFFFFFFF  }
0xb5: {  	_ =	strace $0x90000048  }
0xb6: {  	_ =	sfence  }
0xb7: {  	s30 =	sld [smem:$0x0];
	_ =	sdelay $0x2  }
0xb8: {  	s31 =	sshll.u32 s1, $0xD;
	s1 =	sshrl.u32 s1, $0x2  }
0xb9: {  	s3 =	sand.u32 $0x4000, s31;
	s1 =	sadd.s32 s1, s30  }
0xba: {  	s0 =	sor.u32 s3, s0;
	s1 =	sshll.u32 s1, $0x11  }
0xbb: {  	s0 =	sor.u32 s1, s0  }
0xbc: {  	s0 =	sadd.s32 $0x8F2B, s0  }
0xbd: {  	[sflag:s0] =	ssyncadd.remote.s32 $0x1  }
0xbe: {  	_ =	sfence.sel $0xFFFF  }
0xbf: {  	[dreg:$0x0] =	wrdreg $0xFFFFFFFF;
	(pc) =	sbr.abs _section_cstart, $3  }
0xc0: {  	[dreg:$0x1] =	wrdreg $0xFFFFFFFF  }
0xc1: {  	_ =	task.clear_ibuf [dreg:s7], $0x2FFFF;
	_ =	strace $0x9FFFFFFF  }
0xc2: {  	(tm) =	ssettm $0x7FFFFFFF  }
0xc3: {  	_ =	shalt  }
tec
execute0_lowered:
.L_overlay_start_1:
0x0: {  	(tag) =	ssettag $0x1  }
0x1: {  	s3 =	rddreg [dreg:$0x0]  }
0x2: {  	s4 =	rddreg [dreg:$0x1]  }
0x3: {  	s0 =	rddreg [dreg:$0x2];
	s5 =	srdreg.scid  }
0x4: {  	s2 =	simm.s32 $0x0;
	s1 =	stileid.u32;
	s11 =	simm.s32 $0x0  }
0x5: {  	s5 =	sand.u32 $0x1, s5;
	[smem:$0x7FF] =	sst s2;
	s10 =	smul.u32 $0x9C0, s1  }
0x6: {  	s7 =	sshrl.u32 s1, $0x3;
	s30 =	sshll.u32 s1, $0x7;
	s6 =	smul.u32 $0x27800, s5  }
0x7: {  	s31 =	sshll.u32 s1, $0x4;
	_ =	strace $0x80000047;
	s7 =	smul.u32 $0x13C00, s7  }
0x8: {  	s8 =	ssub.s32 $0x2, s5;
	p0 =	seq.s32 s5, $0x0;
	s5 =	sand.u32 $0x380, s30  }
0x9: {  	s9 =	sshrl.u32 s8, $0x1;
	s6 =	sadd.s32 s6, s7;
	s7 =	simm.s32 $0xCA00  }
0xa: {  	s8 =	ssub.s32 s8, s9;
	s5 =	sor.u32 s5, s6;
	s7 =	simm.s32 @!p0 $0x2C00  }
0xb: {  	s9 =	simm.s32 $0x80;
	s5 =	sshrl.u32 s5, $0x3;
	s7 =	sadd.s32 s7, s3  }
0xc: {  	p0 =	sgt.u32 s1, $0x3;
	s3 =	sadd.s32 s4, s5;
	s6 =	sadd.s32 s31, s7  }
0xd: {  	s4 =	smax.u32 s8, $0x1;
	s5 =	sadd.s32 s7, s10;
	s7 =	simm.s32 $0x1  }
0xe: {  	v0 =	vimm.f32 $0.0e+00;
	v1 =	vimm.f32 $1.000000000e+00;
	s8 =	simm.s32 $0x4E00;
	s10 =	simm.s32 $0x400;
	s6 =	sadd.s32 $0x9C00, s6  }
.LBB2_1:
0xf: {  	[tilespmem:s2], [sflag:$0x1] =	stream.linear.gather [hbm4b:s5+s2], $0x4E00, $0x38;
	[tilespmem:$0x7580] =	vst v63  }
0x10: {  	_ =	swait.ge [sflag:s7], $0x4E00  }
0x11: {  	[sflag:s7] =	ssyncset.done $0x0  }
0x12: {  	s12 =	simm.s32 $0x4E40;
	[sflag:s7] =	ssyncadd.s32 $0xFFFFB200  }
0x13: {  	[tilespmem:s12+$0xFFFFFFC0] =	vst v0  }
0x14: {  	[tilespmem:s12+$0x30] =	vst v0  }
0x15: {  	[tilespmem:s12+$0x20] =	vst v0  }
0x16: {  	[tilespmem:s12+$0x10] =	vst v0  }
0x17: {  	[tilespmem:s12+$0x0] =	vst v0  }
0x18: {  	[tilespmem:s12+$0xFFFFFFF0] =	vst v0  }
0x19: {  	s13 =	simm.s32 $0x0;
	[tilespmem:s12+$0xFFFFFFE0] =	vst v0  }
.LBB2_2:
0x1a: {  	s13 =	sadd.s32 $0x8, s13;
	[tilespmem:s12+$0xFFFFFFD0] =	vst v0;
	s12 =	sadd.s32 $0x80, s12  }
0x1b: {  	[tilespmem:s12+$0xFFFFFFC0] =	vst v0;
	p1 =	slt.u32 s13, $0x268  }
0x1c: {  	[tilespmem:s12+$0x30] =	vst v0  }
.Ltmp0:
0x1d: {  	[tilespmem:s12+$0x20] =	vst v0;
	(pc) =	sbr.rel @p1 .LBB2_2-.Ltmp0, $4  }
0x1e: {  	[tilespmem:s12+$0x10] =	vst v0  }
0x1f: {  	[tilespmem:s12+$0x0] =	vst v0  }
0x20: {  	[tilespmem:s12+$0xFFFFFFF0] =	vst v0  }
0x21: {  	[tilespmem:s12+$0xFFFFFFE0] =	vst v0  }
0x22: {  	[tilespmem:s12+$0xFFFFFFD0] =	vst v0  }
0x23: {  	[tilespmem:$0x7500] =	vst v0  }
0x24: {  	s12 =	simm.s32 $0xFFFFFFF8;
	s13 =	simm.s32 $0x40;
	[tilespmem:$0x7510] =	vst v0  }
.LBB2_4:
0x25: {  	v2 =	vld [tilespmem:s13+$0xFFFFFFC0];
	_ =	sdelay $0x7  }
0x26: {  	[tilespmem:v2+s8+$0x0] =	vst.idx.add.f32.msk $0xffff, v1  }
0x27: {  	v2 =	vld [tilespmem:s13+$0xFFFFFFD0];
	_ =	sdelay $0x7  }
0x28: {  	[tilespmem:v2+s8+$0x0] =	vst.idx.add.f32.msk $0xffff, v1  }
0x29: {  	v2 =	vld [tilespmem:s13+$0xFFFFFFE0];
	_ =	sdelay $0x7  }
0x2a: {  	[tilespmem:v2+s8+$0x0] =	vst.idx.add.f32.msk $0xffff, v1  }
0x2b: {  	v2 =	vld [tilespmem:s13+$0xFFFFFFF0];
	_ =	sdelay $0x7  }
0x2c: {  	[tilespmem:v2+s8+$0x0] =	vst.idx.add.f32.msk $0xffff, v1  }
0x2d: {  	v2 =	vld [tilespmem:s13+$0x0];
	_ =	sdelay $0x7  }
0x2e: {  	[tilespmem:v2+s8+$0x0] =	vst.idx.add.f32.msk $0xffff, v1  }
0x2f: {  	v2 =	vld [tilespmem:s13+$0x10];
	_ =	sdelay $0x7  }
0x30: {  	[tilespmem:v2+s8+$0x0] =	vst.idx.add.f32.msk $0xffff, v1  }
0x31: {  	v2 =	vld [tilespmem:s13+$0x20];
	_ =	sdelay $0x7  }
0x32: {  	[tilespmem:v2+s8+$0x0] =	vst.idx.add.f32.msk $0xffff, v1  }
0x33: {  	v2 =	vld [tilespmem:s13+$0x30];
	_ =	sdelay $0x1  }
0x34: {  	s12 =	sadd.s32 $0x8, s12  }
0x35: {  	p1 =	slt.u32 s12, $0x4D8  }
.Ltmp1:
0x36: {  	_ = 	snop;
	(pc) =	sbr.rel @p1 .LBB2_4-.Ltmp1, $2  }
0x37: {  	_ =	sdelay $0x2  }
0x38: {  	s13 =	sadd.s32 $0x80, s13;
	[tilespmem:v2+s8+$0x0] =	vst.idx.add.f32.msk $0xffff, v1  }
0x39: {  	s12 =	simm.s32 @!p0 $0x0  }
0x3a: {  	[tilespmem:s12], [sflag:$0x1] =	stream.linear.gather @!p0 [hbm4b:s6+s12], $0x80, $0x38;
	[tilespmem:$0x7580] =	vst v63  }
0x3b: {  	s12 =	simm.s32 @!p0 $0x1  }
0x3c: {  	_ =	swait.ge @!p0 [sflag:s12], $0x80  }
0x3d: {  	[sflag:s12] =	ssyncset.done @!p0 $0x0  }
0x3e: {  	[sflag:s12] =	ssyncadd.s32 @!p0 $0xFFFFFF80  }
0x3f: {  	v2 =	vld @!p0 [tilespmem:$0x0];
	_ =	sdelay $0x6  }
0x40: {  	v3 =	vimm.f32 @!p0 $1.000000000e+00;
	s12 =	simm.s32 @!p0 $0x4E00  }
0x41: {  	[tilespmem:v2+s12+$0x0] =	vst.idx.add.f32.msk @!p0 $0xffff, v3  }
0x42: {  	v2 =	vld @!p0 [tilespmem:$0x10];
	_ =	sdelay $0x7  }
0x43: {  	[tilespmem:v2+s12+$0x0] =	vst.idx.add.f32.msk @!p0 $0xffff, v3  }
0x44: {  	v2 =	vld @!p0 [tilespmem:$0x20];
	_ =	sdelay $0x7  }
0x45: {  	[tilespmem:v2+s12+$0x0] =	vst.idx.add.f32.msk @!p0 $0xffff, v3  }
0x46: {  	v2 =	vld @!p0 [tilespmem:$0x30];
	_ =	sdelay $0x7  }
0x47: {  	[tilespmem:v2+s12+$0x0] =	vst.idx.add.f32.msk @!p0 $0xffff, v3  }
0x48: {  	v2 =	vld @!p0 [tilespmem:$0x40];
	_ =	sdelay $0x7  }
0x49: {  	[tilespmem:v2+s12+$0x0] =	vst.idx.add.f32.msk @!p0 $0xffff, v3  }
0x4a: {  	v2 =	vld @!p0 [tilespmem:$0x50];
	_ =	sdelay $0x7  }
0x4b: {  	[tilespmem:v2+s12+$0x0] =	vst.idx.add.f32.msk @!p0 $0xffff, v3  }
0x4c: {  	v2 =	vld @!p0 [tilespmem:$0x60];
	_ =	sdelay $0x7  }
0x4d: {  	[tilespmem:v2+s12+$0x0] =	vst.idx.add.f32.msk @!p0 $0xffff, v3  }
0x4e: {  	v2 =	vld @!p0 [tilespmem:$0x70];
	_ =	sdelay $0x5  }
0x4f: {  	s11 =	sadd.s32 $0x1, s11  }
0x50: {  	p1 =	sne.s32 s11, s4  }
.Ltmp2:
0x51: {  	[tilespmem:v2+s12+$0x0] =	vst.idx.add.f32.msk @!p0 $0xffff, v3;
	(pc) =	sbr.rel @p1 .LBB2_1-.Ltmp2, $4  }
0x52: {  	[hbm4b:s3+s9] =	stream.strided.scatter [tilespmem:s8], [sflag:$0x1], $0x2780, s10, s9, $0x38;
	[tilespmem:$0x7580] =	vst v63  }
0x53: {  	_ =	swait.ge [sflag:s7], $0x2780  }
0x54: {  	[sflag:s7] =	ssyncset.done $0x0  }
0x55: {  	[sflag:s7] =	ssyncadd.s32 $0xFFFFD880  }
0x56: {  	_ =	sfence.sel $0x180000  }
0x57: {  	[bflag:$0x0] =	sbarrier.arrive $0xFFFF  }
0x58: {  	p0 =	sne.s32 s1, $0x0;
	_ =	strace $0x90000047  }
0x59: {  	s0 =	sadd.s32 @!p0 $0x100000, s0;
	[bflag:$0x2] =	sbarrier.arrive $0xFFFF  }
0x5a: {  	[sflag:s0] =	ssyncadd.tile.s32 @!p0 $0x1;
	_ =	shalt  }
.Lfunc_end2:
_tile_overlayer_lowered:
.L_overlay_start_2:
0x5b: {  	(tag) =	ssettag $0x2  }
0x5c: {  	s0 =	rddreg [dreg:$0x0];
	s2 =	stileid.u32  }
0x5d: {  	s1 =	rddreg [dreg:$0x1];
	p0 =	sne.s32 s2, $0x0  }
0x5e: {  	s3 =	rddreg [dreg:$0x2];
	[bflag:$0x3] =	sbarrier.arrive $0xFFFF;
	s2 =	simm.s32 @!p0 $0x1C01  }
0x5f: {  	[timem:s3], [sflag:s2] =	dma.local @!p0 [hbm:s0], s1  }
0x60: {  	s0 =	simm.s32 @!p0 $0x1  }
0x61: {  	_ =	swait.ge @!p0 [sflag:s0], s1  }
0x62: {  	s1 =	ssub.s32 @!p0 $0x0, s1;
	[sflag:s0] =	ssyncset.done @!p0 $0x0  }
0x63: {  	[sflag:s0] =	ssyncadd.s32 @!p0 s1  }
0x64: {  	[bflag:$0x3] =	sbarrier.arrive $0xFFFF  }
0x65: {  	_ =	shalt  }

</sc_bundles>
